<compile_context>
chip_gen: v7x
topology: tpu7x:2x2x1
jax: 0.10.2.dev20260603
libtpu: 0.0.44.dev20260713+nightly
codegen_flags: <defaults>
</compile_context>

<pallas_src>
import functools

import jax
import jax.numpy as jnp
from jax import lax
from jax.experimental import pallas as pl
from jax.experimental.pallas import tpu as pltpu
from jax.experimental.pallas import tpu_sc as plsc

N = 10000
E = 160000
DIN = 256
H = 512

NC = 2
NS = 16
CH = 128
PER_TILE = 10240
E_PAD = PER_TILE * NS
CHUNKS = PER_TILE // CH
ROWS_PER_TILE = 632
N_ACC = ROWS_PER_TILE * NS
NROW = 2
NSRC = 4


def _make_agg(with_counts):
    mesh = plsc.VectorSubcoreMesh(
        core_axis_name="c", subcore_axis_name="s", num_cores=NC, num_subcores=NS
    )
    out_type = jax.ShapeDtypeStruct((4, N_ACC, 128), jnp.float32)
    scratch = (
        [pltpu.VMEM_SHARED((N_ACC, 128), jnp.float32)]
        + [pltpu.VMEM((CHUNKS, CH), jnp.int32)]
        + [pltpu.VMEM((CH,), jnp.int32)] * NSRC
        + [pltpu.VMEM((CH, 128), jnp.float32)] * NROW
        + [pltpu.SemaphoreType.DMA] * (NSRC + 2 * NROW)
    )

    def body(table, src_all, dst, zrows, ones, agg_out, acc,
             dst_vm, *ring):
        srcs = ring[:NSRC]
        rows = ring[NSRC:NSRC + NROW]
        isem = ring[NSRC + NROW:2 * NSRC + NROW]
        gsem = ring[2 * NSRC + NROW:2 * NSRC + 2 * NROW]
        ssem = ring[2 * NSRC + 2 * NROW:]
        c = lax.axis_index("c")
        s = lax.axis_index("s")
        row0 = s * ROWS_PER_TILE

        pltpu.sync_copy(dst.at[s], dst_vm)

        def fire_idx(base, k, slot):
            pltpu.async_copy(
                src_all.at[pl.ds(base + k * CH, CH)], srcs[slot], isem[slot]
            )

        def fire_gather(slot_i, slot_r):
            pltpu.async_copy(table.at[srcs[slot_i]], rows[slot_r],
                             gsem[slot_r])

        def wait_idx(slot):
            pltpu.make_async_copy(src_all.at[pl.ds(0, CH)], srcs[slot],
                                  isem[slot]).wait()

        def wait_gather(slot_i, slot_r):
            pltpu.make_async_copy(table.at[srcs[slot_i]], rows[slot_r],
                                  gsem[slot_r]).wait()

        def fire_scat(k, slot_r):
            pltpu.async_copy(rows[slot_r], acc.at[dst_vm.at[k]],
                             ssem[slot_r], add=True)

        def wait_scat(slot_r):
            pltpu.make_async_copy(rows[slot_r], acc.at[dst_vm.at[0]],
                                  ssem[slot_r]).wait()

        for p in range(2):
            count_pass = with_counts and p == 1
            if with_counts:
                j_table = c
                j_out = c + 2 * p
            else:
                j_table = c * 2 + p
                j_out = j_table
            pltpu.sync_copy(zrows, acc.at[pl.ds(row0, ROWS_PER_TILE)])
            if count_pass:
                pltpu.sync_copy(ones, rows[0])
                plsc.subcore_barrier()

                def cfire(k, carry):
                    fire_scat(k, 0)
                    return carry

                lax.fori_loop(c * (CHUNKS // 2), (c + 1) * (CHUNKS // 2),
                              cfire, 0)

                def cdrain(_, carry):
                    wait_scat(0)
                    return carry

                lax.fori_loop(0, CHUNKS // 2, cdrain, 0)
            else:
                base = j_table * E_PAD + s * PER_TILE
                plsc.subcore_barrier()

                def step(k, b, first=False, wrap=False):
                    kw = (k + 2) % CHUNKS if wrap else k + 2
                    fire_idx(base, kw, (b + 2) % NSRC)
                    if not first:
                        wait_scat((b + 1) % NROW)
                    wait_idx((b + 1) % NSRC)
                    fire_gather((b + 1) % NSRC, (b + 1) % NROW)
                    wait_gather(b % NSRC, b % NROW)
                    fire_scat(k, b % NROW)

                fire_idx(base, 0, 0)
                fire_idx(base, 1, 1)
                wait_idx(0)
                fire_gather(0, 0)
                step(0, 0, first=True)

                def group(k0, carry):
                    for b in range(NSRC):
                        step(k0 * NSRC + 1 + b, 1 + b)
                    return carry

                lax.fori_loop(0, (CHUNKS - 4) // NSRC, group, 0)
                for k in (CHUNKS - 3, CHUNKS - 2, CHUNKS - 1):
                    step(k, k, wrap=True)
                wait_scat((CHUNKS - 1) % NROW)
                wait_idx((CHUNKS + 1) % NSRC)
                wait_gather(CHUNKS % NSRC, CHUNKS % NROW)
            plsc.subcore_barrier()

            pltpu.sync_copy(
                acc.at[pl.ds(row0, ROWS_PER_TILE)],
                agg_out.at[j_out, pl.ds(row0, ROWS_PER_TILE)],
            )
            if p == 0:
                plsc.subcore_barrier()

    return pl.kernel(
        body,
        out_type=out_type,
        mesh=mesh,
        scratch_types=tuple(scratch),
    )


_make_agg = functools.lru_cache(maxsize=None)(_make_agg)


NB = 400
GRID = N // NB


def _mma_body(x_ref, w1r_ref, b1_ref, xb_ref, xt_ref):
    xv = x_ref[...]
    xb_ref[...] = (jnp.dot(xv, w1r_ref[...],
                           preferred_element_type=jnp.float32) + b1_ref[...])
    for jc in range(DIN // 128):
        xt_ref[jc] = xv[:, jc * 128:(jc + 1) * 128]


def _mm1_body(agg_ref, cnt_ref, xb_ref, w1l_ref, ht_ref):
    cnt = cnt_ref[0, :, 0:1] + cnt_ref[1, :, 0:1]
    inv = 1.0 / jnp.maximum(cnt, 1.0)
    h = xb_ref[...]
    for jc in range(DIN // 128):
        a = agg_ref[jc] * inv
        h += jnp.dot(a, w1l_ref[pl.ds(jc * 128, 128), :],
                     preferred_element_type=jnp.float32)
    h = jnp.maximum(h, 0.0)
    for jc in range(H // 128):
        ht_ref[jc] = h[:, jc * 128:(jc + 1) * 128]


def _mmb_body(ht_ref, w2r_ref, b2_ref, hb_ref):
    o = jnp.broadcast_to(b2_ref[...], (NB, H)).astype(jnp.float32)
    for jc in range(H // 128):
        o += jnp.dot(ht_ref[jc], w2r_ref[pl.ds(jc * 128, 128), :],
                     preferred_element_type=jnp.float32)
    hb_ref[...] = o


def _mm2_body(agg_ref, cnt_ref, hb_ref, w2l_ref, out_ref):
    cnt = cnt_ref[0, :, 0:1] + cnt_ref[1, :, 0:1]
    inv = 1.0 / jnp.maximum(cnt, 1.0)
    o = hb_ref[...]
    for jc in range(H // 128):
        a = agg_ref[jc] * inv
        o += jnp.dot(a, w2l_ref[pl.ds(jc * 128, 128), :],
                     preferred_element_type=jnp.float32)
    out_ref[...] = o


_mma = pl.pallas_call(
    _mma_body,
    grid=(GRID,),
    in_specs=[
        pl.BlockSpec((NB, DIN), lambda i: (i, 0)),
        pl.BlockSpec((DIN, H), lambda i: (0, 0)),
        pl.BlockSpec((1, H), lambda i: (0, 0)),
    ],
    out_specs=[
        pl.BlockSpec((NB, H), lambda i: (i, 0)),
        pl.BlockSpec((DIN // 128, NB, 128), lambda i: (0, i, 0)),
    ],
    out_shape=[
        jax.ShapeDtypeStruct((N, H), jnp.float32),
        jax.ShapeDtypeStruct((DIN // 128, N, 128), jnp.float32),
    ],
)

_mm1 = pl.pallas_call(
    _mm1_body,
    grid=(GRID,),
    in_specs=[
        pl.BlockSpec((DIN // 128, NB, 128), lambda i: (0, i, 0)),
        pl.BlockSpec((2, NB, 128), lambda i: (1, i, 0)),
        pl.BlockSpec((NB, H), lambda i: (i, 0)),
        pl.BlockSpec((DIN, H), lambda i: (0, 0)),
    ],
    out_specs=pl.BlockSpec((H // 128, NB, 128), lambda i: (0, i, 0)),
    out_shape=jax.ShapeDtypeStruct((H // 128, N, 128), jnp.float32),
)

_mmb = pl.pallas_call(
    _mmb_body,
    grid=(GRID,),
    in_specs=[
        pl.BlockSpec((H // 128, NB, 128), lambda i: (0, i, 0)),
        pl.BlockSpec((H, H), lambda i: (0, 0)),
        pl.BlockSpec((1, H), lambda i: (0, 0)),
    ],
    out_specs=pl.BlockSpec((NB, H), lambda i: (i, 0)),
    out_shape=jax.ShapeDtypeStruct((N, H), jnp.float32),
)

_mm2 = pl.pallas_call(
    _mm2_body,
    grid=(GRID,),
    in_specs=[
        pl.BlockSpec((H // 128, NB, 128), lambda i: (0, i, 0)),
        pl.BlockSpec((2, NB, 128), lambda i: (1, i, 0)),
        pl.BlockSpec((NB, H), lambda i: (i, 0)),
        pl.BlockSpec((H, H), lambda i: (0, 0)),
    ],
    out_specs=pl.BlockSpec((NB, H), lambda i: (i, 0)),
    out_shape=jax.ShapeDtypeStruct((N, H), jnp.float32),
)


def kernel(x, edge_index, W1l, b1, W1r, W2l, b2, W2r):
    src = edge_index[0].astype(jnp.int32)
    dst = edge_index[1].astype(jnp.int32)
    pad = E_PAD - E
    src_pad = jnp.concatenate([src, jnp.zeros((pad,), jnp.int32)])
    dst_pad = jnp.concatenate([dst, jnp.full((pad,), N, jnp.int32)])
    src_all1 = (src_pad[None, :]
                + (jnp.arange(DIN // 128, dtype=jnp.int32) * N)[:, None]).reshape(-1)
    src_all2 = (src_pad[None, :]
                + (jnp.arange(H // 128, dtype=jnp.int32) * N)[:, None]).reshape(-1)
    dst_3d = dst_pad.reshape(NS, CHUNKS, CH)

    zrows = jnp.zeros((ROWS_PER_TILE, 128), jnp.float32)
    ones = jnp.ones((CH, 128), jnp.float32)

    xb, x_t = _mma(x, W1r, b1.reshape(1, H))
    agg1 = _make_agg(True)(x_t.reshape(-1, 128), src_all1, dst_3d, zrows, ones)
    h_t = _mm1(agg1, agg1, xb, W1l)
    hb = _mmb(h_t, W2r, b2.reshape(1, H))
    agg2 = _make_agg(False)(h_t.reshape(-1, 128), src_all2, dst_3d, zrows, ones)
    out = _mm2(agg2, agg1, hb, W2l)
    return out

# --- scband reference (transcript-rebuilt; emitter-appended) ---
"""Pipeline reference for scband-temporal-graph-encoder-81080392614192 (READ-ONLY COPY).

The authoritative reference and input builder live on the scoring server;
editing this copy changes nothing except your own understanding.
"""

import jax, jax.numpy as jnp
import numpy as np

N, E, DIN, H = 10000, 160000, 256, 512

def setup_inputs(seed: int = 0):
    key = jax.random.key(seed)
    ks = jax.random.split(key, 9)
    x = jax.random.normal(ks[0], (N, DIN), dtype=jnp.float32)
    edge_index = jax.random.randint(ks[1], (2, E), 0, N)
    s1 = 1.0 / np.sqrt(DIN)
    s2 = 1.0 / np.sqrt(H)
    W1l = jax.random.uniform(ks[2], (DIN, H), jnp.float32, -s1, s1)
    b1 = jax.random.uniform(ks[3], (H,), jnp.float32, -s1, s1)
    W1r = jax.random.uniform(ks[4], (DIN, H), jnp.float32, -s1, s1)
    W2l = jax.random.uniform(ks[5], (H, H), jnp.float32, -s2, s2)
    b2 = jax.random.uniform(ks[6], (H,), jnp.float32, -s2, s2)
    W2r = jax.random.uniform(ks[7], (H, H), jnp.float32, -s2, s2)
    return {"x": x, "edge_index": edge_index, "W1l": W1l, "b1": b1, "W1r": W1r, "W2l": W2l, "b2": b2, "W2r": W2r}

def _sage_conv(x, edge_index, Wl, b, Wr):
    # PyG SAGEConv with mean aggregation: out = lin_l(mean_{j in N(i)} x_j) + lin_r(x_i)
    src = edge_index[0]
    dst = edge_index[1]
    msg = jnp.take(x, src, axis=0)
    agg = jax.ops.segment_sum(msg, dst, num_segments=x.shape[0])
    cnt = jax.ops.segment_sum(jnp.ones((edge_index.shape[1], 1), x.dtype), dst, num_segments=x.shape[0])
    agg = agg / jnp.maximum(cnt, 1.0)
    return agg @ Wl + b + x @ Wr

def reference(x, edge_index, W1l, b1, W1r, W2l, b2, W2r):
    # GraphSAGE(in_channels, hidden_channels, num_layers=2): two SAGEConvs, ReLU between
    h = _sage_conv(x, edge_index, W1l, b1, W1r)
    h = jax.nn.relu(h)
    out = _sage_conv(h, edge_index, W2l, b2, W2r)
    return out

if __name__ == "__main__":
    import jax
    _d = setup_inputs()
    print(jax.jit(kernel)(*tuple(_d.values())))

</pallas_src>

<mosaic_0001>
#map = affine_map<(d0, d1) -> (0, 0)>
#map1 = affine_map<(d0, d1) -> (0)>
#map2 = affine_map<(d0, d1) -> (0, 0, 0)>
module attributes {stable_mosaic.version = 14 : i64} {
  func.func @body(%arg0: i32, %arg1: i32, %arg2: memref<20000x128xf32, #tpu.memory_space<hbm>>, %arg3: memref<327680xi32, #tpu.memory_space<hbm>>, %arg4: memref<16x80x128xi32, #tpu.memory_space<hbm>>, %arg5: memref<632x128xf32, #tpu.memory_space<hbm>>, %arg6: memref<128x128xf32, #tpu.memory_space<hbm>>, %arg7: memref<4x10112x128xf32, #tpu.memory_space<hbm>>, %arg8: memref<10112x128xf32, #tpu.memory_space<vmem_shared>>, %arg9: memref<80x128xi32, #tpu.memory_space<vmem>>, %arg10: memref<128xi32, #tpu.memory_space<vmem>>, %arg11: memref<128xi32, #tpu.memory_space<vmem>>, %arg12: memref<128xi32, #tpu.memory_space<vmem>>, %arg13: memref<128xi32, #tpu.memory_space<vmem>>, %arg14: memref<128x128xf32, #tpu.memory_space<vmem>>, %arg15: memref<128x128xf32, #tpu.memory_space<vmem>>, %arg16: memref<!tpu.dma_semaphore, #tpu.memory_space<semaphore_mem>>, %arg17: memref<!tpu.dma_semaphore, #tpu.memory_space<semaphore_mem>>, %arg18: memref<!tpu.dma_semaphore, #tpu.memory_space<semaphore_mem>>, %arg19: memref<!tpu.dma_semaphore, #tpu.memory_space<semaphore_mem>>, %arg20: memref<!tpu.dma_semaphore, #tpu.memory_space<semaphore_mem>>, %arg21: memref<!tpu.dma_semaphore, #tpu.memory_space<semaphore_mem>>, %arg22: memref<!tpu.dma_semaphore, #tpu.memory_space<semaphore_mem>>, %arg23: memref<!tpu.dma_semaphore, #tpu.memory_space<semaphore_mem>>) attributes {dimension_semantics = [#tpu.dimension_semantics<core_parallel>, #tpu.dimension_semantics<subcore_parallel>], iteration_bounds = array<i64: 2, 16>, scalar_prefetch = 0 : i64, scratch_operands = 16 : i64, tpu.core_type = #tpu.core_type<sc_vector_subcore>, window_params = [{transform_indices = #map}, {transform_indices = #map1}, {transform_indices = #map2}, {transform_indices = #map}, {transform_indices = #map}, {transform_indices = #map2}]} {
    %mul3A = arith.constant 632 : i32
    %mul3A_0 = arith.muli %arg1, %mul3A : i32
    "tpu.region"() ({
      %run_scoped3A = tpu.sem_alloc : memref<!tpu.dma_semaphore, #tpu.memory_space<semaphore_mem>>
      %dma_start3A_170 = arith.constant 0 : i32
      %dma_start3A_171 = arith.constant 0 : i32
      %dma_start3A_172 = tpu.memref_slice %arg4[%arg1, %dma_start3A_170, %dma_start3A_171] : memref<16x80x128xi32, #tpu.memory_space<hbm>> -> memref<1x80x128xi32, #tpu.memory_space<hbm>>
      %dma_start3A_173 = tpu.memref_squeeze %dma_start3A_172 : memref<1x80x128xi32, #tpu.memory_space<hbm>> -> memref<80x128xi32, #tpu.memory_space<hbm>>
      %dma_start3A_174 = arith.constant 0 : i32
      %dma_start3A_175 = arith.constant 0 : i32
      %dma_start3A_176 = tpu.memref_slice %arg4[%arg1, %dma_start3A_174, %dma_start3A_175] : memref<16x80x128xi32, #tpu.memory_space<hbm>> -> memref<1x80x128xi32, #tpu.memory_space<hbm>>
      %dma_start3A_177 = tpu.memref_squeeze %dma_start3A_176 : memref<1x80x128xi32, #tpu.memory_space<hbm>> -> memref<80x128xi32, #tpu.memory_space<hbm>>
      tpu.enqueue_dma source(%dma_start3A_177 : memref<80x128xi32, #tpu.memory_space<hbm>>) target(%arg9 : memref<80x128xi32, #tpu.memory_space<vmem>>) target_semaphore(%run_scoped3A : memref<!tpu.dma_semaphore, #tpu.memory_space<semaphore_mem>>)
      %dma_wait3A_178 = arith.constant 0 : i32
      %dma_wait3A_179 = arith.constant 0 : i32
      %dma_wait3A_180 = tpu.memref_slice %arg4[%arg1, %dma_wait3A_178, %dma_wait3A_179] : memref<16x80x128xi32, #tpu.memory_space<hbm>> -> memref<1x80x128xi32, #tpu.memory_space<hbm>>
      %dma_wait3A_181 = tpu.memref_squeeze %dma_wait3A_180 : memref<1x80x128xi32, #tpu.memory_space<hbm>> -> memref<80x128xi32, #tpu.memory_space<hbm>>
      %dma_wait3A_182 = arith.constant 0 : i32
      %dma_wait3A_183 = arith.constant 0 : i32
      %dma_wait3A_184 = tpu.memref_slice %arg4[%arg1, %dma_wait3A_182, %dma_wait3A_183] : memref<16x80x128xi32, #tpu.memory_space<hbm>> -> memref<1x80x128xi32, #tpu.memory_space<hbm>>
      %dma_wait3A_185 = tpu.memref_squeeze %dma_wait3A_184 : memref<1x80x128xi32, #tpu.memory_space<hbm>> -> memref<80x128xi32, #tpu.memory_space<hbm>>
      tpu.wait_dma2 semaphore(%run_scoped3A : memref<!tpu.dma_semaphore, #tpu.memory_space<semaphore_mem>>) src(%dma_wait3A_185 : memref<80x128xi32, #tpu.memory_space<hbm>>) dst(%arg9 : memref<80x128xi32, #tpu.memory_space<vmem>>)
      tpu.yield
    }) : () -> ()
    %add3A = arith.constant 0 : i32
    %add3A_1 = arith.addi %arg0, %add3A : i32
    "tpu.region"() ({
      %run_scoped3A = tpu.sem_alloc : memref<!tpu.dma_semaphore, #tpu.memory_space<semaphore_mem>>
      %dma_start3A_170 = arith.constant 0 : i32
      %dma_start3A_171 = tpu.memref_slice %arg8[%mul3A_0, %dma_start3A_170] : memref<10112x128xf32, #tpu.memory_space<vmem_shared>> -> memref<632x128xf32, #tpu.memory_space<vmem_shared>>
      tpu.enqueue_dma source(%arg5 : memref<632x128xf32, #tpu.memory_space<hbm>>) target(%dma_start3A_171 : memref<632x128xf32, #tpu.memory_space<vmem_shared>>) target_semaphore(%run_scoped3A : memref<!tpu.dma_semaphore, #tpu.memory_space<semaphore_mem>>)
      %dma_wait3A_172 = arith.constant 0 : i32
      %dma_wait3A_173 = tpu.memref_slice %arg8[%mul3A_0, %dma_wait3A_172] : memref<10112x128xf32, #tpu.memory_space<vmem_shared>> -> memref<632x128xf32, #tpu.memory_space<vmem_shared>>
      tpu.wait_dma2 semaphore(%run_scoped3A : memref<!tpu.dma_semaphore, #tpu.memory_space<semaphore_mem>>) src(%arg5 : memref<632x128xf32, #tpu.memory_space<hbm>>) dst(%dma_wait3A_173 : memref<632x128xf32, #tpu.memory_space<vmem_shared>>)
      tpu.yield
    }) : () -> ()
    %mul3A_2 = arith.constant 163840 : i32
    %mul3A_3 = arith.muli %arg0, %mul3A_2 : i32
    %mul3A_4 = arith.constant 10240 : i32
    %mul3A_5 = arith.muli %arg1, %mul3A_4 : i32
    %add3A_6 = arith.addi %mul3A_3, %mul3A_5 : i32
    %barrier3A = arith.constant 0 : index
    tpu.barrier barrier_id(%barrier3A)
    %add3A_7 = arith.constant 0 : i32
    %add3A_8 = arith.addi %add3A_6, %add3A_7 : i32
    %dma_start3A = tpu.memref_slice %arg3[%add3A_8] : memref<327680xi32, #tpu.memory_space<hbm>> -> memref<128xi32, #tpu.memory_space<hbm>>
    %dma_start3A_9 = tpu.memref_slice %arg3[%add3A_8] : memref<327680xi32, #tpu.memory_space<hbm>> -> memref<128xi32, #tpu.memory_space<hbm>>
    tpu.enqueue_dma source(%dma_start3A_9 : memref<128xi32, #tpu.memory_space<hbm>>) target(%arg10 : memref<128xi32, #tpu.memory_space<vmem>>) target_semaphore(%arg16 : memref<!tpu.dma_semaphore, #tpu.memory_space<semaphore_mem>>)
    %add3A_10 = arith.constant 128 : i32
    %add3A_11 = arith.addi %add3A_6, %add3A_10 : i32
    %dma_start3A_12 = tpu.memref_slice %arg3[%add3A_11] : memref<327680xi32, #tpu.memory_space<hbm>> -> memref<128xi32, #tpu.memory_space<hbm>>
    %dma_start3A_13 = tpu.memref_slice %arg3[%add3A_11] : memref<327680xi32, #tpu.memory_space<hbm>> -> memref<128xi32, #tpu.memory_space<hbm>>
    tpu.enqueue_dma source(%dma_start3A_13 : memref<128xi32, #tpu.memory_space<hbm>>) target(%arg11 : memref<128xi32, #tpu.memory_space<vmem>>) target_semaphore(%arg17 : memref<!tpu.dma_semaphore, #tpu.memory_space<semaphore_mem>>)
    %dma_wait3A = arith.constant 0 : i32
    %dma_wait3A_14 = tpu.memref_slice %arg3[%dma_wait3A] : memref<327680xi32, #tpu.memory_space<hbm>> -> memref<128xi32, #tpu.memory_space<hbm>>
    %dma_wait3A_15 = arith.constant 0 : i32
    %dma_wait3A_16 = tpu.memref_slice %arg3[%dma_wait3A_15] : memref<327680xi32, #tpu.memory_space<hbm>> -> memref<128xi32, #tpu.memory_space<hbm>>
    tpu.wait_dma2 semaphore(%arg16 : memref<!tpu.dma_semaphore, #tpu.memory_space<semaphore_mem>>) src(%dma_wait3A_16 : memref<128xi32, #tpu.memory_space<hbm>>) dst(%arg10 : memref<128xi32, #tpu.memory_space<vmem>>)
    %dma_start3A_17 = arith.constant 0 : i32
    %dma_start3A_18 = arith.constant 0 : i32
    %dma_start3A_19 = tpu.memref_slice %arg2[%dma_start3A_17, %dma_start3A_18] : memref<20000x128xf32, #tpu.memory_space<hbm>> -> memref<20000x128xf32, #tpu.memory_space<hbm>>
    tpu.enqueue_indirect_dma source(%dma_start3A_19 : memref<20000x128xf32, #tpu.memory_space<hbm>>) target(%arg14 : memref<128x128xf32, #tpu.memory_space<vmem>>) offsets(%arg10 : memref<128xi32, #tpu.memory_space<vmem>>) semaphore(%arg20 : memref<!tpu.dma_semaphore, #tpu.memory_space<semaphore_mem>>)
    %add3A_20 = arith.constant 256 : i32
    %add3A_21 = arith.addi %add3A_6, %add3A_20 : i32
    %dma_start3A_22 = tpu.memref_slice %arg3[%add3A_21] : memref<327680xi32, #tpu.memory_space<hbm>> -> memref<128xi32, #tpu.memory_space<hbm>>
    %dma_start3A_23 = tpu.memref_slice %arg3[%add3A_21] : memref<327680xi32, #tpu.memory_space<hbm>> -> memref<128xi32, #tpu.memory_space<hbm>>
    tpu.enqueue_dma source(%dma_start3A_23 : memref<128xi32, #tpu.memory_space<hbm>>) target(%arg12 : memref<128xi32, #tpu.memory_space<vmem>>) target_semaphore(%arg18 : memref<!tpu.dma_semaphore, #tpu.memory_space<semaphore_mem>>)
    %dma_wait3A_24 = arith.constant 0 : i32
    %dma_wait3A_25 = tpu.memref_slice %arg3[%dma_wait3A_24] : memref<327680xi32, #tpu.memory_space<hbm>> -> memref<128xi32, #tpu.memory_space<hbm>>
    %dma_wait3A_26 = arith.constant 0 : i32
    %dma_wait3A_27 = tpu.memref_slice %arg3[%dma_wait3A_26] : memref<327680xi32, #tpu.memory_space<hbm>> -> memref<128xi32, #tpu.memory_space<hbm>>
    tpu.wait_dma2 semaphore(%arg17 : memref<!tpu.dma_semaphore, #tpu.memory_space<semaphore_mem>>) src(%dma_wait3A_27 : memref<128xi32, #tpu.memory_space<hbm>>) dst(%arg11 : memref<128xi32, #tpu.memory_space<vmem>>)
    %dma_start3A_28 = arith.constant 0 : i32
    %dma_start3A_29 = arith.constant 0 : i32
    %dma_start3A_30 = tpu.memref_slice %arg2[%dma_start3A_28, %dma_start3A_29] : memref<20000x128xf32, #tpu.memory_space<hbm>> -> memref<20000x128xf32, #tpu.memory_space<hbm>>
    tpu.enqueue_indirect_dma source(%dma_start3A_30 : memref<20000x128xf32, #tpu.memory_space<hbm>>) target(%arg15 : memref<128x128xf32, #tpu.memory_space<vmem>>) offsets(%arg11 : memref<128xi32, #tpu.memory_space<vmem>>) semaphore(%arg21 : memref<!tpu.dma_semaphore, #tpu.memory_space<semaphore_mem>>)
    %dma_wait3A_31 = arith.constant 0 : i32
    %dma_wait3A_32 = arith.constant 0 : i32
    %dma_wait3A_33 = tpu.memref_slice %arg2[%dma_wait3A_31, %dma_wait3A_32] : memref<20000x128xf32, #tpu.memory_space<hbm>> -> memref<20000x128xf32, #tpu.memory_space<hbm>>
    tpu.wait_indirect_dma semaphore(%arg20 : memref<!tpu.dma_semaphore, #tpu.memory_space<semaphore_mem>>) src(%dma_wait3A_33 : memref<20000x128xf32, #tpu.memory_space<hbm>>) dst(%arg14 : memref<128x128xf32, #tpu.memory_space<vmem>>)
    %dma_start3A_34 = arith.constant 0 : i32
    %dma_start3A_35 = arith.constant 0 : i32
    %dma_start3A_36 = tpu.memref_slice %arg9[%dma_start3A_34, %dma_start3A_35] : memref<80x128xi32, #tpu.memory_space<vmem>> -> memref<1x128xi32, #tpu.memory_space<vmem>>
    %dma_start3A_37 = tpu.memref_squeeze %dma_start3A_36 : memref<1x128xi32, #tpu.memory_space<vmem>> -> memref<128xi32, #tpu.memory_space<vmem>>
    %dma_start3A_38 = arith.constant 0 : i32
    %dma_start3A_39 = arith.constant 0 : i32
    %dma_start3A_40 = tpu.memref_slice %arg8[%dma_start3A_38, %dma_start3A_39] : memref<10112x128xf32, #tpu.memory_space<vmem_shared>> -> memref<10112x128xf32, #tpu.memory_space<vmem_shared>>
    tpu.enqueue_indirect_dma source(%arg14 : memref<128x128xf32, #tpu.memory_space<vmem>>) target(%dma_start3A_40 : memref<10112x128xf32, #tpu.memory_space<vmem_shared>>) offsets(%dma_start3A_37 : memref<128xi32, #tpu.memory_space<vmem>>) semaphore(%arg22 : memref<!tpu.dma_semaphore, #tpu.memory_space<semaphore_mem>>) {add = true}
    %scan3A = arith.constant 0 : i32
    %scan3A_41 = arith.constant 0 : i32
    %scan3A_42 = arith.constant 19 : i32
    %scan3A_43 = arith.addi %scan3A_41, %scan3A_42 : i32
    %scan3A_44 = arith.constant 1 : i32
    scf.for %scan3A_170 = %scan3A_41 to %scan3A_43 step %scan3A_44  : i32 {
      %mul3A_171 = arith.constant 4 : i32
      %mul3A_172 = arith.muli %scan3A_170, %mul3A_171 : i32
      %add3A_173 = arith.constant 1 : i32
      %add3A_174 = arith.addi %mul3A_172, %add3A_173 : i32
      %add3A_175 = arith.constant 0 : i32
      %add3A_176 = arith.addi %add3A_174, %add3A_175 : i32
      %add3A_177 = arith.constant 2 : i32
      %add3A_178 = arith.addi %add3A_176, %add3A_177 : i32
      %mul3A_179 = arith.constant 128 : i32
      %mul3A_180 = arith.muli %add3A_178, %mul3A_179 : i32
      %add3A_181 = arith.addi %add3A_6, %mul3A_180 : i32
      %dma_start3A_182 = tpu.memref_slice %arg3[%add3A_181] : memref<327680xi32, #tpu.memory_space<hbm>> -> memref<128xi32, #tpu.memory_space<hbm>>
      %dma_start3A_183 = tpu.memref_slice %arg3[%add3A_181] : memref<327680xi32, #tpu.memory_space<hbm>> -> memref<128xi32, #tpu.memory_space<hbm>>
      tpu.enqueue_dma source(%dma_start3A_183 : memref<128xi32, #tpu.memory_space<hbm>>) target(%arg13 : memref<128xi32, #tpu.memory_space<vmem>>) target_semaphore(%arg19 : memref<!tpu.dma_semaphore, #tpu.memory_space<semaphore_mem>>)
      %dma_wait3A_184 = arith.constant 0 : i32
      %dma_wait3A_185 = arith.constant 0 : i32
      %dma_wait3A_186 = tpu.memref_slice %arg9[%dma_wait3A_184, %dma_wait3A_185] : memref<80x128xi32, #tpu.memory_space<vmem>> -> memref<1x128xi32, #tpu.memory_space<vmem>>
      %dma_wait3A_187 = tpu.memref_squeeze %dma_wait3A_186 : memref<1x128xi32, #tpu.memory_space<vmem>> -> memref<128xi32, #tpu.memory_space<vmem>>
      %dma_wait3A_188 = arith.constant 0 : i32
      %dma_wait3A_189 = arith.constant 0 : i32
      %dma_wait3A_190 = tpu.memref_slice %arg8[%dma_wait3A_188, %dma_wait3A_189] : memref<10112x128xf32, #tpu.memory_space<vmem_shared>> -> memref<10112x128xf32, #tpu.memory_space<vmem_shared>>
      tpu.wait_indirect_dma semaphore(%arg22 : memref<!tpu.dma_semaphore, #tpu.memory_space<semaphore_mem>>) src(%arg14 : memref<128x128xf32, #tpu.memory_space<vmem>>) dst(%dma_wait3A_190 : memref<10112x128xf32, #tpu.memory_space<vmem_shared>>)
      %dma_wait3A_191 = arith.constant 0 : i32
      %dma_wait3A_192 = tpu.memref_slice %arg3[%dma_wait3A_191] : memref<327680xi32, #tpu.memory_space<hbm>> -> memref<128xi32, #tpu.memory_space<hbm>>
      %dma_wait3A_193 = arith.constant 0 : i32
      %dma_wait3A_194 = tpu.memref_slice %arg3[%dma_wait3A_193] : memref<327680xi32, #tpu.memory_space<hbm>> -> memref<128xi32, #tpu.memory_space<hbm>>
      tpu.wait_dma2 semaphore(%arg18 : memref<!tpu.dma_semaphore, #tpu.memory_space<semaphore_mem>>) src(%dma_wait3A_194 : memref<128xi32, #tpu.memory_space<hbm>>) dst(%arg12 : memref<128xi32, #tpu.memory_space<vmem>>)
      %dma_start3A_195 = arith.constant 0 : i32
      %dma_start3A_196 = arith.constant 0 : i32
      %dma_start3A_197 = tpu.memref_slice %arg2[%dma_start3A_195, %dma_start3A_196] : memref<20000x128xf32, #tpu.memory_space<hbm>> -> memref<20000x128xf32, #tpu.memory_space<hbm>>
      tpu.enqueue_indirect_dma source(%dma_start3A_197 : memref<20000x128xf32, #tpu.memory_space<hbm>>) target(%arg14 : memref<128x128xf32, #tpu.memory_space<vmem>>) offsets(%arg12 : memref<128xi32, #tpu.memory_space<vmem>>) semaphore(%arg20 : memref<!tpu.dma_semaphore, #tpu.memory_space<semaphore_mem>>)
      %dma_wait3A_198 = arith.constant 0 : i32
      %dma_wait3A_199 = arith.constant 0 : i32
      %dma_wait3A_200 = tpu.memref_slice %arg2[%dma_wait3A_198, %dma_wait3A_199] : memref<20000x128xf32, #tpu.memory_space<hbm>> -> memref<20000x128xf32, #tpu.memory_space<hbm>>
      tpu.wait_indirect_dma semaphore(%arg21 : memref<!tpu.dma_semaphore, #tpu.memory_space<semaphore_mem>>) src(%dma_wait3A_200 : memref<20000x128xf32, #tpu.memory_space<hbm>>) dst(%arg15 : memref<128x128xf32, #tpu.memory_space<vmem>>)
      %dma_start3A_201 = arith.constant 0 : i32
      %dma_start3A_202 = tpu.memref_slice %arg9[%add3A_176, %dma_start3A_201] : memref<80x128xi32, #tpu.memory_space<vmem>> -> memref<1x128xi32, #tpu.memory_space<vmem>>
      %dma_start3A_203 = tpu.memref_squeeze %dma_start3A_202 : memref<1x128xi32, #tpu.memory_space<vmem>> -> memref<128xi32, #tpu.memory_space<vmem>>
      %dma_start3A_204 = arith.constant 0 : i32
      %dma_start3A_205 = arith.constant 0 : i32
      %dma_start3A_206 = tpu.memref_slice %arg8[%dma_start3A_204, %dma_start3A_205] : memref<10112x128xf32, #tpu.memory_space<vmem_shared>> -> memref<10112x128xf32, #tpu.memory_space<vmem_shared>>
      tpu.enqueue_indirect_dma source(%arg15 : memref<128x128xf32, #tpu.memory_space<vmem>>) target(%dma_start3A_206 : memref<10112x128xf32, #tpu.memory_space<vmem_shared>>) offsets(%dma_start3A_203 : memref<128xi32, #tpu.memory_space<vmem>>) semaphore(%arg23 : memref<!tpu.dma_semaphore, #tpu.memory_space<semaphore_mem>>) {add = true}
      %mul3A_207 = arith.constant 4 : i32
      %mul3A_208 = arith.muli %scan3A_170, %mul3A_207 : i32
      %add3A_209 = arith.constant 1 : i32
      %add3A_210 = arith.addi %mul3A_208, %add3A_209 : i32
      %add3A_211 = arith.constant 1 : i32
      %add3A_212 = arith.addi %add3A_210, %add3A_211 : i32
      %add3A_213 = arith.constant 2 : i32
      %add3A_214 = arith.addi %add3A_212, %add3A_213 : i32
      %mul3A_215 = arith.constant 128 : i32
      %mul3A_216 = arith.muli %add3A_214, %mul3A_215 : i32
      %add3A_217 = arith.addi %add3A_6, %mul3A_216 : i32
      %dma_start3A_218 = tpu.memref_slice %arg3[%add3A_217] : memref<327680xi32, #tpu.memory_space<hbm>> -> memref<128xi32, #tpu.memory_space<hbm>>
      %dma_start3A_219 = tpu.memref_slice %arg3[%add3A_217] : memref<327680xi32, #tpu.memory_space<hbm>> -> memref<128xi32, #tpu.memory_space<hbm>>
      tpu.enqueue_dma source(%dma_start3A_219 : memref<128xi32, #tpu.memory_space<hbm>>) target(%arg10 : memref<128xi32, #tpu.memory_space<vmem>>) target_semaphore(%arg16 : memref<!tpu.dma_semaphore, #tpu.memory_space<semaphore_mem>>)
      %dma_wait3A_220 = arith.constant 0 : i32
      %dma_wait3A_221 = arith.constant 0 : i32
      %dma_wait3A_222 = tpu.memref_slice %arg9[%dma_wait3A_220, %dma_wait3A_221] : memref<80x128xi32, #tpu.memory_space<vmem>> -> memref<1x128xi32, #tpu.memory_space<vmem>>
      %dma_wait3A_223 = tpu.memref_squeeze %dma_wait3A_222 : memref<1x128xi32, #tpu.memory_space<vmem>> -> memref<128xi32, #tpu.memory_space<vmem>>
      %dma_wait3A_224 = arith.constant 0 : i32
      %dma_wait3A_225 = arith.constant 0 : i32
      %dma_wait3A_226 = tpu.memref_slice %arg8[%dma_wait3A_224, %dma_wait3A_225] : memref<10112x128xf32, #tpu.memory_space<vmem_shared>> -> memref<10112x128xf32, #tpu.memory_space<vmem_shared>>
      tpu.wait_indirect_dma semaphore(%arg23 : memref<!tpu.dma_semaphore, #tpu.memory_space<semaphore_mem>>) src(%arg15 : memref<128x128xf32, #tpu.memory_space<vmem>>) dst(%dma_wait3A_226 : memref<10112x128xf32, #tpu.memory_space<vmem_shared>>)
      %dma_wait3A_227 = arith.constant 0 : i32
      %dma_wait3A_228 = tpu.memref_slice %arg3[%dma_wait3A_227] : memref<327680xi32, #tpu.memory_space<hbm>> -> memref<128xi32, #tpu.memory_space<hbm>>
      %dma_wait3A_229 = arith.constant 0 : i32
      %dma_wait3A_230 = tpu.memref_slice %arg3[%dma_wait3A_229] : memref<327680xi32, #tpu.memory_space<hbm>> -> memref<128xi32, #tpu.memory_space<hbm>>
      tpu.wait_dma2 semaphore(%arg19 : memref<!tpu.dma_semaphore, #tpu.memory_space<semaphore_mem>>) src(%dma_wait3A_230 : memref<128xi32, #tpu.memory_space<hbm>>) dst(%arg13 : memref<128xi32, #tpu.memory_space<vmem>>)
      %dma_start3A_231 = arith.constant 0 : i32
      %dma_start3A_232 = arith.constant 0 : i32
      %dma_start3A_233 = tpu.memref_slice %arg2[%dma_start3A_231, %dma_start3A_232] : memref<20000x128xf32, #tpu.memory_space<hbm>> -> memref<20000x128xf32, #tpu.memory_space<hbm>>
      tpu.enqueue_indirect_dma source(%dma_start3A_233 : memref<20000x128xf32, #tpu.memory_space<hbm>>) target(%arg15 : memref<128x128xf32, #tpu.memory_space<vmem>>) offsets(%arg13 : memref<128xi32, #tpu.memory_space<vmem>>) semaphore(%arg21 : memref<!tpu.dma_semaphore, #tpu.memory_space<semaphore_mem>>)
      %dma_wait3A_234 = arith.constant 0 : i32
      %dma_wait3A_235 = arith.constant 0 : i32
      %dma_wait3A_236 = tpu.memref_slice %arg2[%dma_wait3A_234, %dma_wait3A_235] : memref<20000x128xf32, #tpu.memory_space<hbm>> -> memref<20000x128xf32, #tpu.memory_space<hbm>>
      tpu.wait_indirect_dma semaphore(%arg20 : memref<!tpu.dma_semaphore, #tpu.memory_space<semaphore_mem>>) src(%dma_wait3A_236 : memref<20000x128xf32, #tpu.memory_space<hbm>>) dst(%arg14 : memref<128x128xf32, #tpu.memory_space<vmem>>)
      %dma_start3A_237 = arith.constant 0 : i32
      %dma_start3A_238 = tpu.memref_slice %arg9[%add3A_212, %dma_start3A_237] : memref<80x128xi32, #tpu.memory_space<vmem>> -> memref<1x128xi32, #tpu.memory_space<vmem>>
      %dma_start3A_239 = tpu.memref_squeeze %dma_start3A_238 : memref<1x128xi32, #tpu.memory_space<vmem>> -> memref<128xi32, #tpu.memory_space<vmem>>
      %dma_start3A_240 = arith.constant 0 : i32
      %dma_start3A_241 = arith.constant 0 : i32
      %dma_start3A_242 = tpu.memref_slice %arg8[%dma_start3A_240, %dma_start3A_241] : memref<10112x128xf32, #tpu.memory_space<vmem_shared>> -> memref<10112x128xf32, #tpu.memory_space<vmem_shared>>
      tpu.enqueue_indirect_dma source(%arg14 : memref<128x128xf32, #tpu.memory_space<vmem>>) target(%dma_start3A_242 : memref<10112x128xf32, #tpu.memory_space<vmem_shared>>) offsets(%dma_start3A_239 : memref<128xi32, #tpu.memory_space<vmem>>) semaphore(%arg22 : memref<!tpu.dma_semaphore, #tpu.memory_space<semaphore_mem>>) {add = true}
      %mul3A_243 = arith.constant 4 : i32
      %mul3A_244 = arith.muli %scan3A_170, %mul3A_243 : i32
      %add3A_245 = arith.constant 1 : i32
      %add3A_246 = arith.addi %mul3A_244, %add3A_245 : i32
      %add3A_247 = arith.constant 2 : i32
      %add3A_248 = arith.addi %add3A_246, %add3A_247 : i32
      %add3A_249 = arith.constant 2 : i32
      %add3A_250 = arith.addi %add3A_248, %add3A_249 : i32
      %mul3A_251 = arith.constant 128 : i32
      %mul3A_252 = arith.muli %add3A_250, %mul3A_251 : i32
      %add3A_253 = arith.addi %add3A_6, %mul3A_252 : i32
      %dma_start3A_254 = tpu.memref_slice %arg3[%add3A_253] : memref<327680xi32, #tpu.memory_space<hbm>> -> memref<128xi32, #tpu.memory_space<hbm>>
      %dma_start3A_255 = tpu.memref_slice %arg3[%add3A_253] : memref<327680xi32, #tpu.memory_space<hbm>> -> memref<128xi32, #tpu.memory_space<hbm>>
      tpu.enqueue_dma source(%dma_start3A_255 : memref<128xi32, #tpu.memory_space<hbm>>) target(%arg11 : memref<128xi32, #tpu.memory_space<vmem>>) target_semaphore(%arg17 : memref<!tpu.dma_semaphore, #tpu.memory_space<semaphore_mem>>)
      %dma_wait3A_256 = arith.constant 0 : i32
      %dma_wait3A_257 = arith.constant 0 : i32
      %dma_wait3A_258 = tpu.memref_slice %arg9[%dma_wait3A_256, %dma_wait3A_257] : memref<80x128xi32, #tpu.memory_space<vmem>> -> memref<1x128xi32, #tpu.memory_space<vmem>>
      %dma_wait3A_259 = tpu.memref_squeeze %dma_wait3A_258 : memref<1x128xi32, #tpu.memory_space<vmem>> -> memref<128xi32, #tpu.memory_space<vmem>>
      %dma_wait3A_260 = arith.constant 0 : i32
      %dma_wait3A_261 = arith.constant 0 : i32
      %dma_wait3A_262 = tpu.memref_slice %arg8[%dma_wait3A_260, %dma_wait3A_261] : memref<10112x128xf32, #tpu.memory_space<vmem_shared>> -> memref<10112x128xf32, #tpu.memory_space<vmem_shared>>
      tpu.wait_indirect_dma semaphore(%arg22 : memref<!tpu.dma_semaphore, #tpu.memory_space<semaphore_mem>>) src(%arg14 : memref<128x128xf32, #tpu.memory_space<vmem>>) dst(%dma_wait3A_262 : memref<10112x128xf32, #tpu.memory_space<vmem_shared>>)
      %dma_wait3A_263 = arith.constant 0 : i32
      %dma_wait3A_264 = tpu.memref_slice %arg3[%dma_wait3A_263] : memref<327680xi32, #tpu.memory_space<hbm>> -> memref<128xi32, #tpu.memory_space<hbm>>
      %dma_wait3A_265 = arith.constant 0 : i32
      %dma_wait3A_266 = tpu.memref_slice %arg3[%dma_wait3A_265] : memref<327680xi32, #tpu.memory_space<hbm>> -> memref<128xi32, #tpu.memory_space<hbm>>
      tpu.wait_dma2 semaphore(%arg16 : memref<!tpu.dma_semaphore, #tpu.memory_space<semaphore_mem>>) src(%dma_wait3A_266 : memref<128xi32, #tpu.memory_space<hbm>>) dst(%arg10 : memref<128xi32, #tpu.memory_space<vmem>>)
      %dma_start3A_267 = arith.constant 0 : i32
      %dma_start3A_268 = arith.constant 0 : i32
      %dma_start3A_269 = tpu.memref_slice %arg2[%dma_start3A_267, %dma_start3A_268] : memref<20000x128xf32, #tpu.memory_space<hbm>> -> memref<20000x128xf32, #tpu.memory_space<hbm>>
      tpu.enqueue_indirect_dma source(%dma_start3A_269 : memref<20000x128xf32, #tpu.memory_space<hbm>>) target(%arg14 : memref<128x128xf32, #tpu.memory_space<vmem>>) offsets(%arg10 : memref<128xi32, #tpu.memory_space<vmem>>) semaphore(%arg20 : memref<!tpu.dma_semaphore, #tpu.memory_space<semaphore_mem>>)
      %dma_wait3A_270 = arith.constant 0 : i32
      %dma_wait3A_271 = arith.constant 0 : i32
      %dma_wait3A_272 = tpu.memref_slice %arg2[%dma_wait3A_270, %dma_wait3A_271] : memref<20000x128xf32, #tpu.memory_space<hbm>> -> memref<20000x128xf32, #tpu.memory_space<hbm>>
      tpu.wait_indirect_dma semaphore(%arg21 : memref<!tpu.dma_semaphore, #tpu.memory_space<semaphore_mem>>) src(%dma_wait3A_272 : memref<20000x128xf32, #tpu.memory_space<hbm>>) dst(%arg15 : memref<128x128xf32, #tpu.memory_space<vmem>>)
      %dma_start3A_273 = arith.constant 0 : i32
      %dma_start3A_274 = tpu.memref_slice %arg9[%add3A_248, %dma_start3A_273] : memref<80x128xi32, #tpu.memory_space<vmem>> -> memref<1x128xi32, #tpu.memory_space<vmem>>
      %dma_start3A_275 = tpu.memref_squeeze %dma_start3A_274 : memref<1x128xi32, #tpu.memory_space<vmem>> -> memref<128xi32, #tpu.memory_space<vmem>>
      %dma_start3A_276 = arith.constant 0 : i32
      %dma_start3A_277 = arith.constant 0 : i32
      %dma_start3A_278 = tpu.memref_slice %arg8[%dma_start3A_276, %dma_start3A_277] : memref<10112x128xf32, #tpu.memory_space<vmem_shared>> -> memref<10112x128xf32, #tpu.memory_space<vmem_shared>>
      tpu.enqueue_indirect_dma source(%arg15 : memref<128x128xf32, #tpu.memory_space<vmem>>) target(%dma_start3A_278 : memref<10112x128xf32, #tpu.memory_space<vmem_shared>>) offsets(%dma_start3A_275 : memref<128xi32, #tpu.memory_space<vmem>>) semaphore(%arg23 : memref<!tpu.dma_semaphore, #tpu.memory_space<semaphore_mem>>) {add = true}
      %mul3A_279 = arith.constant 4 : i32
      %mul3A_280 = arith.muli %scan3A_170, %mul3A_279 : i32
      %add3A_281 = arith.constant 1 : i32
      %add3A_282 = arith.addi %mul3A_280, %add3A_281 : i32
      %add3A_283 = arith.constant 3 : i32
      %add3A_284 = arith.addi %add3A_282, %add3A_283 : i32
      %add3A_285 = arith.constant 2 : i32
      %add3A_286 = arith.addi %add3A_284, %add3A_285 : i32
      %mul3A_287 = arith.constant 128 : i32
      %mul3A_288 = arith.muli %add3A_286, %mul3A_287 : i32
      %add3A_289 = arith.addi %add3A_6, %mul3A_288 : i32
      %dma_start3A_290 = tpu.memref_slice %arg3[%add3A_289] : memref<327680xi32, #tpu.memory_space<hbm>> -> memref<128xi32, #tpu.memory_space<hbm>>
      %dma_start3A_291 = tpu.memref_slice %arg3[%add3A_289] : memref<327680xi32, #tpu.memory_space<hbm>> -> memref<128xi32, #tpu.memory_space<hbm>>
      tpu.enqueue_dma source(%dma_start3A_291 : memref<128xi32, #tpu.memory_space<hbm>>) target(%arg12 : memref<128xi32, #tpu.memory_space<vmem>>) target_semaphore(%arg18 : memref<!tpu.dma_semaphore, #tpu.memory_space<semaphore_mem>>)
      %dma_wait3A_292 = arith.constant 0 : i32
      %dma_wait3A_293 = arith.constant 0 : i32
      %dma_wait3A_294 = tpu.memref_slice %arg9[%dma_wait3A_292, %dma_wait3A_293] : memref<80x128xi32, #tpu.memory_space<vmem>> -> memref<1x128xi32, #tpu.memory_space<vmem>>
      %dma_wait3A_295 = tpu.memref_squeeze %dma_wait3A_294 : memref<1x128xi32, #tpu.memory_space<vmem>> -> memref<128xi32, #tpu.memory_space<vmem>>
      %dma_wait3A_296 = arith.constant 0 : i32
      %dma_wait3A_297 = arith.constant 0 : i32
      %dma_wait3A_298 = tpu.memref_slice %arg8[%dma_wait3A_296, %dma_wait3A_297] : memref<10112x128xf32, #tpu.memory_space<vmem_shared>> -> memref<10112x128xf32, #tpu.memory_space<vmem_shared>>
      tpu.wait_indirect_dma semaphore(%arg23 : memref<!tpu.dma_semaphore, #tpu.memory_space<semaphore_mem>>) src(%arg15 : memref<128x128xf32, #tpu.memory_space<vmem>>) dst(%dma_wait3A_298 : memref<10112x128xf32, #tpu.memory_space<vmem_shared>>)
      %dma_wait3A_299 = arith.constant 0 : i32
      %dma_wait3A_300 = tpu.memref_slice %arg3[%dma_wait3A_299] : memref<327680xi32, #tpu.memory_space<hbm>> -> memref<128xi32, #tpu.memory_space<hbm>>
      %dma_wait3A_301 = arith.constant 0 : i32
      %dma_wait3A_302 = tpu.memref_slice %arg3[%dma_wait3A_301] : memref<327680xi32, #tpu.memory_space<hbm>> -> memref<128xi32, #tpu.memory_space<hbm>>
      tpu.wait_dma2 semaphore(%arg17 : memref<!tpu.dma_semaphore, #tpu.memory_space<semaphore_mem>>) src(%dma_wait3A_302 : memref<128xi32, #tpu.memory_space<hbm>>) dst(%arg11 : memref<128xi32, #tpu.memory_space<vmem>>)
      %dma_start3A_303 = arith.constant 0 : i32
      %dma_start3A_304 = arith.constant 0 : i32
      %dma_start3A_305 = tpu.memref_slice %arg2[%dma_start3A_303, %dma_start3A_304] : memref<20000x128xf32, #tpu.memory_space<hbm>> -> memref<20000x128xf32, #tpu.memory_space<hbm>>
      tpu.enqueue_indirect_dma source(%dma_start3A_305 : memref<20000x128xf32, #tpu.memory_space<hbm>>) target(%arg15 : memref<128x128xf32, #tpu.memory_space<vmem>>) offsets(%arg11 : memref<128xi32, #tpu.memory_space<vmem>>) semaphore(%arg21 : memref<!tpu.dma_semaphore, #tpu.memory_space<semaphore_mem>>)
      %dma_wait3A_306 = arith.constant 0 : i32
      %dma_wait3A_307 = arith.constant 0 : i32
      %dma_wait3A_308 = tpu.memref_slice %arg2[%dma_wait3A_306, %dma_wait3A_307] : memref<20000x128xf32, #tpu.memory_space<hbm>> -> memref<20000x128xf32, #tpu.memory_space<hbm>>
      tpu.wait_indirect_dma semaphore(%arg20 : memref<!tpu.dma_semaphore, #tpu.memory_space<semaphore_mem>>) src(%dma_wait3A_308 : memref<20000x128xf32, #tpu.memory_space<hbm>>) dst(%arg14 : memref<128x128xf32, #tpu.memory_space<vmem>>)
      %dma_start3A_309 = arith.constant 0 : i32
      %dma_start3A_310 = tpu.memref_slice %arg9[%add3A_284, %dma_start3A_309] : memref<80x128xi32, #tpu.memory_space<vmem>> -> memref<1x128xi32, #tpu.memory_space<vmem>>
      %dma_start3A_311 = tpu.memref_squeeze %dma_start3A_310 : memref<1x128xi32, #tpu.memory_space<vmem>> -> memref<128xi32, #tpu.memory_space<vmem>>
      %dma_start3A_312 = arith.constant 0 : i32
      %dma_start3A_313 = arith.constant 0 : i32
      %dma_start3A_314 = tpu.memref_slice %arg8[%dma_start3A_312, %dma_start3A_313] : memref<10112x128xf32, #tpu.memory_space<vmem_shared>> -> memref<10112x128xf32, #tpu.memory_space<vmem_shared>>
      tpu.enqueue_indirect_dma source(%arg14 : memref<128x128xf32, #tpu.memory_space<vmem>>) target(%dma_start3A_314 : memref<10112x128xf32, #tpu.memory_space<vmem_shared>>) offsets(%dma_start3A_311 : memref<128xi32, #tpu.memory_space<vmem>>) semaphore(%arg22 : memref<!tpu.dma_semaphore, #tpu.memory_space<semaphore_mem>>) {add = true}
    }
    %scan3A_45 = arith.constant 19 : i32
    %add3A_46 = arith.constant 10112 : i32
    %add3A_47 = arith.addi %add3A_6, %add3A_46 : i32
    %dma_start3A_48 = tpu.memref_slice %arg3[%add3A_47] : memref<327680xi32, #tpu.memory_space<hbm>> -> memref<128xi32, #tpu.memory_space<hbm>>
    %dma_start3A_49 = tpu.memref_slice %arg3[%add3A_47] : memref<327680xi32, #tpu.memory_space<hbm>> -> memref<128xi32, #tpu.memory_space<hbm>>
    tpu.enqueue_dma source(%dma_start3A_49 : memref<128xi32, #tpu.memory_space<hbm>>) target(%arg13 : memref<128xi32, #tpu.memory_space<vmem>>) target_semaphore(%arg19 : memref<!tpu.dma_semaphore, #tpu.memory_space<semaphore_mem>>)
    %dma_wait3A_50 = arith.constant 0 : i32
    %dma_wait3A_51 = arith.constant 0 : i32
    %dma_wait3A_52 = tpu.memref_slice %arg9[%dma_wait3A_50, %dma_wait3A_51] : memref<80x128xi32, #tpu.memory_space<vmem>> -> memref<1x128xi32, #tpu.memory_space<vmem>>
    %dma_wait3A_53 = tpu.memref_squeeze %dma_wait3A_52 : memref<1x128xi32, #tpu.memory_space<vmem>> -> memref<128xi32, #tpu.memory_space<vmem>>
    %dma_wait3A_54 = arith.constant 0 : i32
    %dma_wait3A_55 = arith.constant 0 : i32
    %dma_wait3A_56 = tpu.memref_slice %arg8[%dma_wait3A_54, %dma_wait3A_55] : memref<10112x128xf32, #tpu.memory_space<vmem_shared>> -> memref<10112x128xf32, #tpu.memory_space<vmem_shared>>
    tpu.wait_indirect_dma semaphore(%arg22 : memref<!tpu.dma_semaphore, #tpu.memory_space<semaphore_mem>>) src(%arg14 : memref<128x128xf32, #tpu.memory_space<vmem>>) dst(%dma_wait3A_56 : memref<10112x128xf32, #tpu.memory_space<vmem_shared>>)
    %dma_wait3A_57 = arith.constant 0 : i32
    %dma_wait3A_58 = tpu.memref_slice %arg3[%dma_wait3A_57] : memref<327680xi32, #tpu.memory_space<hbm>> -> memref<128xi32, #tpu.memory_space<hbm>>
    %dma_wait3A_59 = arith.constant 0 : i32
    %dma_wait3A_60 = tpu.memref_slice %arg3[%dma_wait3A_59] : memref<327680xi32, #tpu.memory_space<hbm>> -> memref<128xi32, #tpu.memory_space<hbm>>
    tpu.wait_dma2 semaphore(%arg18 : memref<!tpu.dma_semaphore, #tpu.memory_space<semaphore_mem>>) src(%dma_wait3A_60 : memref<128xi32, #tpu.memory_space<hbm>>) dst(%arg12 : memref<128xi32, #tpu.memory_space<vmem>>)
    %dma_start3A_61 = arith.constant 0 : i32
    %dma_start3A_62 = arith.constant 0 : i32
    %dma_start3A_63 = tpu.memref_slice %arg2[%dma_start3A_61, %dma_start3A_62] : memref<20000x128xf32, #tpu.memory_space<hbm>> -> memref<20000x128xf32, #tpu.memory_space<hbm>>
    tpu.enqueue_indirect_dma source(%dma_start3A_63 : memref<20000x128xf32, #tpu.memory_space<hbm>>) target(%arg14 : memref<128x128xf32, #tpu.memory_space<vmem>>) offsets(%arg12 : memref<128xi32, #tpu.memory_space<vmem>>) semaphore(%arg20 : memref<!tpu.dma_semaphore, #tpu.memory_space<semaphore_mem>>)
    %dma_wait3A_64 = arith.constant 0 : i32
    %dma_wait3A_65 = arith.constant 0 : i32
    %dma_wait3A_66 = tpu.memref_slice %arg2[%dma_wait3A_64, %dma_wait3A_65] : memref<20000x128xf32, #tpu.memory_space<hbm>> -> memref<20000x128xf32, #tpu.memory_space<hbm>>
    tpu.wait_indirect_dma semaphore(%arg21 : memref<!tpu.dma_semaphore, #tpu.memory_space<semaphore_mem>>) src(%dma_wait3A_66 : memref<20000x128xf32, #tpu.memory_space<hbm>>) dst(%arg15 : memref<128x128xf32, #tpu.memory_space<vmem>>)
    %dma_start3A_67 = arith.constant 77 : i32
    %dma_start3A_68 = arith.constant 0 : i32
    %dma_start3A_69 = tpu.memref_slice %arg9[%dma_start3A_67, %dma_start3A_68] : memref<80x128xi32, #tpu.memory_space<vmem>> -> memref<1x128xi32, #tpu.memory_space<vmem>>
    %dma_start3A_70 = tpu.memref_squeeze %dma_start3A_69 : memref<1x128xi32, #tpu.memory_space<vmem>> -> memref<128xi32, #tpu.memory_space<vmem>>
    %dma_start3A_71 = arith.constant 0 : i32
    %dma_start3A_72 = arith.constant 0 : i32
    %dma_start3A_73 = tpu.memref_slice %arg8[%dma_start3A_71, %dma_start3A_72] : memref<10112x128xf32, #tpu.memory_space<vmem_shared>> -> memref<10112x128xf32, #tpu.memory_space<vmem_shared>>
    tpu.enqueue_indirect_dma source(%arg15 : memref<128x128xf32, #tpu.memory_space<vmem>>) target(%dma_start3A_73 : memref<10112x128xf32, #tpu.memory_space<vmem_shared>>) offsets(%dma_start3A_70 : memref<128xi32, #tpu.memory_space<vmem>>) semaphore(%arg23 : memref<!tpu.dma_semaphore, #tpu.memory_space<semaphore_mem>>) {add = true}
    %add3A_74 = arith.constant 0 : i32
    %add3A_75 = arith.addi %add3A_6, %add3A_74 : i32
    %dma_start3A_76 = tpu.memref_slice %arg3[%add3A_75] : memref<327680xi32, #tpu.memory_space<hbm>> -> memref<128xi32, #tpu.memory_space<hbm>>
    %dma_start3A_77 = tpu.memref_slice %arg3[%add3A_75] : memref<327680xi32, #tpu.memory_space<hbm>> -> memref<128xi32, #tpu.memory_space<hbm>>
    tpu.enqueue_dma source(%dma_start3A_77 : memref<128xi32, #tpu.memory_space<hbm>>) target(%arg10 : memref<128xi32, #tpu.memory_space<vmem>>) target_semaphore(%arg16 : memref<!tpu.dma_semaphore, #tpu.memory_space<semaphore_mem>>)
    %dma_wait3A_78 = arith.constant 0 : i32
    %dma_wait3A_79 = arith.constant 0 : i32
    %dma_wait3A_80 = tpu.memref_slice %arg9[%dma_wait3A_78, %dma_wait3A_79] : memref<80x128xi32, #tpu.memory_space<vmem>> -> memref<1x128xi32, #tpu.memory_space<vmem>>
    %dma_wait3A_81 = tpu.memref_squeeze %dma_wait3A_80 : memref<1x128xi32, #tpu.memory_space<vmem>> -> memref<128xi32, #tpu.memory_space<vmem>>
    %dma_wait3A_82 = arith.constant 0 : i32
    %dma_wait3A_83 = arith.constant 0 : i32
    %dma_wait3A_84 = tpu.memref_slice %arg8[%dma_wait3A_82, %dma_wait3A_83] : memref<10112x128xf32, #tpu.memory_space<vmem_shared>> -> memref<10112x128xf32, #tpu.memory_space<vmem_shared>>
    tpu.wait_indirect_dma semaphore(%arg23 : memref<!tpu.dma_semaphore, #tpu.memory_space<semaphore_mem>>) src(%arg15 : memref<128x128xf32, #tpu.memory_space<vmem>>) dst(%dma_wait3A_84 : memref<10112x128xf32, #tpu.memory_space<vmem_shared>>)
    %dma_wait3A_85 = arith.constant 0 : i32
    %dma_wait3A_86 = tpu.memref_slice %arg3[%dma_wait3A_85] : memref<327680xi32, #tpu.memory_space<hbm>> -> memref<128xi32, #tpu.memory_space<hbm>>
    %dma_wait3A_87 = arith.constant 0 : i32
    %dma_wait3A_88 = tpu.memref_slice %arg3[%dma_wait3A_87] : memref<327680xi32, #tpu.memory_space<hbm>> -> memref<128xi32, #tpu.memory_space<hbm>>
    tpu.wait_dma2 semaphore(%arg19 : memref<!tpu.dma_semaphore, #tpu.memory_space<semaphore_mem>>) src(%dma_wait3A_88 : memref<128xi32, #tpu.memory_space<hbm>>) dst(%arg13 : memref<128xi32, #tpu.memory_space<vmem>>)
    %dma_start3A_89 = arith.constant 0 : i32
    %dma_start3A_90 = arith.constant 0 : i32
    %dma_start3A_91 = tpu.memref_slice %arg2[%dma_start3A_89, %dma_start3A_90] : memref<20000x128xf32, #tpu.memory_space<hbm>> -> memref<20000x128xf32, #tpu.memory_space<hbm>>
    tpu.enqueue_indirect_dma source(%dma_start3A_91 : memref<20000x128xf32, #tpu.memory_space<hbm>>) target(%arg15 : memref<128x128xf32, #tpu.memory_space<vmem>>) offsets(%arg13 : memref<128xi32, #tpu.memory_space<vmem>>) semaphore(%arg21 : memref<!tpu.dma_semaphore, #tpu.memory_space<semaphore_mem>>)
    %dma_wait3A_92 = arith.constant 0 : i32
    %dma_wait3A_93 = arith.constant 0 : i32
    %dma_wait3A_94 = tpu.memref_slice %arg2[%dma_wait3A_92, %dma_wait3A_93] : memref<20000x128xf32, #tpu.memory_space<hbm>> -> memref<20000x128xf32, #tpu.memory_space<hbm>>
    tpu.wait_indirect_dma semaphore(%arg20 : memref<!tpu.dma_semaphore, #tpu.memory_space<semaphore_mem>>) src(%dma_wait3A_94 : memref<20000x128xf32, #tpu.memory_space<hbm>>) dst(%arg14 : memref<128x128xf32, #tpu.memory_space<vmem>>)
    %dma_start3A_95 = arith.constant 78 : i32
    %dma_start3A_96 = arith.constant 0 : i32
    %dma_start3A_97 = tpu.memref_slice %arg9[%dma_start3A_95, %dma_start3A_96] : memref<80x128xi32, #tpu.memory_space<vmem>> -> memref<1x128xi32, #tpu.memory_space<vmem>>
    %dma_start3A_98 = tpu.memref_squeeze %dma_start3A_97 : memref<1x128xi32, #tpu.memory_space<vmem>> -> memref<128xi32, #tpu.memory_space<vmem>>
    %dma_start3A_99 = arith.constant 0 : i32
    %dma_start3A_100 = arith.constant 0 : i32
    %dma_start3A_101 = tpu.memref_slice %arg8[%dma_start3A_99, %dma_start3A_100] : memref<10112x128xf32, #tpu.memory_space<vmem_shared>> -> memref<10112x128xf32, #tpu.memory_space<vmem_shared>>
    tpu.enqueue_indirect_dma source(%arg14 : memref<128x128xf32, #tpu.memory_space<vmem>>) target(%dma_start3A_101 : memref<10112x128xf32, #tpu.memory_space<vmem_shared>>) offsets(%dma_start3A_98 : memref<128xi32, #tpu.memory_space<vmem>>) semaphore(%arg22 : memref<!tpu.dma_semaphore, #tpu.memory_space<semaphore_mem>>) {add = true}
    %add3A_102 = arith.constant 128 : i32
    %add3A_103 = arith.addi %add3A_6, %add3A_102 : i32
    %dma_start3A_104 = tpu.memref_slice %arg3[%add3A_103] : memref<327680xi32, #tpu.memory_space<hbm>> -> memref<128xi32, #tpu.memory_space<hbm>>
    %dma_start3A_105 = tpu.memref_slice %arg3[%add3A_103] : memref<327680xi32, #tpu.memory_space<hbm>> -> memref<128xi32, #tpu.memory_space<hbm>>
    tpu.enqueue_dma source(%dma_start3A_105 : memref<128xi32, #tpu.memory_space<hbm>>) target(%arg11 : memref<128xi32, #tpu.memory_space<vmem>>) target_semaphore(%arg17 : memref<!tpu.dma_semaphore, #tpu.memory_space<semaphore_mem>>)
    %dma_wait3A_106 = arith.constant 0 : i32
    %dma_wait3A_107 = arith.constant 0 : i32
    %dma_wait3A_108 = tpu.memref_slice %arg9[%dma_wait3A_106, %dma_wait3A_107] : memref<80x128xi32, #tpu.memory_space<vmem>> -> memref<1x128xi32, #tpu.memory_space<vmem>>
    %dma_wait3A_109 = tpu.memref_squeeze %dma_wait3A_108 : memref<1x128xi32, #tpu.memory_space<vmem>> -> memref<128xi32, #tpu.memory_space<vmem>>
    %dma_wait3A_110 = arith.constant 0 : i32
    %dma_wait3A_111 = arith.constant 0 : i32
    %dma_wait3A_112 = tpu.memref_slice %arg8[%dma_wait3A_110, %dma_wait3A_111] : memref<10112x128xf32, #tpu.memory_space<vmem_shared>> -> memref<10112x128xf32, #tpu.memory_space<vmem_shared>>
    tpu.wait_indirect_dma semaphore(%arg22 : memref<!tpu.dma_semaphore, #tpu.memory_space<semaphore_mem>>) src(%arg14 : memref<128x128xf32, #tpu.memory_space<vmem>>) dst(%dma_wait3A_112 : memref<10112x128xf32, #tpu.memory_space<vmem_shared>>)
    %dma_wait3A_113 = arith.constant 0 : i32
    %dma_wait3A_114 = tpu.memref_slice %arg3[%dma_wait3A_113] : memref<327680xi32, #tpu.memory_space<hbm>> -> memref<128xi32, #tpu.memory_space<hbm>>
    %dma_wait3A_115 = arith.constant 0 : i32
    %dma_wait3A_116 = tpu.memref_slice %arg3[%dma_wait3A_115] : memref<327680xi32, #tpu.memory_space<hbm>> -> memref<128xi32, #tpu.memory_space<hbm>>
    tpu.wait_dma2 semaphore(%arg16 : memref<!tpu.dma_semaphore, #tpu.memory_space<semaphore_mem>>) src(%dma_wait3A_116 : memref<128xi32, #tpu.memory_space<hbm>>) dst(%arg10 : memref<128xi32, #tpu.memory_space<vmem>>)
    %dma_start3A_117 = arith.constant 0 : i32
    %dma_start3A_118 = arith.constant 0 : i32
    %dma_start3A_119 = tpu.memref_slice %arg2[%dma_start3A_117, %dma_start3A_118] : memref<20000x128xf32, #tpu.memory_space<hbm>> -> memref<20000x128xf32, #tpu.memory_space<hbm>>
    tpu.enqueue_indirect_dma source(%dma_start3A_119 : memref<20000x128xf32, #tpu.memory_space<hbm>>) target(%arg14 : memref<128x128xf32, #tpu.memory_space<vmem>>) offsets(%arg10 : memref<128xi32, #tpu.memory_space<vmem>>) semaphore(%arg20 : memref<!tpu.dma_semaphore, #tpu.memory_space<semaphore_mem>>)
    %dma_wait3A_120 = arith.constant 0 : i32
    %dma_wait3A_121 = arith.constant 0 : i32
    %dma_wait3A_122 = tpu.memref_slice %arg2[%dma_wait3A_120, %dma_wait3A_121] : memref<20000x128xf32, #tpu.memory_space<hbm>> -> memref<20000x128xf32, #tpu.memory_space<hbm>>
    tpu.wait_indirect_dma semaphore(%arg21 : memref<!tpu.dma_semaphore, #tpu.memory_space<semaphore_mem>>) src(%dma_wait3A_122 : memref<20000x128xf32, #tpu.memory_space<hbm>>) dst(%arg15 : memref<128x128xf32, #tpu.memory_space<vmem>>)
    %dma_start3A_123 = arith.constant 79 : i32
    %dma_start3A_124 = arith.constant 0 : i32
    %dma_start3A_125 = tpu.memref_slice %arg9[%dma_start3A_123, %dma_start3A_124] : memref<80x128xi32, #tpu.memory_space<vmem>> -> memref<1x128xi32, #tpu.memory_space<vmem>>
    %dma_start3A_126 = tpu.memref_squeeze %dma_start3A_125 : memref<1x128xi32, #tpu.memory_space<vmem>> -> memref<128xi32, #tpu.memory_space<vmem>>
    %dma_start3A_127 = arith.constant 0 : i32
    %dma_start3A_128 = arith.constant 0 : i32
    %dma_start3A_129 = tpu.memref_slice %arg8[%dma_start3A_127, %dma_start3A_128] : memref<10112x128xf32, #tpu.memory_space<vmem_shared>> -> memref<10112x128xf32, #tpu.memory_space<vmem_shared>>
    tpu.enqueue_indirect_dma source(%arg15 : memref<128x128xf32, #tpu.memory_space<vmem>>) target(%dma_start3A_129 : memref<10112x128xf32, #tpu.memory_space<vmem_shared>>) offsets(%dma_start3A_126 : memref<128xi32, #tpu.memory_space<vmem>>) semaphore(%arg23 : memref<!tpu.dma_semaphore, #tpu.memory_space<semaphore_mem>>) {add = true}
    %dma_wait3A_130 = arith.constant 0 : i32
    %dma_wait3A_131 = arith.constant 0 : i32
    %dma_wait3A_132 = tpu.memref_slice %arg9[%dma_wait3A_130, %dma_wait3A_131] : memref<80x128xi32, #tpu.memory_space<vmem>> -> memref<1x128xi32, #tpu.memory_space<vmem>>
    %dma_wait3A_133 = tpu.memref_squeeze %dma_wait3A_132 : memref<1x128xi32, #tpu.memory_space<vmem>> -> memref<128xi32, #tpu.memory_space<vmem>>
    %dma_wait3A_134 = arith.constant 0 : i32
    %dma_wait3A_135 = arith.constant 0 : i32
    %dma_wait3A_136 = tpu.memref_slice %arg8[%dma_wait3A_134, %dma_wait3A_135] : memref<10112x128xf32, #tpu.memory_space<vmem_shared>> -> memref<10112x128xf32, #tpu.memory_space<vmem_shared>>
    tpu.wait_indirect_dma semaphore(%arg23 : memref<!tpu.dma_semaphore, #tpu.memory_space<semaphore_mem>>) src(%arg15 : memref<128x128xf32, #tpu.memory_space<vmem>>) dst(%dma_wait3A_136 : memref<10112x128xf32, #tpu.memory_space<vmem_shared>>)
    %dma_wait3A_137 = arith.constant 0 : i32
    %dma_wait3A_138 = tpu.memref_slice %arg3[%dma_wait3A_137] : memref<327680xi32, #tpu.memory_space<hbm>> -> memref<128xi32, #tpu.memory_space<hbm>>
    %dma_wait3A_139 = arith.constant 0 : i32
    %dma_wait3A_140 = tpu.memref_slice %arg3[%dma_wait3A_139] : memref<327680xi32, #tpu.memory_space<hbm>> -> memref<128xi32, #tpu.memory_space<hbm>>
    tpu.wait_dma2 semaphore(%arg17 : memref<!tpu.dma_semaphore, #tpu.memory_space<semaphore_mem>>) src(%dma_wait3A_140 : memref<128xi32, #tpu.memory_space<hbm>>) dst(%arg11 : memref<128xi32, #tpu.memory_space<vmem>>)
    %dma_wait3A_141 = arith.constant 0 : i32
    %dma_wait3A_142 = arith.constant 0 : i32
    %dma_wait3A_143 = tpu.memref_slice %arg2[%dma_wait3A_141, %dma_wait3A_142] : memref<20000x128xf32, #tpu.memory_space<hbm>> -> memref<20000x128xf32, #tpu.memory_space<hbm>>
    tpu.wait_indirect_dma semaphore(%arg20 : memref<!tpu.dma_semaphore, #tpu.memory_space<semaphore_mem>>) src(%dma_wait3A_143 : memref<20000x128xf32, #tpu.memory_space<hbm>>) dst(%arg14 : memref<128x128xf32, #tpu.memory_space<vmem>>)
    %barrier3A_144 = arith.constant 0 : index
    tpu.barrier barrier_id(%barrier3A_144)
    "tpu.region"() ({
      %run_scoped3A = tpu.sem_alloc : memref<!tpu.dma_semaphore, #tpu.memory_space<semaphore_mem>>
      %dma_start3A_170 = arith.constant 0 : i32
      %dma_start3A_171 = tpu.memref_slice %arg7[%add3A_1, %mul3A_0, %dma_start3A_170] : memref<4x10112x128xf32, #tpu.memory_space<hbm>> -> memref<1x632x128xf32, #tpu.memory_space<hbm>>
      %dma_start3A_172 = tpu.memref_squeeze %dma_start3A_171 : memref<1x632x128xf32, #tpu.memory_space<hbm>> -> memref<632x128xf32, #tpu.memory_space<hbm>>
      %dma_start3A_173 = arith.constant 0 : i32
      %dma_start3A_174 = tpu.memref_slice %arg8[%mul3A_0, %dma_start3A_173] : memref<10112x128xf32, #tpu.memory_space<vmem_shared>> -> memref<632x128xf32, #tpu.memory_space<vmem_shared>>
      tpu.enqueue_dma source(%dma_start3A_174 : memref<632x128xf32, #tpu.memory_space<vmem_shared>>) target(%dma_start3A_172 : memref<632x128xf32, #tpu.memory_space<hbm>>) target_semaphore(%run_scoped3A : memref<!tpu.dma_semaphore, #tpu.memory_space<semaphore_mem>>)
      %dma_wait3A_175 = arith.constant 0 : i32
      %dma_wait3A_176 = tpu.memref_slice %arg7[%add3A_1, %mul3A_0, %dma_wait3A_175] : memref<4x10112x128xf32, #tpu.memory_space<hbm>> -> memref<1x632x128xf32, #tpu.memory_space<hbm>>
      %dma_wait3A_177 = tpu.memref_squeeze %dma_wait3A_176 : memref<1x632x128xf32, #tpu.memory_space<hbm>> -> memref<632x128xf32, #tpu.memory_space<hbm>>
      %dma_wait3A_178 = arith.constant 0 : i32
      %dma_wait3A_179 = tpu.memref_slice %arg8[%mul3A_0, %dma_wait3A_178] : memref<10112x128xf32, #tpu.memory_space<vmem_shared>> -> memref<632x128xf32, #tpu.memory_space<vmem_shared>>
      tpu.wait_dma2 semaphore(%run_scoped3A : memref<!tpu.dma_semaphore, #tpu.memory_space<semaphore_mem>>) src(%dma_wait3A_179 : memref<632x128xf32, #tpu.memory_space<vmem_shared>>) dst(%dma_wait3A_177 : memref<632x128xf32, #tpu.memory_space<hbm>>)
      tpu.yield
    }) : () -> ()
    %barrier3A_145 = arith.constant 0 : index
    tpu.barrier barrier_id(%barrier3A_145)
    %add3A_146 = arith.constant 2 : i32
    %add3A_147 = arith.addi %arg0, %add3A_146 : i32
    "tpu.region"() ({
      %run_scoped3A = tpu.sem_alloc : memref<!tpu.dma_semaphore, #tpu.memory_space<semaphore_mem>>
      %dma_start3A_170 = arith.constant 0 : i32
      %dma_start3A_171 = tpu.memref_slice %arg8[%mul3A_0, %dma_start3A_170] : memref<10112x128xf32, #tpu.memory_space<vmem_shared>> -> memref<632x128xf32, #tpu.memory_space<vmem_shared>>
      tpu.enqueue_dma source(%arg5 : memref<632x128xf32, #tpu.memory_space<hbm>>) target(%dma_start3A_171 : memref<632x128xf32, #tpu.memory_space<vmem_shared>>) target_semaphore(%run_scoped3A : memref<!tpu.dma_semaphore, #tpu.memory_space<semaphore_mem>>)
      %dma_wait3A_172 = arith.constant 0 : i32
      %dma_wait3A_173 = tpu.memref_slice %arg8[%mul3A_0, %dma_wait3A_172] : memref<10112x128xf32, #tpu.memory_space<vmem_shared>> -> memref<632x128xf32, #tpu.memory_space<vmem_shared>>
      tpu.wait_dma2 semaphore(%run_scoped3A : memref<!tpu.dma_semaphore, #tpu.memory_space<semaphore_mem>>) src(%arg5 : memref<632x128xf32, #tpu.memory_space<hbm>>) dst(%dma_wait3A_173 : memref<632x128xf32, #tpu.memory_space<vmem_shared>>)
      tpu.yield
    }) : () -> ()
    "tpu.region"() ({
      %run_scoped3A = tpu.sem_alloc : memref<!tpu.dma_semaphore, #tpu.memory_space<semaphore_mem>>
      tpu.enqueue_dma source(%arg6 : memref<128x128xf32, #tpu.memory_space<hbm>>) target(%arg14 : memref<128x128xf32, #tpu.memory_space<vmem>>) target_semaphore(%run_scoped3A : memref<!tpu.dma_semaphore, #tpu.memory_space<semaphore_mem>>)
      tpu.wait_dma2 semaphore(%run_scoped3A : memref<!tpu.dma_semaphore, #tpu.memory_space<semaphore_mem>>) src(%arg6 : memref<128x128xf32, #tpu.memory_space<hbm>>) dst(%arg14 : memref<128x128xf32, #tpu.memory_space<vmem>>)
      tpu.yield
    }) : () -> ()
    %barrier3A_148 = arith.constant 0 : index
    tpu.barrier barrier_id(%barrier3A_148)
    %mul3A_149 = arith.constant 40 : i32
    %mul3A_150 = arith.muli %arg0, %mul3A_149 : i32
    %add3A_151 = arith.constant 1 : i32
    %add3A_152 = arith.addi %arg0, %add3A_151 : i32
    %mul3A_153 = arith.constant 40 : i32
    %mul3A_154 = arith.muli %add3A_152, %mul3A_153 : i32
    %while3A = arith.constant 0 : i32
    %while3A_155 = arith.subi %mul3A_154, %mul3A_150 : i32
    %while3A_156 = arith.addi %mul3A_150, %while3A_155 : i32
    %while3A_157 = arith.constant 1 : i32
    %while3A_158 = arith.divsi %while3A_155, %while3A_157 : i32
    %while3A_159 = arith.muli %while3A_158, %while3A_157 : i32
    %while3A_160 = arith.addi %mul3A_150, %while3A_159 : i32
    %while3A_161 = arith.constant 1 : i32
    scf.for %while3A_170 = %mul3A_150 to %while3A_160 step %while3A_161  : i32 {
      %dma_start3A_171 = arith.constant 0 : i32
      %dma_start3A_172 = tpu.memref_slice %arg9[%while3A_170, %dma_start3A_171] : memref<80x128xi32, #tpu.memory_space<vmem>> -> memref<1x128xi32, #tpu.memory_space<vmem>>
      %dma_start3A_173 = tpu.memref_squeeze %dma_start3A_172 : memref<1x128xi32, #tpu.memory_space<vmem>> -> memref<128xi32, #tpu.memory_space<vmem>>
      %dma_start3A_174 = arith.constant 0 : i32
      %dma_start3A_175 = arith.constant 0 : i32
      %dma_start3A_176 = tpu.memref_slice %arg8[%dma_start3A_174, %dma_start3A_175] : memref<10112x128xf32, #tpu.memory_space<vmem_shared>> -> memref<10112x128xf32, #tpu.memory_space<vmem_shared>>
      tpu.enqueue_indirect_dma source(%arg14 : memref<128x128xf32, #tpu.memory_space<vmem>>) target(%dma_start3A_176 : memref<10112x128xf32, #tpu.memory_space<vmem_shared>>) offsets(%dma_start3A_173 : memref<128xi32, #tpu.memory_space<vmem>>) semaphore(%arg22 : memref<!tpu.dma_semaphore, #tpu.memory_space<semaphore_mem>>) {add = true}
    }
    %while3A_162 = arith.constant 1 : i32
    scf.for %while3A_170 = %while3A_160 to %while3A_156 step %while3A_162  : i32 {
      %dma_start3A_171 = arith.constant 0 : i32
      %dma_start3A_172 = tpu.memref_slice %arg9[%while3A_170, %dma_start3A_171] : memref<80x128xi32, #tpu.memory_space<vmem>> -> memref<1x128xi32, #tpu.memory_space<vmem>>
      %dma_start3A_173 = tpu.memref_squeeze %dma_start3A_172 : memref<1x128xi32, #tpu.memory_space<vmem>> -> memref<128xi32, #tpu.memory_space<vmem>>
      %dma_start3A_174 = arith.constant 0 : i32
      %dma_start3A_175 = arith.constant 0 : i32
      %dma_start3A_176 = tpu.memref_slice %arg8[%dma_start3A_174, %dma_start3A_175] : memref<10112x128xf32, #tpu.memory_space<vmem_shared>> -> memref<10112x128xf32, #tpu.memory_space<vmem_shared>>
      tpu.enqueue_indirect_dma source(%arg14 : memref<128x128xf32, #tpu.memory_space<vmem>>) target(%dma_start3A_176 : memref<10112x128xf32, #tpu.memory_space<vmem_shared>>) offsets(%dma_start3A_173 : memref<128xi32, #tpu.memory_space<vmem>>) semaphore(%arg22 : memref<!tpu.dma_semaphore, #tpu.memory_space<semaphore_mem>>) {add = true}
    }
    %scan3A_163 = arith.constant 0 : i32
    %scan3A_164 = arith.constant 0 : i32
    %scan3A_165 = arith.constant 40 : i32
    %scan3A_166 = arith.addi %scan3A_164, %scan3A_165 : i32
    %scan3A_167 = arith.constant 1 : i32
    scf.for %scan3A_170 = %scan3A_164 to %scan3A_166 step %scan3A_167  : i32 {
      %dma_wait3A_171 = arith.constant 0 : i32
      %dma_wait3A_172 = arith.constant 0 : i32
      %dma_wait3A_173 = tpu.memref_slice %arg9[%dma_wait3A_171, %dma_wait3A_172] : memref<80x128xi32, #tpu.memory_space<vmem>> -> memref<1x128xi32, #tpu.memory_space<vmem>>
      %dma_wait3A_174 = tpu.memref_squeeze %dma_wait3A_173 : memref<1x128xi32, #tpu.memory_space<vmem>> -> memref<128xi32, #tpu.memory_space<vmem>>
      %dma_wait3A_175 = arith.constant 0 : i32
      %dma_wait3A_176 = arith.constant 0 : i32
      %dma_wait3A_177 = tpu.memref_slice %arg8[%dma_wait3A_175, %dma_wait3A_176] : memref<10112x128xf32, #tpu.memory_space<vmem_shared>> -> memref<10112x128xf32, #tpu.memory_space<vmem_shared>>
      tpu.wait_indirect_dma semaphore(%arg22 : memref<!tpu.dma_semaphore, #tpu.memory_space<semaphore_mem>>) src(%arg14 : memref<128x128xf32, #tpu.memory_space<vmem>>) dst(%dma_wait3A_177 : memref<10112x128xf32, #tpu.memory_space<vmem_shared>>)
    }
    %scan3A_168 = arith.constant 40 : i32
    %barrier3A_169 = arith.constant 0 : index
    tpu.barrier barrier_id(%barrier3A_169)
    "tpu.region"() ({
      %run_scoped3A = tpu.sem_alloc : memref<!tpu.dma_semaphore, #tpu.memory_space<semaphore_mem>>
      %dma_start3A_170 = arith.constant 0 : i32
      %dma_start3A_171 = tpu.memref_slice %arg7[%add3A_147, %mul3A_0, %dma_start3A_170] : memref<4x10112x128xf32, #tpu.memory_space<hbm>> -> memref<1x632x128xf32, #tpu.memory_space<hbm>>
      %dma_start3A_172 = tpu.memref_squeeze %dma_start3A_171 : memref<1x632x128xf32, #tpu.memory_space<hbm>> -> memref<632x128xf32, #tpu.memory_space<hbm>>
      %dma_start3A_173 = arith.constant 0 : i32
      %dma_start3A_174 = tpu.memref_slice %arg8[%mul3A_0, %dma_start3A_173] : memref<10112x128xf32, #tpu.memory_space<vmem_shared>> -> memref<632x128xf32, #tpu.memory_space<vmem_shared>>
      tpu.enqueue_dma source(%dma_start3A_174 : memref<632x128xf32, #tpu.memory_space<vmem_shared>>) target(%dma_start3A_172 : memref<632x128xf32, #tpu.memory_space<hbm>>) target_semaphore(%run_scoped3A : memref<!tpu.dma_semaphore, #tpu.memory_space<semaphore_mem>>)
      %dma_wait3A_175 = arith.constant 0 : i32
      %dma_wait3A_176 = tpu.memref_slice %arg7[%add3A_147, %mul3A_0, %dma_wait3A_175] : memref<4x10112x128xf32, #tpu.memory_space<hbm>> -> memref<1x632x128xf32, #tpu.memory_space<hbm>>
      %dma_wait3A_177 = tpu.memref_squeeze %dma_wait3A_176 : memref<1x632x128xf32, #tpu.memory_space<hbm>> -> memref<632x128xf32, #tpu.memory_space<hbm>>
      %dma_wait3A_178 = arith.constant 0 : i32
      %dma_wait3A_179 = tpu.memref_slice %arg8[%mul3A_0, %dma_wait3A_178] : memref<10112x128xf32, #tpu.memory_space<vmem_shared>> -> memref<632x128xf32, #tpu.memory_space<vmem_shared>>
      tpu.wait_dma2 semaphore(%run_scoped3A : memref<!tpu.dma_semaphore, #tpu.memory_space<semaphore_mem>>) src(%dma_wait3A_179 : memref<632x128xf32, #tpu.memory_space<vmem_shared>>) dst(%dma_wait3A_177 : memref<632x128xf32, #tpu.memory_space<hbm>>)
      tpu.yield
    }) : () -> ()
    return
  }
}

#map = affine_map<(d0, d1) -> (0, 0)>
#map1 = affine_map<(d0, d1) -> (0)>
#map2 = affine_map<(d0, d1) -> (0, 0, 0)>
module attributes {stable_mosaic.version = 14 : i64} {
  func.func @body(%arg0: i32, %arg1: i32, %arg2: memref<40000x128xf32, #tpu.memory_space<hbm>>, %arg3: memref<655360xi32, #tpu.memory_space<hbm>>, %arg4: memref<16x80x128xi32, #tpu.memory_space<hbm>>, %arg5: memref<632x128xf32, #tpu.memory_space<hbm>>, %arg6: memref<128x128xf32, #tpu.memory_space<hbm>>, %arg7: memref<4x10112x128xf32, #tpu.memory_space<hbm>>, %arg8: memref<10112x128xf32, #tpu.memory_space<vmem_shared>>, %arg9: memref<80x128xi32, #tpu.memory_space<vmem>>, %arg10: memref<128xi32, #tpu.memory_space<vmem>>, %arg11: memref<128xi32, #tpu.memory_space<vmem>>, %arg12: memref<128xi32, #tpu.memory_space<vmem>>, %arg13: memref<128xi32, #tpu.memory_space<vmem>>, %arg14: memref<128x128xf32, #tpu.memory_space<vmem>>, %arg15: memref<128x128xf32, #tpu.memory_space<vmem>>, %arg16: memref<!tpu.dma_semaphore, #tpu.memory_space<semaphore_mem>>, %arg17: memref<!tpu.dma_semaphore, #tpu.memory_space<semaphore_mem>>, %arg18: memref<!tpu.dma_semaphore, #tpu.memory_space<semaphore_mem>>, %arg19: memref<!tpu.dma_semaphore, #tpu.memory_space<semaphore_mem>>, %arg20: memref<!tpu.dma_semaphore, #tpu.memory_space<semaphore_mem>>, %arg21: memref<!tpu.dma_semaphore, #tpu.memory_space<semaphore_mem>>, %arg22: memref<!tpu.dma_semaphore, #tpu.memory_space<semaphore_mem>>, %arg23: memref<!tpu.dma_semaphore, #tpu.memory_space<semaphore_mem>>) attributes {dimension_semantics = [#tpu.dimension_semantics<core_parallel>, #tpu.dimension_semantics<subcore_parallel>], iteration_bounds = array<i64: 2, 16>, scalar_prefetch = 0 : i64, scratch_operands = 16 : i64, tpu.core_type = #tpu.core_type<sc_vector_subcore>, window_params = [{transform_indices = #map}, {transform_indices = #map1}, {transform_indices = #map2}, {transform_indices = #map}, {transform_indices = #map}, {transform_indices = #map2}]} {
    %mul3A = arith.constant 632 : i32
    %mul3A_0 = arith.muli %arg1, %mul3A : i32
    "tpu.region"() ({
      %run_scoped3A = tpu.sem_alloc : memref<!tpu.dma_semaphore, #tpu.memory_space<semaphore_mem>>
      %dma_start3A_299 = arith.constant 0 : i32
      %dma_start3A_300 = arith.constant 0 : i32
      %dma_start3A_301 = tpu.memref_slice %arg4[%arg1, %dma_start3A_299, %dma_start3A_300] : memref<16x80x128xi32, #tpu.memory_space<hbm>> -> memref<1x80x128xi32, #tpu.memory_space<hbm>>
      %dma_start3A_302 = tpu.memref_squeeze %dma_start3A_301 : memref<1x80x128xi32, #tpu.memory_space<hbm>> -> memref<80x128xi32, #tpu.memory_space<hbm>>
      %dma_start3A_303 = arith.constant 0 : i32
      %dma_start3A_304 = arith.constant 0 : i32
      %dma_start3A_305 = tpu.memref_slice %arg4[%arg1, %dma_start3A_303, %dma_start3A_304] : memref<16x80x128xi32, #tpu.memory_space<hbm>> -> memref<1x80x128xi32, #tpu.memory_space<hbm>>
      %dma_start3A_306 = tpu.memref_squeeze %dma_start3A_305 : memref<1x80x128xi32, #tpu.memory_space<hbm>> -> memref<80x128xi32, #tpu.memory_space<hbm>>
      tpu.enqueue_dma source(%dma_start3A_306 : memref<80x128xi32, #tpu.memory_space<hbm>>) target(%arg9 : memref<80x128xi32, #tpu.memory_space<vmem>>) target_semaphore(%run_scoped3A : memref<!tpu.dma_semaphore, #tpu.memory_space<semaphore_mem>>)
      %dma_wait3A_307 = arith.constant 0 : i32
      %dma_wait3A_308 = arith.constant 0 : i32
      %dma_wait3A_309 = tpu.memref_slice %arg4[%arg1, %dma_wait3A_307, %dma_wait3A_308] : memref<16x80x128xi32, #tpu.memory_space<hbm>> -> memref<1x80x128xi32, #tpu.memory_space<hbm>>
      %dma_wait3A_310 = tpu.memref_squeeze %dma_wait3A_309 : memref<1x80x128xi32, #tpu.memory_space<hbm>> -> memref<80x128xi32, #tpu.memory_space<hbm>>
      %dma_wait3A_311 = arith.constant 0 : i32
      %dma_wait3A_312 = arith.constant 0 : i32
      %dma_wait3A_313 = tpu.memref_slice %arg4[%arg1, %dma_wait3A_311, %dma_wait3A_312] : memref<16x80x128xi32, #tpu.memory_space<hbm>> -> memref<1x80x128xi32, #tpu.memory_space<hbm>>
      %dma_wait3A_314 = tpu.memref_squeeze %dma_wait3A_313 : memref<1x80x128xi32, #tpu.memory_space<hbm>> -> memref<80x128xi32, #tpu.memory_space<hbm>>
      tpu.wait_dma2 semaphore(%run_scoped3A : memref<!tpu.dma_semaphore, #tpu.memory_space<semaphore_mem>>) src(%dma_wait3A_314 : memref<80x128xi32, #tpu.memory_space<hbm>>) dst(%arg9 : memref<80x128xi32, #tpu.memory_space<vmem>>)
      tpu.yield
    }) : () -> ()
    %mul3A_1 = arith.constant 2 : i32
    %mul3A_2 = arith.muli %arg0, %mul3A_1 : i32
    %add3A = arith.constant 0 : i32
    %add3A_3 = arith.addi %mul3A_2, %add3A : i32
    "tpu.region"() ({
      %run_scoped3A = tpu.sem_alloc : memref<!tpu.dma_semaphore, #tpu.memory_space<semaphore_mem>>
      %dma_start3A_299 = arith.constant 0 : i32
      %dma_start3A_300 = tpu.memref_slice %arg8[%mul3A_0, %dma_start3A_299] : memref<10112x128xf32, #tpu.memory_space<vmem_shared>> -> memref<632x128xf32, #tpu.memory_space<vmem_shared>>
      tpu.enqueue_dma source(%arg5 : memref<632x128xf32, #tpu.memory_space<hbm>>) target(%dma_start3A_300 : memref<632x128xf32, #tpu.memory_space<vmem_shared>>) target_semaphore(%run_scoped3A : memref<!tpu.dma_semaphore, #tpu.memory_space<semaphore_mem>>)
      %dma_wait3A_301 = arith.constant 0 : i32
      %dma_wait3A_302 = tpu.memref_slice %arg8[%mul3A_0, %dma_wait3A_301] : memref<10112x128xf32, #tpu.memory_space<vmem_shared>> -> memref<632x128xf32, #tpu.memory_space<vmem_shared>>
      tpu.wait_dma2 semaphore(%run_scoped3A : memref<!tpu.dma_semaphore, #tpu.memory_space<semaphore_mem>>) src(%arg5 : memref<632x128xf32, #tpu.memory_space<hbm>>) dst(%dma_wait3A_302 : memref<632x128xf32, #tpu.memory_space<vmem_shared>>)
      tpu.yield
    }) : () -> ()
    %mul3A_4 = arith.constant 163840 : i32
    %mul3A_5 = arith.muli %add3A_3, %mul3A_4 : i32
    %mul3A_6 = arith.constant 10240 : i32
    %mul3A_7 = arith.muli %arg1, %mul3A_6 : i32
    %add3A_8 = arith.addi %mul3A_5, %mul3A_7 : i32
    %barrier3A = arith.constant 0 : index
    tpu.barrier barrier_id(%barrier3A)
    %add3A_9 = arith.constant 0 : i32
    %add3A_10 = arith.addi %add3A_8, %add3A_9 : i32
    %dma_start3A = tpu.memref_slice %arg3[%add3A_10] : memref<655360xi32, #tpu.memory_space<hbm>> -> memref<128xi32, #tpu.memory_space<hbm>>
    %dma_start3A_11 = tpu.memref_slice %arg3[%add3A_10] : memref<655360xi32, #tpu.memory_space<hbm>> -> memref<128xi32, #tpu.memory_space<hbm>>
    tpu.enqueue_dma source(%dma_start3A_11 : memref<128xi32, #tpu.memory_space<hbm>>) target(%arg10 : memref<128xi32, #tpu.memory_space<vmem>>) target_semaphore(%arg16 : memref<!tpu.dma_semaphore, #tpu.memory_space<semaphore_mem>>)
    %add3A_12 = arith.constant 128 : i32
    %add3A_13 = arith.addi %add3A_8, %add3A_12 : i32
    %dma_start3A_14 = tpu.memref_slice %arg3[%add3A_13] : memref<655360xi32, #tpu.memory_space<hbm>> -> memref<128xi32, #tpu.memory_space<hbm>>
    %dma_start3A_15 = tpu.memref_slice %arg3[%add3A_13] : memref<655360xi32, #tpu.memory_space<hbm>> -> memref<128xi32, #tpu.memory_space<hbm>>
    tpu.enqueue_dma source(%dma_start3A_15 : memref<128xi32, #tpu.memory_space<hbm>>) target(%arg11 : memref<128xi32, #tpu.memory_space<vmem>>) target_semaphore(%arg17 : memref<!tpu.dma_semaphore, #tpu.memory_space<semaphore_mem>>)
    %dma_wait3A = arith.constant 0 : i32
    %dma_wait3A_16 = tpu.memref_slice %arg3[%dma_wait3A] : memref<655360xi32, #tpu.memory_space<hbm>> -> memref<128xi32, #tpu.memory_space<hbm>>
    %dma_wait3A_17 = arith.constant 0 : i32
    %dma_wait3A_18 = tpu.memref_slice %arg3[%dma_wait3A_17] : memref<655360xi32, #tpu.memory_space<hbm>> -> memref<128xi32, #tpu.memory_space<hbm>>
    tpu.wait_dma2 semaphore(%arg16 : memref<!tpu.dma_semaphore, #tpu.memory_space<semaphore_mem>>) src(%dma_wait3A_18 : memref<128xi32, #tpu.memory_space<hbm>>) dst(%arg10 : memref<128xi32, #tpu.memory_space<vmem>>)
    %dma_start3A_19 = arith.constant 0 : i32
    %dma_start3A_20 = arith.constant 0 : i32
    %dma_start3A_21 = tpu.memref_slice %arg2[%dma_start3A_19, %dma_start3A_20] : memref<40000x128xf32, #tpu.memory_space<hbm>> -> memref<40000x128xf32, #tpu.memory_space<hbm>>
    tpu.enqueue_indirect_dma source(%dma_start3A_21 : memref<40000x128xf32, #tpu.memory_space<hbm>>) target(%arg14 : memref<128x128xf32, #tpu.memory_space<vmem>>) offsets(%arg10 : memref<128xi32, #tpu.memory_space<vmem>>) semaphore(%arg20 : memref<!tpu.dma_semaphore, #tpu.memory_space<semaphore_mem>>)
    %add3A_22 = arith.constant 256 : i32
    %add3A_23 = arith.addi %add3A_8, %add3A_22 : i32
    %dma_start3A_24 = tpu.memref_slice %arg3[%add3A_23] : memref<655360xi32, #tpu.memory_space<hbm>> -> memref<128xi32, #tpu.memory_space<hbm>>
    %dma_start3A_25 = tpu.memref_slice %arg3[%add3A_23] : memref<655360xi32, #tpu.memory_space<hbm>> -> memref<128xi32, #tpu.memory_space<hbm>>
    tpu.enqueue_dma source(%dma_start3A_25 : memref<128xi32, #tpu.memory_space<hbm>>) target(%arg12 : memref<128xi32, #tpu.memory_space<vmem>>) target_semaphore(%arg18 : memref<!tpu.dma_semaphore, #tpu.memory_space<semaphore_mem>>)
    %dma_wait3A_26 = arith.constant 0 : i32
    %dma_wait3A_27 = tpu.memref_slice %arg3[%dma_wait3A_26] : memref<655360xi32, #tpu.memory_space<hbm>> -> memref<128xi32, #tpu.memory_space<hbm>>
    %dma_wait3A_28 = arith.constant 0 : i32
    %dma_wait3A_29 = tpu.memref_slice %arg3[%dma_wait3A_28] : memref<655360xi32, #tpu.memory_space<hbm>> -> memref<128xi32, #tpu.memory_space<hbm>>
    tpu.wait_dma2 semaphore(%arg17 : memref<!tpu.dma_semaphore, #tpu.memory_space<semaphore_mem>>) src(%dma_wait3A_29 : memref<128xi32, #tpu.memory_space<hbm>>) dst(%arg11 : memref<128xi32, #tpu.memory_space<vmem>>)
    %dma_start3A_30 = arith.constant 0 : i32
    %dma_start3A_31 = arith.constant 0 : i32
    %dma_start3A_32 = tpu.memref_slice %arg2[%dma_start3A_30, %dma_start3A_31] : memref<40000x128xf32, #tpu.memory_space<hbm>> -> memref<40000x128xf32, #tpu.memory_space<hbm>>
    tpu.enqueue_indirect_dma source(%dma_start3A_32 : memref<40000x128xf32, #tpu.memory_space<hbm>>) target(%arg15 : memref<128x128xf32, #tpu.memory_space<vmem>>) offsets(%arg11 : memref<128xi32, #tpu.memory_space<vmem>>) semaphore(%arg21 : memref<!tpu.dma_semaphore, #tpu.memory_space<semaphore_mem>>)
    %dma_wait3A_33 = arith.constant 0 : i32
    %dma_wait3A_34 = arith.constant 0 : i32
    %dma_wait3A_35 = tpu.memref_slice %arg2[%dma_wait3A_33, %dma_wait3A_34] : memref<40000x128xf32, #tpu.memory_space<hbm>> -> memref<40000x128xf32, #tpu.memory_space<hbm>>
    tpu.wait_indirect_dma semaphore(%arg20 : memref<!tpu.dma_semaphore, #tpu.memory_space<semaphore_mem>>) src(%dma_wait3A_35 : memref<40000x128xf32, #tpu.memory_space<hbm>>) dst(%arg14 : memref<128x128xf32, #tpu.memory_space<vmem>>)
    %dma_start3A_36 = arith.constant 0 : i32
    %dma_start3A_37 = arith.constant 0 : i32
    %dma_start3A_38 = tpu.memref_slice %arg9[%dma_start3A_36, %dma_start3A_37] : memref<80x128xi32, #tpu.memory_space<vmem>> -> memref<1x128xi32, #tpu.memory_space<vmem>>
    %dma_start3A_39 = tpu.memref_squeeze %dma_start3A_38 : memref<1x128xi32, #tpu.memory_space<vmem>> -> memref<128xi32, #tpu.memory_space<vmem>>
    %dma_start3A_40 = arith.constant 0 : i32
    %dma_start3A_41 = arith.constant 0 : i32
    %dma_start3A_42 = tpu.memref_slice %arg8[%dma_start3A_40, %dma_start3A_41] : memref<10112x128xf32, #tpu.memory_space<vmem_shared>> -> memref<10112x128xf32, #tpu.memory_space<vmem_shared>>
    tpu.enqueue_indirect_dma source(%arg14 : memref<128x128xf32, #tpu.memory_space<vmem>>) target(%dma_start3A_42 : memref<10112x128xf32, #tpu.memory_space<vmem_shared>>) offsets(%dma_start3A_39 : memref<128xi32, #tpu.memory_space<vmem>>) semaphore(%arg22 : memref<!tpu.dma_semaphore, #tpu.memory_space<semaphore_mem>>) {add = true}
    %scan3A = arith.constant 0 : i32
    %scan3A_43 = arith.constant 0 : i32
    %scan3A_44 = arith.constant 19 : i32
    %scan3A_45 = arith.addi %scan3A_43, %scan3A_44 : i32
    %scan3A_46 = arith.constant 1 : i32
    scf.for %scan3A_299 = %scan3A_43 to %scan3A_45 step %scan3A_46  : i32 {
      %mul3A_300 = arith.constant 4 : i32
      %mul3A_301 = arith.muli %scan3A_299, %mul3A_300 : i32
      %add3A_302 = arith.constant 1 : i32
      %add3A_303 = arith.addi %mul3A_301, %add3A_302 : i32
      %add3A_304 = arith.constant 0 : i32
      %add3A_305 = arith.addi %add3A_303, %add3A_304 : i32
      %add3A_306 = arith.constant 2 : i32
      %add3A_307 = arith.addi %add3A_305, %add3A_306 : i32
      %mul3A_308 = arith.constant 128 : i32
      %mul3A_309 = arith.muli %add3A_307, %mul3A_308 : i32
      %add3A_310 = arith.addi %add3A_8, %mul3A_309 : i32
      %dma_start3A_311 = tpu.memref_slice %arg3[%add3A_310] : memref<655360xi32, #tpu.memory_space<hbm>> -> memref<128xi32, #tpu.memory_space<hbm>>
      %dma_start3A_312 = tpu.memref_slice %arg3[%add3A_310] : memref<655360xi32, #tpu.memory_space<hbm>> -> memref<128xi32, #tpu.memory_space<hbm>>
      tpu.enqueue_dma source(%dma_start3A_312 : memref<128xi32, #tpu.memory_space<hbm>>) target(%arg13 : memref<128xi32, #tpu.memory_space<vmem>>) target_semaphore(%arg19 : memref<!tpu.dma_semaphore, #tpu.memory_space<semaphore_mem>>)
      %dma_wait3A_313 = arith.constant 0 : i32
      %dma_wait3A_314 = arith.constant 0 : i32
      %dma_wait3A_315 = tpu.memref_slice %arg9[%dma_wait3A_313, %dma_wait3A_314] : memref<80x128xi32, #tpu.memory_space<vmem>> -> memref<1x128xi32, #tpu.memory_space<vmem>>
      %dma_wait3A_316 = tpu.memref_squeeze %dma_wait3A_315 : memref<1x128xi32, #tpu.memory_space<vmem>> -> memref<128xi32, #tpu.memory_space<vmem>>
      %dma_wait3A_317 = arith.constant 0 : i32
      %dma_wait3A_318 = arith.constant 0 : i32
      %dma_wait3A_319 = tpu.memref_slice %arg8[%dma_wait3A_317, %dma_wait3A_318] : memref<10112x128xf32, #tpu.memory_space<vmem_shared>> -> memref<10112x128xf32, #tpu.memory_space<vmem_shared>>
      tpu.wait_indirect_dma semaphore(%arg22 : memref<!tpu.dma_semaphore, #tpu.memory_space<semaphore_mem>>) src(%arg14 : memref<128x128xf32, #tpu.memory_space<vmem>>) dst(%dma_wait3A_319 : memref<10112x128xf32, #tpu.memory_space<vmem_shared>>)
      %dma_wait3A_320 = arith.constant 0 : i32
      %dma_wait3A_321 = tpu.memref_slice %arg3[%dma_wait3A_320] : memref<655360xi32, #tpu.memory_space<hbm>> -> memref<128xi32, #tpu.memory_space<hbm>>
      %dma_wait3A_322 = arith.constant 0 : i32
      %dma_wait3A_323 = tpu.memref_slice %arg3[%dma_wait3A_322] : memref<655360xi32, #tpu.memory_space<hbm>> -> memref<128xi32, #tpu.memory_space<hbm>>
      tpu.wait_dma2 semaphore(%arg18 : memref<!tpu.dma_semaphore, #tpu.memory_space<semaphore_mem>>) src(%dma_wait3A_323 : memref<128xi32, #tpu.memory_space<hbm>>) dst(%arg12 : memref<128xi32, #tpu.memory_space<vmem>>)
      %dma_start3A_324 = arith.constant 0 : i32
      %dma_start3A_325 = arith.constant 0 : i32
      %dma_start3A_326 = tpu.memref_slice %arg2[%dma_start3A_324, %dma_start3A_325] : memref<40000x128xf32, #tpu.memory_space<hbm>> -> memref<40000x128xf32, #tpu.memory_space<hbm>>
      tpu.enqueue_indirect_dma source(%dma_start3A_326 : memref<40000x128xf32, #tpu.memory_space<hbm>>) target(%arg14 : memref<128x128xf32, #tpu.memory_space<vmem>>) offsets(%arg12 : memref<128xi32, #tpu.memory_space<vmem>>) semaphore(%arg20 : memref<!tpu.dma_semaphore, #tpu.memory_space<semaphore_mem>>)
      %dma_wait3A_327 = arith.constant 0 : i32
      %dma_wait3A_328 = arith.constant 0 : i32
      %dma_wait3A_329 = tpu.memref_slice %arg2[%dma_wait3A_327, %dma_wait3A_328] : memref<40000x128xf32, #tpu.memory_space<hbm>> -> memref<40000x128xf32, #tpu.memory_space<hbm>>
      tpu.wait_indirect_dma semaphore(%arg21 : memref<!tpu.dma_semaphore, #tpu.memory_space<semaphore_mem>>) src(%dma_wait3A_329 : memref<40000x128xf32, #tpu.memory_space<hbm>>) dst(%arg15 : memref<128x128xf32, #tpu.memory_space<vmem>>)
      %dma_start3A_330 = arith.constant 0 : i32
      %dma_start3A_331 = tpu.memref_slice %arg9[%add3A_305, %dma_start3A_330] : memref<80x128xi32, #tpu.memory_space<vmem>> -> memref<1x128xi32, #tpu.memory_space<vmem>>
      %dma_start3A_332 = tpu.memref_squeeze %dma_start3A_331 : memref<1x128xi32, #tpu.memory_space<vmem>> -> memref<128xi32, #tpu.memory_space<vmem>>
      %dma_start3A_333 = arith.constant 0 : i32
      %dma_start3A_334 = arith.constant 0 : i32
      %dma_start3A_335 = tpu.memref_slice %arg8[%dma_start3A_333, %dma_start3A_334] : memref<10112x128xf32, #tpu.memory_space<vmem_shared>> -> memref<10112x128xf32, #tpu.memory_space<vmem_shared>>
      tpu.enqueue_indirect_dma source(%arg15 : memref<128x128xf32, #tpu.memory_space<vmem>>) target(%dma_start3A_335 : memref<10112x128xf32, #tpu.memory_space<vmem_shared>>) offsets(%dma_start3A_332 : memref<128xi32, #tpu.memory_space<vmem>>) semaphore(%arg23 : memref<!tpu.dma_semaphore, #tpu.memory_space<semaphore_mem>>) {add = true}
      %mul3A_336 = arith.constant 4 : i32
      %mul3A_337 = arith.muli %scan3A_299, %mul3A_336 : i32
      %add3A_338 = arith.constant 1 : i32
      %add3A_339 = arith.addi %mul3A_337, %add3A_338 : i32
      %add3A_340 = arith.constant 1 : i32
      %add3A_341 = arith.addi %add3A_339, %add3A_340 : i32
      %add3A_342 = arith.constant 2 : i32
      %add3A_343 = arith.addi %add3A_341, %add3A_342 : i32
      %mul3A_344 = arith.constant 128 : i32
      %mul3A_345 = arith.muli %add3A_343, %mul3A_344 : i32
      %add3A_346 = arith.addi %add3A_8, %mul3A_345 : i32
      %dma_start3A_347 = tpu.memref_slice %arg3[%add3A_346] : memref<655360xi32, #tpu.memory_space<hbm>> -> memref<128xi32, #tpu.memory_space<hbm>>
      %dma_start3A_348 = tpu.memref_slice %arg3[%add3A_346] : memref<655360xi32, #tpu.memory_space<hbm>> -> memref<128xi32, #tpu.memory_space<hbm>>
      tpu.enqueue_dma source(%dma_start3A_348 : memref<128xi32, #tpu.memory_space<hbm>>) target(%arg10 : memref<128xi32, #tpu.memory_space<vmem>>) target_semaphore(%arg16 : memref<!tpu.dma_semaphore, #tpu.memory_space<semaphore_mem>>)
      %dma_wait3A_349 = arith.constant 0 : i32
      %dma_wait3A_350 = arith.constant 0 : i32
      %dma_wait3A_351 = tpu.memref_slice %arg9[%dma_wait3A_349, %dma_wait3A_350] : memref<80x128xi32, #tpu.memory_space<vmem>> -> memref<1x128xi32, #tpu.memory_space<vmem>>
      %dma_wait3A_352 = tpu.memref_squeeze %dma_wait3A_351 : memref<1x128xi32, #tpu.memory_space<vmem>> -> memref<128xi32, #tpu.memory_space<vmem>>
      %dma_wait3A_353 = arith.constant 0 : i32
      %dma_wait3A_354 = arith.constant 0 : i32
      %dma_wait3A_355 = tpu.memref_slice %arg8[%dma_wait3A_353, %dma_wait3A_354] : memref<10112x128xf32, #tpu.memory_space<vmem_shared>> -> memref<10112x128xf32, #tpu.memory_space<vmem_shared>>
      tpu.wait_indirect_dma semaphore(%arg23 : memref<!tpu.dma_semaphore, #tpu.memory_space<semaphore_mem>>) src(%arg15 : memref<128x128xf32, #tpu.memory_space<vmem>>) dst(%dma_wait3A_355 : memref<10112x128xf32, #tpu.memory_space<vmem_shared>>)
      %dma_wait3A_356 = arith.constant 0 : i32
      %dma_wait3A_357 = tpu.memref_slice %arg3[%dma_wait3A_356] : memref<655360xi32, #tpu.memory_space<hbm>> -> memref<128xi32, #tpu.memory_space<hbm>>
      %dma_wait3A_358 = arith.constant 0 : i32
      %dma_wait3A_359 = tpu.memref_slice %arg3[%dma_wait3A_358] : memref<655360xi32, #tpu.memory_space<hbm>> -> memref<128xi32, #tpu.memory_space<hbm>>
      tpu.wait_dma2 semaphore(%arg19 : memref<!tpu.dma_semaphore, #tpu.memory_space<semaphore_mem>>) src(%dma_wait3A_359 : memref<128xi32, #tpu.memory_space<hbm>>) dst(%arg13 : memref<128xi32, #tpu.memory_space<vmem>>)
      %dma_start3A_360 = arith.constant 0 : i32
      %dma_start3A_361 = arith.constant 0 : i32
      %dma_start3A_362 = tpu.memref_slice %arg2[%dma_start3A_360, %dma_start3A_361] : memref<40000x128xf32, #tpu.memory_space<hbm>> -> memref<40000x128xf32, #tpu.memory_space<hbm>>
      tpu.enqueue_indirect_dma source(%dma_start3A_362 : memref<40000x128xf32, #tpu.memory_space<hbm>>) target(%arg15 : memref<128x128xf32, #tpu.memory_space<vmem>>) offsets(%arg13 : memref<128xi32, #tpu.memory_space<vmem>>) semaphore(%arg21 : memref<!tpu.dma_semaphore, #tpu.memory_space<semaphore_mem>>)
      %dma_wait3A_363 = arith.constant 0 : i32
      %dma_wait3A_364 = arith.constant 0 : i32
      %dma_wait3A_365 = tpu.memref_slice %arg2[%dma_wait3A_363, %dma_wait3A_364] : memref<40000x128xf32, #tpu.memory_space<hbm>> -> memref<40000x128xf32, #tpu.memory_space<hbm>>
      tpu.wait_indirect_dma semaphore(%arg20 : memref<!tpu.dma_semaphore, #tpu.memory_space<semaphore_mem>>) src(%dma_wait3A_365 : memref<40000x128xf32, #tpu.memory_space<hbm>>) dst(%arg14 : memref<128x128xf32, #tpu.memory_space<vmem>>)
      %dma_start3A_366 = arith.constant 0 : i32
      %dma_start3A_367 = tpu.memref_slice %arg9[%add3A_341, %dma_start3A_366] : memref<80x128xi32, #tpu.memory_space<vmem>> -> memref<1x128xi32, #tpu.memory_space<vmem>>
      %dma_start3A_368 = tpu.memref_squeeze %dma_start3A_367 : memref<1x128xi32, #tpu.memory_space<vmem>> -> memref<128xi32, #tpu.memory_space<vmem>>
      %dma_start3A_369 = arith.constant 0 : i32
      %dma_start3A_370 = arith.constant 0 : i32
      %dma_start3A_371 = tpu.memref_slice %arg8[%dma_start3A_369, %dma_start3A_370] : memref<10112x128xf32, #tpu.memory_space<vmem_shared>> -> memref<10112x128xf32, #tpu.memory_space<vmem_shared>>
      tpu.enqueue_indirect_dma source(%arg14 : memref<128x128xf32, #tpu.memory_space<vmem>>) target(%dma_start3A_371 : memref<10112x128xf32, #tpu.memory_space<vmem_shared>>) offsets(%dma_start3A_368 : memref<128xi32, #tpu.memory_space<vmem>>) semaphore(%arg22 : memref<!tpu.dma_semaphore, #tpu.memory_space<semaphore_mem>>) {add = true}
      %mul3A_372 = arith.constant 4 : i32
      %mul3A_373 = arith.muli %scan3A_299, %mul3A_372 : i32
      %add3A_374 = arith.constant 1 : i32
      %add3A_375 = arith.addi %mul3A_373, %add3A_374 : i32
      %add3A_376 = arith.constant 2 : i32
      %add3A_377 = arith.addi %add3A_375, %add3A_376 : i32
      %add3A_378 = arith.constant 2 : i32
      %add3A_379 = arith.addi %add3A_377, %add3A_378 : i32
      %mul3A_380 = arith.constant 128 : i32
      %mul3A_381 = arith.muli %add3A_379, %mul3A_380 : i32
      %add3A_382 = arith.addi %add3A_8, %mul3A_381 : i32
      %dma_start3A_383 = tpu.memref_slice %arg3[%add3A_382] : memref<655360xi32, #tpu.memory_space<hbm>> -> memref<128xi32, #tpu.memory_space<hbm>>
      %dma_start3A_384 = tpu.memref_slice %arg3[%add3A_382] : memref<655360xi32, #tpu.memory_space<hbm>> -> memref<128xi32, #tpu.memory_space<hbm>>
      tpu.enqueue_dma source(%dma_start3A_384 : memref<128xi32, #tpu.memory_space<hbm>>) target(%arg11 : memref<128xi32, #tpu.memory_space<vmem>>) target_semaphore(%arg17 : memref<!tpu.dma_semaphore, #tpu.memory_space<semaphore_mem>>)
      %dma_wait3A_385 = arith.constant 0 : i32
      %dma_wait3A_386 = arith.constant 0 : i32
      %dma_wait3A_387 = tpu.memref_slice %arg9[%dma_wait3A_385, %dma_wait3A_386] : memref<80x128xi32, #tpu.memory_space<vmem>> -> memref<1x128xi32, #tpu.memory_space<vmem>>
      %dma_wait3A_388 = tpu.memref_squeeze %dma_wait3A_387 : memref<1x128xi32, #tpu.memory_space<vmem>> -> memref<128xi32, #tpu.memory_space<vmem>>
      %dma_wait3A_389 = arith.constant 0 : i32
      %dma_wait3A_390 = arith.constant 0 : i32
      %dma_wait3A_391 = tpu.memref_slice %arg8[%dma_wait3A_389, %dma_wait3A_390] : memref<10112x128xf32, #tpu.memory_space<vmem_shared>> -> memref<10112x128xf32, #tpu.memory_space<vmem_shared>>
      tpu.wait_indirect_dma semaphore(%arg22 : memref<!tpu.dma_semaphore, #tpu.memory_space<semaphore_mem>>) src(%arg14 : memref<128x128xf32, #tpu.memory_space<vmem>>) dst(%dma_wait3A_391 : memref<10112x128xf32, #tpu.memory_space<vmem_shared>>)
      %dma_wait3A_392 = arith.constant 0 : i32
      %dma_wait3A_393 = tpu.memref_slice %arg3[%dma_wait3A_392] : memref<655360xi32, #tpu.memory_space<hbm>> -> memref<128xi32, #tpu.memory_space<hbm>>
      %dma_wait3A_394 = arith.constant 0 : i32
      %dma_wait3A_395 = tpu.memref_slice %arg3[%dma_wait3A_394] : memref<655360xi32, #tpu.memory_space<hbm>> -> memref<128xi32, #tpu.memory_space<hbm>>
      tpu.wait_dma2 semaphore(%arg16 : memref<!tpu.dma_semaphore, #tpu.memory_space<semaphore_mem>>) src(%dma_wait3A_395 : memref<128xi32, #tpu.memory_space<hbm>>) dst(%arg10 : memref<128xi32, #tpu.memory_space<vmem>>)
      %dma_start3A_396 = arith.constant 0 : i32
      %dma_start3A_397 = arith.constant 0 : i32
      %dma_start3A_398 = tpu.memref_slice %arg2[%dma_start3A_396, %dma_start3A_397] : memref<40000x128xf32, #tpu.memory_space<hbm>> -> memref<40000x128xf32, #tpu.memory_space<hbm>>
      tpu.enqueue_indirect_dma source(%dma_start3A_398 : memref<40000x128xf32, #tpu.memory_space<hbm>>) target(%arg14 : memref<128x128xf32, #tpu.memory_space<vmem>>) offsets(%arg10 : memref<128xi32, #tpu.memory_space<vmem>>) semaphore(%arg20 : memref<!tpu.dma_semaphore, #tpu.memory_space<semaphore_mem>>)
      %dma_wait3A_399 = arith.constant 0 : i32
      %dma_wait3A_400 = arith.constant 0 : i32
      %dma_wait3A_401 = tpu.memref_slice %arg2[%dma_wait3A_399, %dma_wait3A_400] : memref<40000x128xf32, #tpu.memory_space<hbm>> -> memref<40000x128xf32, #tpu.memory_space<hbm>>
      tpu.wait_indirect_dma semaphore(%arg21 : memref<!tpu.dma_semaphore, #tpu.memory_space<semaphore_mem>>) src(%dma_wait3A_401 : memref<40000x128xf32, #tpu.memory_space<hbm>>) dst(%arg15 : memref<128x128xf32, #tpu.memory_space<vmem>>)
      %dma_start3A_402 = arith.constant 0 : i32
      %dma_start3A_403 = tpu.memref_slice %arg9[%add3A_377, %dma_start3A_402] : memref<80x128xi32, #tpu.memory_space<vmem>> -> memref<1x128xi32, #tpu.memory_space<vmem>>
      %dma_start3A_404 = tpu.memref_squeeze %dma_start3A_403 : memref<1x128xi32, #tpu.memory_space<vmem>> -> memref<128xi32, #tpu.memory_space<vmem>>
      %dma_start3A_405 = arith.constant 0 : i32
      %dma_start3A_406 = arith.constant 0 : i32
      %dma_start3A_407 = tpu.memref_slice %arg8[%dma_start3A_405, %dma_start3A_406] : memref<10112x128xf32, #tpu.memory_space<vmem_shared>> -> memref<10112x128xf32, #tpu.memory_space<vmem_shared>>
      tpu.enqueue_indirect_dma source(%arg15 : memref<128x128xf32, #tpu.memory_space<vmem>>) target(%dma_start3A_407 : memref<10112x128xf32, #tpu.memory_space<vmem_shared>>) offsets(%dma_start3A_404 : memref<128xi32, #tpu.memory_space<vmem>>) semaphore(%arg23 : memref<!tpu.dma_semaphore, #tpu.memory_space<semaphore_mem>>) {add = true}
      %mul3A_408 = arith.constant 4 : i32
      %mul3A_409 = arith.muli %scan3A_299, %mul3A_408 : i32
      %add3A_410 = arith.constant 1 : i32
      %add3A_411 = arith.addi %mul3A_409, %add3A_410 : i32
      %add3A_412 = arith.constant 3 : i32
      %add3A_413 = arith.addi %add3A_411, %add3A_412 : i32
      %add3A_414 = arith.constant 2 : i32
      %add3A_415 = arith.addi %add3A_413, %add3A_414 : i32
      %mul3A_416 = arith.constant 128 : i32
      %mul3A_417 = arith.muli %add3A_415, %mul3A_416 : i32
      %add3A_418 = arith.addi %add3A_8, %mul3A_417 : i32
      %dma_start3A_419 = tpu.memref_slice %arg3[%add3A_418] : memref<655360xi32, #tpu.memory_space<hbm>> -> memref<128xi32, #tpu.memory_space<hbm>>
      %dma_start3A_420 = tpu.memref_slice %arg3[%add3A_418] : memref<655360xi32, #tpu.memory_space<hbm>> -> memref<128xi32, #tpu.memory_space<hbm>>
      tpu.enqueue_dma source(%dma_start3A_420 : memref<128xi32, #tpu.memory_space<hbm>>) target(%arg12 : memref<128xi32, #tpu.memory_space<vmem>>) target_semaphore(%arg18 : memref<!tpu.dma_semaphore, #tpu.memory_space<semaphore_mem>>)
      %dma_wait3A_421 = arith.constant 0 : i32
      %dma_wait3A_422 = arith.constant 0 : i32
      %dma_wait3A_423 = tpu.memref_slice %arg9[%dma_wait3A_421, %dma_wait3A_422] : memref<80x128xi32, #tpu.memory_space<vmem>> -> memref<1x128xi32, #tpu.memory_space<vmem>>
      %dma_wait3A_424 = tpu.memref_squeeze %dma_wait3A_423 : memref<1x128xi32, #tpu.memory_space<vmem>> -> memref<128xi32, #tpu.memory_space<vmem>>
      %dma_wait3A_425 = arith.constant 0 : i32
      %dma_wait3A_426 = arith.constant 0 : i32
      %dma_wait3A_427 = tpu.memref_slice %arg8[%dma_wait3A_425, %dma_wait3A_426] : memref<10112x128xf32, #tpu.memory_space<vmem_shared>> -> memref<10112x128xf32, #tpu.memory_space<vmem_shared>>
      tpu.wait_indirect_dma semaphore(%arg23 : memref<!tpu.dma_semaphore, #tpu.memory_space<semaphore_mem>>) src(%arg15 : memref<128x128xf32, #tpu.memory_space<vmem>>) dst(%dma_wait3A_427 : memref<10112x128xf32, #tpu.memory_space<vmem_shared>>)
      %dma_wait3A_428 = arith.constant 0 : i32
      %dma_wait3A_429 = tpu.memref_slice %arg3[%dma_wait3A_428] : memref<655360xi32, #tpu.memory_space<hbm>> -> memref<128xi32, #tpu.memory_space<hbm>>
      %dma_wait3A_430 = arith.constant 0 : i32
      %dma_wait3A_431 = tpu.memref_slice %arg3[%dma_wait3A_430] : memref<655360xi32, #tpu.memory_space<hbm>> -> memref<128xi32, #tpu.memory_space<hbm>>
      tpu.wait_dma2 semaphore(%arg17 : memref<!tpu.dma_semaphore, #tpu.memory_space<semaphore_mem>>) src(%dma_wait3A_431 : memref<128xi32, #tpu.memory_space<hbm>>) dst(%arg11 : memref<128xi32, #tpu.memory_space<vmem>>)
      %dma_start3A_432 = arith.constant 0 : i32
      %dma_start3A_433 = arith.constant 0 : i32
      %dma_start3A_434 = tpu.memref_slice %arg2[%dma_start3A_432, %dma_start3A_433] : memref<40000x128xf32, #tpu.memory_space<hbm>> -> memref<40000x128xf32, #tpu.memory_space<hbm>>
      tpu.enqueue_indirect_dma source(%dma_start3A_434 : memref<40000x128xf32, #tpu.memory_space<hbm>>) target(%arg15 : memref<128x128xf32, #tpu.memory_space<vmem>>) offsets(%arg11 : memref<128xi32, #tpu.memory_space<vmem>>) semaphore(%arg21 : memref<!tpu.dma_semaphore, #tpu.memory_space<semaphore_mem>>)
      %dma_wait3A_435 = arith.constant 0 : i32
      %dma_wait3A_436 = arith.constant 0 : i32
      %dma_wait3A_437 = tpu.memref_slice %arg2[%dma_wait3A_435, %dma_wait3A_436] : memref<40000x128xf32, #tpu.memory_space<hbm>> -> memref<40000x128xf32, #tpu.memory_space<hbm>>
      tpu.wait_indirect_dma semaphore(%arg20 : memref<!tpu.dma_semaphore, #tpu.memory_space<semaphore_mem>>) src(%dma_wait3A_437 : memref<40000x128xf32, #tpu.memory_space<hbm>>) dst(%arg14 : memref<128x128xf32, #tpu.memory_space<vmem>>)
      %dma_start3A_438 = arith.constant 0 : i32
      %dma_start3A_439 = tpu.memref_slice %arg9[%add3A_413, %dma_start3A_438] : memref<80x128xi32, #tpu.memory_space<vmem>> -> memref<1x128xi32, #tpu.memory_space<vmem>>
      %dma_start3A_440 = tpu.memref_squeeze %dma_start3A_439 : memref<1x128xi32, #tpu.memory_space<vmem>> -> memref<128xi32, #tpu.memory_space<vmem>>
      %dma_start3A_441 = arith.constant 0 : i32
      %dma_start3A_442 = arith.constant 0 : i32
      %dma_start3A_443 = tpu.memref_slice %arg8[%dma_start3A_441, %dma_start3A_442] : memref<10112x128xf32, #tpu.memory_space<vmem_shared>> -> memref<10112x128xf32, #tpu.memory_space<vmem_shared>>
      tpu.enqueue_indirect_dma source(%arg14 : memref<128x128xf32, #tpu.memory_space<vmem>>) target(%dma_start3A_443 : memref<10112x128xf32, #tpu.memory_space<vmem_shared>>) offsets(%dma_start3A_440 : memref<128xi32, #tpu.memory_space<vmem>>) semaphore(%arg22 : memref<!tpu.dma_semaphore, #tpu.memory_space<semaphore_mem>>) {add = true}
    }
    %scan3A_47 = arith.constant 19 : i32
    %add3A_48 = arith.constant 10112 : i32
    %add3A_49 = arith.addi %add3A_8, %add3A_48 : i32
    %dma_start3A_50 = tpu.memref_slice %arg3[%add3A_49] : memref<655360xi32, #tpu.memory_space<hbm>> -> memref<128xi32, #tpu.memory_space<hbm>>
    %dma_start3A_51 = tpu.memref_slice %arg3[%add3A_49] : memref<655360xi32, #tpu.memory_space<hbm>> -> memref<128xi32, #tpu.memory_space<hbm>>
    tpu.enqueue_dma source(%dma_start3A_51 : memref<128xi32, #tpu.memory_space<hbm>>) target(%arg13 : memref<128xi32, #tpu.memory_space<vmem>>) target_semaphore(%arg19 : memref<!tpu.dma_semaphore, #tpu.memory_space<semaphore_mem>>)
    %dma_wait3A_52 = arith.constant 0 : i32
    %dma_wait3A_53 = arith.constant 0 : i32
    %dma_wait3A_54 = tpu.memref_slice %arg9[%dma_wait3A_52, %dma_wait3A_53] : memref<80x128xi32, #tpu.memory_space<vmem>> -> memref<1x128xi32, #tpu.memory_space<vmem>>
    %dma_wait3A_55 = tpu.memref_squeeze %dma_wait3A_54 : memref<1x128xi32, #tpu.memory_space<vmem>> -> memref<128xi32, #tpu.memory_space<vmem>>
    %dma_wait3A_56 = arith.constant 0 : i32
    %dma_wait3A_57 = arith.constant 0 : i32
    %dma_wait3A_58 = tpu.memref_slice %arg8[%dma_wait3A_56, %dma_wait3A_57] : memref<10112x128xf32, #tpu.memory_space<vmem_shared>> -> memref<10112x128xf32, #tpu.memory_space<vmem_shared>>
    tpu.wait_indirect_dma semaphore(%arg22 : memref<!tpu.dma_semaphore, #tpu.memory_space<semaphore_mem>>) src(%arg14 : memref<128x128xf32, #tpu.memory_space<vmem>>) dst(%dma_wait3A_58 : memref<10112x128xf32, #tpu.memory_space<vmem_shared>>)
    %dma_wait3A_59 = arith.constant 0 : i32
    %dma_wait3A_60 = tpu.memref_slice %arg3[%dma_wait3A_59] : memref<655360xi32, #tpu.memory_space<hbm>> -> memref<128xi32, #tpu.memory_space<hbm>>
    %dma_wait3A_61 = arith.constant 0 : i32
    %dma_wait3A_62 = tpu.memref_slice %arg3[%dma_wait3A_61] : memref<655360xi32, #tpu.memory_space<hbm>> -> memref<128xi32, #tpu.memory_space<hbm>>
    tpu.wait_dma2 semaphore(%arg18 : memref<!tpu.dma_semaphore, #tpu.memory_space<semaphore_mem>>) src(%dma_wait3A_62 : memref<128xi32, #tpu.memory_space<hbm>>) dst(%arg12 : memref<128xi32, #tpu.memory_space<vmem>>)
    %dma_start3A_63 = arith.constant 0 : i32
    %dma_start3A_64 = arith.constant 0 : i32
    %dma_start3A_65 = tpu.memref_slice %arg2[%dma_start3A_63, %dma_start3A_64] : memref<40000x128xf32, #tpu.memory_space<hbm>> -> memref<40000x128xf32, #tpu.memory_space<hbm>>
    tpu.enqueue_indirect_dma source(%dma_start3A_65 : memref<40000x128xf32, #tpu.memory_space<hbm>>) target(%arg14 : memref<128x128xf32, #tpu.memory_space<vmem>>) offsets(%arg12 : memref<128xi32, #tpu.memory_space<vmem>>) semaphore(%arg20 : memref<!tpu.dma_semaphore, #tpu.memory_space<semaphore_mem>>)
    %dma_wait3A_66 = arith.constant 0 : i32
    %dma_wait3A_67 = arith.constant 0 : i32
    %dma_wait3A_68 = tpu.memref_slice %arg2[%dma_wait3A_66, %dma_wait3A_67] : memref<40000x128xf32, #tpu.memory_space<hbm>> -> memref<40000x128xf32, #tpu.memory_space<hbm>>
    tpu.wait_indirect_dma semaphore(%arg21 : memref<!tpu.dma_semaphore, #tpu.memory_space<semaphore_mem>>) src(%dma_wait3A_68 : memref<40000x128xf32, #tpu.memory_space<hbm>>) dst(%arg15 : memref<128x128xf32, #tpu.memory_space<vmem>>)
    %dma_start3A_69 = arith.constant 77 : i32
    %dma_start3A_70 = arith.constant 0 : i32
    %dma_start3A_71 = tpu.memref_slice %arg9[%dma_start3A_69, %dma_start3A_70] : memref<80x128xi32, #tpu.memory_space<vmem>> -> memref<1x128xi32, #tpu.memory_space<vmem>>
    %dma_start3A_72 = tpu.memref_squeeze %dma_start3A_71 : memref<1x128xi32, #tpu.memory_space<vmem>> -> memref<128xi32, #tpu.memory_space<vmem>>
    %dma_start3A_73 = arith.constant 0 : i32
    %dma_start3A_74 = arith.constant 0 : i32
    %dma_start3A_75 = tpu.memref_slice %arg8[%dma_start3A_73, %dma_start3A_74] : memref<10112x128xf32, #tpu.memory_space<vmem_shared>> -> memref<10112x128xf32, #tpu.memory_space<vmem_shared>>
    tpu.enqueue_indirect_dma source(%arg15 : memref<128x128xf32, #tpu.memory_space<vmem>>) target(%dma_start3A_75 : memref<10112x128xf32, #tpu.memory_space<vmem_shared>>) offsets(%dma_start3A_72 : memref<128xi32, #tpu.memory_space<vmem>>) semaphore(%arg23 : memref<!tpu.dma_semaphore, #tpu.memory_space<semaphore_mem>>) {add = true}
    %add3A_76 = arith.constant 0 : i32
    %add3A_77 = arith.addi %add3A_8, %add3A_76 : i32
    %dma_start3A_78 = tpu.memref_slice %arg3[%add3A_77] : memref<655360xi32, #tpu.memory_space<hbm>> -> memref<128xi32, #tpu.memory_space<hbm>>
    %dma_start3A_79 = tpu.memref_slice %arg3[%add3A_77] : memref<655360xi32, #tpu.memory_space<hbm>> -> memref<128xi32, #tpu.memory_space<hbm>>
    tpu.enqueue_dma source(%dma_start3A_79 : memref<128xi32, #tpu.memory_space<hbm>>) target(%arg10 : memref<128xi32, #tpu.memory_space<vmem>>) target_semaphore(%arg16 : memref<!tpu.dma_semaphore, #tpu.memory_space<semaphore_mem>>)
    %dma_wait3A_80 = arith.constant 0 : i32
    %dma_wait3A_81 = arith.constant 0 : i32
    %dma_wait3A_82 = tpu.memref_slice %arg9[%dma_wait3A_80, %dma_wait3A_81] : memref<80x128xi32, #tpu.memory_space<vmem>> -> memref<1x128xi32, #tpu.memory_space<vmem>>
    %dma_wait3A_83 = tpu.memref_squeeze %dma_wait3A_82 : memref<1x128xi32, #tpu.memory_space<vmem>> -> memref<128xi32, #tpu.memory_space<vmem>>
    %dma_wait3A_84 = arith.constant 0 : i32
    %dma_wait3A_85 = arith.constant 0 : i32
    %dma_wait3A_86 = tpu.memref_slice %arg8[%dma_wait3A_84, %dma_wait3A_85] : memref<10112x128xf32, #tpu.memory_space<vmem_shared>> -> memref<10112x128xf32, #tpu.memory_space<vmem_shared>>
    tpu.wait_indirect_dma semaphore(%arg23 : memref<!tpu.dma_semaphore, #tpu.memory_space<semaphore_mem>>) src(%arg15 : memref<128x128xf32, #tpu.memory_space<vmem>>) dst(%dma_wait3A_86 : memref<10112x128xf32, #tpu.memory_space<vmem_shared>>)
    %dma_wait3A_87 = arith.constant 0 : i32
    %dma_wait3A_88 = tpu.memref_slice %arg3[%dma_wait3A_87] : memref<655360xi32, #tpu.memory_space<hbm>> -> memref<128xi32, #tpu.memory_space<hbm>>
    %dma_wait3A_89 = arith.constant 0 : i32
    %dma_wait3A_90 = tpu.memref_slice %arg3[%dma_wait3A_89] : memref<655360xi32, #tpu.memory_space<hbm>> -> memref<128xi32, #tpu.memory_space<hbm>>
    tpu.wait_dma2 semaphore(%arg19 : memref<!tpu.dma_semaphore, #tpu.memory_space<semaphore_mem>>) src(%dma_wait3A_90 : memref<128xi32, #tpu.memory_space<hbm>>) dst(%arg13 : memref<128xi32, #tpu.memory_space<vmem>>)
    %dma_start3A_91 = arith.constant 0 : i32
    %dma_start3A_92 = arith.constant 0 : i32
    %dma_start3A_93 = tpu.memref_slice %arg2[%dma_start3A_91, %dma_start3A_92] : memref<40000x128xf32, #tpu.memory_space<hbm>> -> memref<40000x128xf32, #tpu.memory_space<hbm>>
    tpu.enqueue_indirect_dma source(%dma_start3A_93 : memref<40000x128xf32, #tpu.memory_space<hbm>>) target(%arg15 : memref<128x128xf32, #tpu.memory_space<vmem>>) offsets(%arg13 : memref<128xi32, #tpu.memory_space<vmem>>) semaphore(%arg21 : memref<!tpu.dma_semaphore, #tpu.memory_space<semaphore_mem>>)
    %dma_wait3A_94 = arith.constant 0 : i32
    %dma_wait3A_95 = arith.constant 0 : i32
    %dma_wait3A_96 = tpu.memref_slice %arg2[%dma_wait3A_94, %dma_wait3A_95] : memref<40000x128xf32, #tpu.memory_space<hbm>> -> memref<40000x128xf32, #tpu.memory_space<hbm>>
    tpu.wait_indirect_dma semaphore(%arg20 : memref<!tpu.dma_semaphore, #tpu.memory_space<semaphore_mem>>) src(%dma_wait3A_96 : memref<40000x128xf32, #tpu.memory_space<hbm>>) dst(%arg14 : memref<128x128xf32, #tpu.memory_space<vmem>>)
    %dma_start3A_97 = arith.constant 78 : i32
    %dma_start3A_98 = arith.constant 0 : i32
    %dma_start3A_99 = tpu.memref_slice %arg9[%dma_start3A_97, %dma_start3A_98] : memref<80x128xi32, #tpu.memory_space<vmem>> -> memref<1x128xi32, #tpu.memory_space<vmem>>
    %dma_start3A_100 = tpu.memref_squeeze %dma_start3A_99 : memref<1x128xi32, #tpu.memory_space<vmem>> -> memref<128xi32, #tpu.memory_space<vmem>>
    %dma_start3A_101 = arith.constant 0 : i32
    %dma_start3A_102 = arith.constant 0 : i32
    %dma_start3A_103 = tpu.memref_slice %arg8[%dma_start3A_101, %dma_start3A_102] : memref<10112x128xf32, #tpu.memory_space<vmem_shared>> -> memref<10112x128xf32, #tpu.memory_space<vmem_shared>>
    tpu.enqueue_indirect_dma source(%arg14 : memref<128x128xf32, #tpu.memory_space<vmem>>) target(%dma_start3A_103 : memref<10112x128xf32, #tpu.memory_space<vmem_shared>>) offsets(%dma_start3A_100 : memref<128xi32, #tpu.memory_space<vmem>>) semaphore(%arg22 : memref<!tpu.dma_semaphore, #tpu.memory_space<semaphore_mem>>) {add = true}
    %add3A_104 = arith.constant 128 : i32
    %add3A_105 = arith.addi %add3A_8, %add3A_104 : i32
    %dma_start3A_106 = tpu.memref_slice %arg3[%add3A_105] : memref<655360xi32, #tpu.memory_space<hbm>> -> memref<128xi32, #tpu.memory_space<hbm>>
    %dma_start3A_107 = tpu.memref_slice %arg3[%add3A_105] : memref<655360xi32, #tpu.memory_space<hbm>> -> memref<128xi32, #tpu.memory_space<hbm>>
    tpu.enqueue_dma source(%dma_start3A_107 : memref<128xi32, #tpu.memory_space<hbm>>) target(%arg11 : memref<128xi32, #tpu.memory_space<vmem>>) target_semaphore(%arg17 : memref<!tpu.dma_semaphore, #tpu.memory_space<semaphore_mem>>)
    %dma_wait3A_108 = arith.constant 0 : i32
    %dma_wait3A_109 = arith.constant 0 : i32
    %dma_wait3A_110 = tpu.memref_slice %arg9[%dma_wait3A_108, %dma_wait3A_109] : memref<80x128xi32, #tpu.memory_space<vmem>> -> memref<1x128xi32, #tpu.memory_space<vmem>>
    %dma_wait3A_111 = tpu.memref_squeeze %dma_wait3A_110 : memref<1x128xi32, #tpu.memory_space<vmem>> -> memref<128xi32, #tpu.memory_space<vmem>>
    %dma_wait3A_112 = arith.constant 0 : i32
    %dma_wait3A_113 = arith.constant 0 : i32
    %dma_wait3A_114 = tpu.memref_slice %arg8[%dma_wait3A_112, %dma_wait3A_113] : memref<10112x128xf32, #tpu.memory_space<vmem_shared>> -> memref<10112x128xf32, #tpu.memory_space<vmem_shared>>
    tpu.wait_indirect_dma semaphore(%arg22 : memref<!tpu.dma_semaphore, #tpu.memory_space<semaphore_mem>>) src(%arg14 : memref<128x128xf32, #tpu.memory_space<vmem>>) dst(%dma_wait3A_114 : memref<10112x128xf32, #tpu.memory_space<vmem_shared>>)
    %dma_wait3A_115 = arith.constant 0 : i32
    %dma_wait3A_116 = tpu.memref_slice %arg3[%dma_wait3A_115] : memref<655360xi32, #tpu.memory_space<hbm>> -> memref<128xi32, #tpu.memory_space<hbm>>
    %dma_wait3A_117 = arith.constant 0 : i32
    %dma_wait3A_118 = tpu.memref_slice %arg3[%dma_wait3A_117] : memref<655360xi32, #tpu.memory_space<hbm>> -> memref<128xi32, #tpu.memory_space<hbm>>
    tpu.wait_dma2 semaphore(%arg16 : memref<!tpu.dma_semaphore, #tpu.memory_space<semaphore_mem>>) src(%dma_wait3A_118 : memref<128xi32, #tpu.memory_space<hbm>>) dst(%arg10 : memref<128xi32, #tpu.memory_space<vmem>>)
    %dma_start3A_119 = arith.constant 0 : i32
    %dma_start3A_120 = arith.constant 0 : i32
    %dma_start3A_121 = tpu.memref_slice %arg2[%dma_start3A_119, %dma_start3A_120] : memref<40000x128xf32, #tpu.memory_space<hbm>> -> memref<40000x128xf32, #tpu.memory_space<hbm>>
    tpu.enqueue_indirect_dma source(%dma_start3A_121 : memref<40000x128xf32, #tpu.memory_space<hbm>>) target(%arg14 : memref<128x128xf32, #tpu.memory_space<vmem>>) offsets(%arg10 : memref<128xi32, #tpu.memory_space<vmem>>) semaphore(%arg20 : memref<!tpu.dma_semaphore, #tpu.memory_space<semaphore_mem>>)
    %dma_wait3A_122 = arith.constant 0 : i32
    %dma_wait3A_123 = arith.constant 0 : i32
    %dma_wait3A_124 = tpu.memref_slice %arg2[%dma_wait3A_122, %dma_wait3A_123] : memref<40000x128xf32, #tpu.memory_space<hbm>> -> memref<40000x128xf32, #tpu.memory_space<hbm>>
    tpu.wait_indirect_dma semaphore(%arg21 : memref<!tpu.dma_semaphore, #tpu.memory_space<semaphore_mem>>) src(%dma_wait3A_124 : memref<40000x128xf32, #tpu.memory_space<hbm>>) dst(%arg15 : memref<128x128xf32, #tpu.memory_space<vmem>>)
    %dma_start3A_125 = arith.constant 79 : i32
    %dma_start3A_126 = arith.constant 0 : i32
    %dma_start3A_127 = tpu.memref_slice %arg9[%dma_start3A_125, %dma_start3A_126] : memref<80x128xi32, #tpu.memory_space<vmem>> -> memref<1x128xi32, #tpu.memory_space<vmem>>
    %dma_start3A_128 = tpu.memref_squeeze %dma_start3A_127 : memref<1x128xi32, #tpu.memory_space<vmem>> -> memref<128xi32, #tpu.memory_space<vmem>>
    %dma_start3A_129 = arith.constant 0 : i32
    %dma_start3A_130 = arith.constant 0 : i32
    %dma_start3A_131 = tpu.memref_slice %arg8[%dma_start3A_129, %dma_start3A_130] : memref<10112x128xf32, #tpu.memory_space<vmem_shared>> -> memref<10112x128xf32, #tpu.memory_space<vmem_shared>>
    tpu.enqueue_indirect_dma source(%arg15 : memref<128x128xf32, #tpu.memory_space<vmem>>) target(%dma_start3A_131 : memref<10112x128xf32, #tpu.memory_space<vmem_shared>>) offsets(%dma_start3A_128 : memref<128xi32, #tpu.memory_space<vmem>>) semaphore(%arg23 : memref<!tpu.dma_semaphore, #tpu.memory_space<semaphore_mem>>) {add = true}
    %dma_wait3A_132 = arith.constant 0 : i32
    %dma_wait3A_133 = arith.constant 0 : i32
    %dma_wait3A_134 = tpu.memref_slice %arg9[%dma_wait3A_132, %dma_wait3A_133] : memref<80x128xi32, #tpu.memory_space<vmem>> -> memref<1x128xi32, #tpu.memory_space<vmem>>
    %dma_wait3A_135 = tpu.memref_squeeze %dma_wait3A_134 : memref<1x128xi32, #tpu.memory_space<vmem>> -> memref<128xi32, #tpu.memory_space<vmem>>
    %dma_wait3A_136 = arith.constant 0 : i32
    %dma_wait3A_137 = arith.constant 0 : i32
    %dma_wait3A_138 = tpu.memref_slice %arg8[%dma_wait3A_136, %dma_wait3A_137] : memref<10112x128xf32, #tpu.memory_space<vmem_shared>> -> memref<10112x128xf32, #tpu.memory_space<vmem_shared>>
    tpu.wait_indirect_dma semaphore(%arg23 : memref<!tpu.dma_semaphore, #tpu.memory_space<semaphore_mem>>) src(%arg15 : memref<128x128xf32, #tpu.memory_space<vmem>>) dst(%dma_wait3A_138 : memref<10112x128xf32, #tpu.memory_space<vmem_shared>>)
    %dma_wait3A_139 = arith.constant 0 : i32
    %dma_wait3A_140 = tpu.memref_slice %arg3[%dma_wait3A_139] : memref<655360xi32, #tpu.memory_space<hbm>> -> memref<128xi32, #tpu.memory_space<hbm>>
    %dma_wait3A_141 = arith.constant 0 : i32
    %dma_wait3A_142 = tpu.memref_slice %arg3[%dma_wait3A_141] : memref<655360xi32, #tpu.memory_space<hbm>> -> memref<128xi32, #tpu.memory_space<hbm>>
    tpu.wait_dma2 semaphore(%arg17 : memref<!tpu.dma_semaphore, #tpu.memory_space<semaphore_mem>>) src(%dma_wait3A_142 : memref<128xi32, #tpu.memory_space<hbm>>) dst(%arg11 : memref<128xi32, #tpu.memory_space<vmem>>)
    %dma_wait3A_143 = arith.constant 0 : i32
    %dma_wait3A_144 = arith.constant 0 : i32
    %dma_wait3A_145 = tpu.memref_slice %arg2[%dma_wait3A_143, %dma_wait3A_144] : memref<40000x128xf32, #tpu.memory_space<hbm>> -> memref<40000x128xf32, #tpu.memory_space<hbm>>
    tpu.wait_indirect_dma semaphore(%arg20 : memref<!tpu.dma_semaphore, #tpu.memory_space<semaphore_mem>>) src(%dma_wait3A_145 : memref<40000x128xf32, #tpu.memory_space<hbm>>) dst(%arg14 : memref<128x128xf32, #tpu.memory_space<vmem>>)
    %barrier3A_146 = arith.constant 0 : index
    tpu.barrier barrier_id(%barrier3A_146)
    "tpu.region"() ({
      %run_scoped3A = tpu.sem_alloc : memref<!tpu.dma_semaphore, #tpu.memory_space<semaphore_mem>>
      %dma_start3A_299 = arith.constant 0 : i32
      %dma_start3A_300 = tpu.memref_slice %arg7[%add3A_3, %mul3A_0, %dma_start3A_299] : memref<4x10112x128xf32, #tpu.memory_space<hbm>> -> memref<1x632x128xf32, #tpu.memory_space<hbm>>
      %dma_start3A_301 = tpu.memref_squeeze %dma_start3A_300 : memref<1x632x128xf32, #tpu.memory_space<hbm>> -> memref<632x128xf32, #tpu.memory_space<hbm>>
      %dma_start3A_302 = arith.constant 0 : i32
      %dma_start3A_303 = tpu.memref_slice %arg8[%mul3A_0, %dma_start3A_302] : memref<10112x128xf32, #tpu.memory_space<vmem_shared>> -> memref<632x128xf32, #tpu.memory_space<vmem_shared>>
      tpu.enqueue_dma source(%dma_start3A_303 : memref<632x128xf32, #tpu.memory_space<vmem_shared>>) target(%dma_start3A_301 : memref<632x128xf32, #tpu.memory_space<hbm>>) target_semaphore(%run_scoped3A : memref<!tpu.dma_semaphore, #tpu.memory_space<semaphore_mem>>)
      %dma_wait3A_304 = arith.constant 0 : i32
      %dma_wait3A_305 = tpu.memref_slice %arg7[%add3A_3, %mul3A_0, %dma_wait3A_304] : memref<4x10112x128xf32, #tpu.memory_space<hbm>> -> memref<1x632x128xf32, #tpu.memory_space<hbm>>
      %dma_wait3A_306 = tpu.memref_squeeze %dma_wait3A_305 : memref<1x632x128xf32, #tpu.memory_space<hbm>> -> memref<632x128xf32, #tpu.memory_space<hbm>>
      %dma_wait3A_307 = arith.constant 0 : i32
      %dma_wait3A_308 = tpu.memref_slice %arg8[%mul3A_0, %dma_wait3A_307] : memref<10112x128xf32, #tpu.memory_space<vmem_shared>> -> memref<632x128xf32, #tpu.memory_space<vmem_shared>>
      tpu.wait_dma2 semaphore(%run_scoped3A : memref<!tpu.dma_semaphore, #tpu.memory_space<semaphore_mem>>) src(%dma_wait3A_308 : memref<632x128xf32, #tpu.memory_space<vmem_shared>>) dst(%dma_wait3A_306 : memref<632x128xf32, #tpu.memory_space<hbm>>)
      tpu.yield
    }) : () -> ()
    %barrier3A_147 = arith.constant 0 : index
    tpu.barrier barrier_id(%barrier3A_147)
    %mul3A_148 = arith.constant 2 : i32
    %mul3A_149 = arith.muli %arg0, %mul3A_148 : i32
    %add3A_150 = arith.constant 1 : i32
    %add3A_151 = arith.addi %mul3A_149, %add3A_150 : i32
    "tpu.region"() ({
      %run_scoped3A = tpu.sem_alloc : memref<!tpu.dma_semaphore, #tpu.memory_space<semaphore_mem>>
      %dma_start3A_299 = arith.constant 0 : i32
      %dma_start3A_300 = tpu.memref_slice %arg8[%mul3A_0, %dma_start3A_299] : memref<10112x128xf32, #tpu.memory_space<vmem_shared>> -> memref<632x128xf32, #tpu.memory_space<vmem_shared>>
      tpu.enqueue_dma source(%arg5 : memref<632x128xf32, #tpu.memory_space<hbm>>) target(%dma_start3A_300 : memref<632x128xf32, #tpu.memory_space<vmem_shared>>) target_semaphore(%run_scoped3A : memref<!tpu.dma_semaphore, #tpu.memory_space<semaphore_mem>>)
      %dma_wait3A_301 = arith.constant 0 : i32
      %dma_wait3A_302 = tpu.memref_slice %arg8[%mul3A_0, %dma_wait3A_301] : memref<10112x128xf32, #tpu.memory_space<vmem_shared>> -> memref<632x128xf32, #tpu.memory_space<vmem_shared>>
      tpu.wait_dma2 semaphore(%run_scoped3A : memref<!tpu.dma_semaphore, #tpu.memory_space<semaphore_mem>>) src(%arg5 : memref<632x128xf32, #tpu.memory_space<hbm>>) dst(%dma_wait3A_302 : memref<632x128xf32, #tpu.memory_space<vmem_shared>>)
      tpu.yield
    }) : () -> ()
    %mul3A_152 = arith.constant 163840 : i32
    %mul3A_153 = arith.muli %add3A_151, %mul3A_152 : i32
    %mul3A_154 = arith.constant 10240 : i32
    %mul3A_155 = arith.muli %arg1, %mul3A_154 : i32
    %add3A_156 = arith.addi %mul3A_153, %mul3A_155 : i32
    %barrier3A_157 = arith.constant 0 : index
    tpu.barrier barrier_id(%barrier3A_157)
    %add3A_158 = arith.constant 0 : i32
    %add3A_159 = arith.addi %add3A_156, %add3A_158 : i32
    %dma_start3A_160 = tpu.memref_slice %arg3[%add3A_159] : memref<655360xi32, #tpu.memory_space<hbm>> -> memref<128xi32, #tpu.memory_space<hbm>>
    %dma_start3A_161 = tpu.memref_slice %arg3[%add3A_159] : memref<655360xi32, #tpu.memory_space<hbm>> -> memref<128xi32, #tpu.memory_space<hbm>>
    tpu.enqueue_dma source(%dma_start3A_161 : memref<128xi32, #tpu.memory_space<hbm>>) target(%arg10 : memref<128xi32, #tpu.memory_space<vmem>>) target_semaphore(%arg16 : memref<!tpu.dma_semaphore, #tpu.memory_space<semaphore_mem>>)
    %add3A_162 = arith.constant 128 : i32
    %add3A_163 = arith.addi %add3A_156, %add3A_162 : i32
    %dma_start3A_164 = tpu.memref_slice %arg3[%add3A_163] : memref<655360xi32, #tpu.memory_space<hbm>> -> memref<128xi32, #tpu.memory_space<hbm>>
    %dma_start3A_165 = tpu.memref_slice %arg3[%add3A_163] : memref<655360xi32, #tpu.memory_space<hbm>> -> memref<128xi32, #tpu.memory_space<hbm>>
    tpu.enqueue_dma source(%dma_start3A_165 : memref<128xi32, #tpu.memory_space<hbm>>) target(%arg11 : memref<128xi32, #tpu.memory_space<vmem>>) target_semaphore(%arg17 : memref<!tpu.dma_semaphore, #tpu.memory_space<semaphore_mem>>)
    %dma_wait3A_166 = arith.constant 0 : i32
    %dma_wait3A_167 = tpu.memref_slice %arg3[%dma_wait3A_166] : memref<655360xi32, #tpu.memory_space<hbm>> -> memref<128xi32, #tpu.memory_space<hbm>>
    %dma_wait3A_168 = arith.constant 0 : i32
    %dma_wait3A_169 = tpu.memref_slice %arg3[%dma_wait3A_168] : memref<655360xi32, #tpu.memory_space<hbm>> -> memref<128xi32, #tpu.memory_space<hbm>>
    tpu.wait_dma2 semaphore(%arg16 : memref<!tpu.dma_semaphore, #tpu.memory_space<semaphore_mem>>) src(%dma_wait3A_169 : memref<128xi32, #tpu.memory_space<hbm>>) dst(%arg10 : memref<128xi32, #tpu.memory_space<vmem>>)
    %dma_start3A_170 = arith.constant 0 : i32
    %dma_start3A_171 = arith.constant 0 : i32
    %dma_start3A_172 = tpu.memref_slice %arg2[%dma_start3A_170, %dma_start3A_171] : memref<40000x128xf32, #tpu.memory_space<hbm>> -> memref<40000x128xf32, #tpu.memory_space<hbm>>
    tpu.enqueue_indirect_dma source(%dma_start3A_172 : memref<40000x128xf32, #tpu.memory_space<hbm>>) target(%arg14 : memref<128x128xf32, #tpu.memory_space<vmem>>) offsets(%arg10 : memref<128xi32, #tpu.memory_space<vmem>>) semaphore(%arg20 : memref<!tpu.dma_semaphore, #tpu.memory_space<semaphore_mem>>)
    %add3A_173 = arith.constant 256 : i32
    %add3A_174 = arith.addi %add3A_156, %add3A_173 : i32
    %dma_start3A_175 = tpu.memref_slice %arg3[%add3A_174] : memref<655360xi32, #tpu.memory_space<hbm>> -> memref<128xi32, #tpu.memory_space<hbm>>
    %dma_start3A_176 = tpu.memref_slice %arg3[%add3A_174] : memref<655360xi32, #tpu.memory_space<hbm>> -> memref<128xi32, #tpu.memory_space<hbm>>
    tpu.enqueue_dma source(%dma_start3A_176 : memref<128xi32, #tpu.memory_space<hbm>>) target(%arg12 : memref<128xi32, #tpu.memory_space<vmem>>) target_semaphore(%arg18 : memref<!tpu.dma_semaphore, #tpu.memory_space<semaphore_mem>>)
    %dma_wait3A_177 = arith.constant 0 : i32
    %dma_wait3A_178 = tpu.memref_slice %arg3[%dma_wait3A_177] : memref<655360xi32, #tpu.memory_space<hbm>> -> memref<128xi32, #tpu.memory_space<hbm>>
    %dma_wait3A_179 = arith.constant 0 : i32
    %dma_wait3A_180 = tpu.memref_slice %arg3[%dma_wait3A_179] : memref<655360xi32, #tpu.memory_space<hbm>> -> memref<128xi32, #tpu.memory_space<hbm>>
    tpu.wait_dma2 semaphore(%arg17 : memref<!tpu.dma_semaphore, #tpu.memory_space<semaphore_mem>>) src(%dma_wait3A_180 : memref<128xi32, #tpu.memory_space<hbm>>) dst(%arg11 : memref<128xi32, #tpu.memory_space<vmem>>)
    %dma_start3A_181 = arith.constant 0 : i32
    %dma_start3A_182 = arith.constant 0 : i32
    %dma_start3A_183 = tpu.memref_slice %arg2[%dma_start3A_181, %dma_start3A_182] : memref<40000x128xf32, #tpu.memory_space<hbm>> -> memref<40000x128xf32, #tpu.memory_space<hbm>>
    tpu.enqueue_indirect_dma source(%dma_start3A_183 : memref<40000x128xf32, #tpu.memory_space<hbm>>) target(%arg15 : memref<128x128xf32, #tpu.memory_space<vmem>>) offsets(%arg11 : memref<128xi32, #tpu.memory_space<vmem>>) semaphore(%arg21 : memref<!tpu.dma_semaphore, #tpu.memory_space<semaphore_mem>>)
    %dma_wait3A_184 = arith.constant 0 : i32
    %dma_wait3A_185 = arith.constant 0 : i32
    %dma_wait3A_186 = tpu.memref_slice %arg2[%dma_wait3A_184, %dma_wait3A_185] : memref<40000x128xf32, #tpu.memory_space<hbm>> -> memref<40000x128xf32, #tpu.memory_space<hbm>>
    tpu.wait_indirect_dma semaphore(%arg20 : memref<!tpu.dma_semaphore, #tpu.memory_space<semaphore_mem>>) src(%dma_wait3A_186 : memref<40000x128xf32, #tpu.memory_space<hbm>>) dst(%arg14 : memref<128x128xf32, #tpu.memory_space<vmem>>)
    %dma_start3A_187 = arith.constant 0 : i32
    %dma_start3A_188 = arith.constant 0 : i32
    %dma_start3A_189 = tpu.memref_slice %arg9[%dma_start3A_187, %dma_start3A_188] : memref<80x128xi32, #tpu.memory_space<vmem>> -> memref<1x128xi32, #tpu.memory_space<vmem>>
    %dma_start3A_190 = tpu.memref_squeeze %dma_start3A_189 : memref<1x128xi32, #tpu.memory_space<vmem>> -> memref<128xi32, #tpu.memory_space<vmem>>
    %dma_start3A_191 = arith.constant 0 : i32
    %dma_start3A_192 = arith.constant 0 : i32
    %dma_start3A_193 = tpu.memref_slice %arg8[%dma_start3A_191, %dma_start3A_192] : memref<10112x128xf32, #tpu.memory_space<vmem_shared>> -> memref<10112x128xf32, #tpu.memory_space<vmem_shared>>
    tpu.enqueue_indirect_dma source(%arg14 : memref<128x128xf32, #tpu.memory_space<vmem>>) target(%dma_start3A_193 : memref<10112x128xf32, #tpu.memory_space<vmem_shared>>) offsets(%dma_start3A_190 : memref<128xi32, #tpu.memory_space<vmem>>) semaphore(%arg22 : memref<!tpu.dma_semaphore, #tpu.memory_space<semaphore_mem>>) {add = true}
    %scan3A_194 = arith.constant 0 : i32
    %scan3A_195 = arith.constant 0 : i32
    %scan3A_196 = arith.constant 19 : i32
    %scan3A_197 = arith.addi %scan3A_195, %scan3A_196 : i32
    %scan3A_198 = arith.constant 1 : i32
    scf.for %scan3A_299 = %scan3A_195 to %scan3A_197 step %scan3A_198  : i32 {
      %mul3A_300 = arith.constant 4 : i32
      %mul3A_301 = arith.muli %scan3A_299, %mul3A_300 : i32
      %add3A_302 = arith.constant 1 : i32
      %add3A_303 = arith.addi %mul3A_301, %add3A_302 : i32
      %add3A_304 = arith.constant 0 : i32
      %add3A_305 = arith.addi %add3A_303, %add3A_304 : i32
      %add3A_306 = arith.constant 2 : i32
      %add3A_307 = arith.addi %add3A_305, %add3A_306 : i32
      %mul3A_308 = arith.constant 128 : i32
      %mul3A_309 = arith.muli %add3A_307, %mul3A_308 : i32
      %add3A_310 = arith.addi %add3A_156, %mul3A_309 : i32
      %dma_start3A_311 = tpu.memref_slice %arg3[%add3A_310] : memref<655360xi32, #tpu.memory_space<hbm>> -> memref<128xi32, #tpu.memory_space<hbm>>
      %dma_start3A_312 = tpu.memref_slice %arg3[%add3A_310] : memref<655360xi32, #tpu.memory_space<hbm>> -> memref<128xi32, #tpu.memory_space<hbm>>
      tpu.enqueue_dma source(%dma_start3A_312 : memref<128xi32, #tpu.memory_space<hbm>>) target(%arg13 : memref<128xi32, #tpu.memory_space<vmem>>) target_semaphore(%arg19 : memref<!tpu.dma_semaphore, #tpu.memory_space<semaphore_mem>>)
      %dma_wait3A_313 = arith.constant 0 : i32
      %dma_wait3A_314 = arith.constant 0 : i32
      %dma_wait3A_315 = tpu.memref_slice %arg9[%dma_wait3A_313, %dma_wait3A_314] : memref<80x128xi32, #tpu.memory_space<vmem>> -> memref<1x128xi32, #tpu.memory_space<vmem>>
      %dma_wait3A_316 = tpu.memref_squeeze %dma_wait3A_315 : memref<1x128xi32, #tpu.memory_space<vmem>> -> memref<128xi32, #tpu.memory_space<vmem>>
      %dma_wait3A_317 = arith.constant 0 : i32
      %dma_wait3A_318 = arith.constant 0 : i32
      %dma_wait3A_319 = tpu.memref_slice %arg8[%dma_wait3A_317, %dma_wait3A_318] : memref<10112x128xf32, #tpu.memory_space<vmem_shared>> -> memref<10112x128xf32, #tpu.memory_space<vmem_shared>>
      tpu.wait_indirect_dma semaphore(%arg22 : memref<!tpu.dma_semaphore, #tpu.memory_space<semaphore_mem>>) src(%arg14 : memref<128x128xf32, #tpu.memory_space<vmem>>) dst(%dma_wait3A_319 : memref<10112x128xf32, #tpu.memory_space<vmem_shared>>)
      %dma_wait3A_320 = arith.constant 0 : i32
      %dma_wait3A_321 = tpu.memref_slice %arg3[%dma_wait3A_320] : memref<655360xi32, #tpu.memory_space<hbm>> -> memref<128xi32, #tpu.memory_space<hbm>>
      %dma_wait3A_322 = arith.constant 0 : i32
      %dma_wait3A_323 = tpu.memref_slice %arg3[%dma_wait3A_322] : memref<655360xi32, #tpu.memory_space<hbm>> -> memref<128xi32, #tpu.memory_space<hbm>>
      tpu.wait_dma2 semaphore(%arg18 : memref<!tpu.dma_semaphore, #tpu.memory_space<semaphore_mem>>) src(%dma_wait3A_323 : memref<128xi32, #tpu.memory_space<hbm>>) dst(%arg12 : memref<128xi32, #tpu.memory_space<vmem>>)
      %dma_start3A_324 = arith.constant 0 : i32
      %dma_start3A_325 = arith.constant 0 : i32
      %dma_start3A_326 = tpu.memref_slice %arg2[%dma_start3A_324, %dma_start3A_325] : memref<40000x128xf32, #tpu.memory_space<hbm>> -> memref<40000x128xf32, #tpu.memory_space<hbm>>
      tpu.enqueue_indirect_dma source(%dma_start3A_326 : memref<40000x128xf32, #tpu.memory_space<hbm>>) target(%arg14 : memref<128x128xf32, #tpu.memory_space<vmem>>) offsets(%arg12 : memref<128xi32, #tpu.memory_space<vmem>>) semaphore(%arg20 : memref<!tpu.dma_semaphore, #tpu.memory_space<semaphore_mem>>)
      %dma_wait3A_327 = arith.constant 0 : i32
      %dma_wait3A_328 = arith.constant 0 : i32
      %dma_wait3A_329 = tpu.memref_slice %arg2[%dma_wait3A_327, %dma_wait3A_328] : memref<40000x128xf32, #tpu.memory_space<hbm>> -> memref<40000x128xf32, #tpu.memory_space<hbm>>
      tpu.wait_indirect_dma semaphore(%arg21 : memref<!tpu.dma_semaphore, #tpu.memory_space<semaphore_mem>>) src(%dma_wait3A_329 : memref<40000x128xf32, #tpu.memory_space<hbm>>) dst(%arg15 : memref<128x128xf32, #tpu.memory_space<vmem>>)
      %dma_start3A_330 = arith.constant 0 : i32
      %dma_start3A_331 = tpu.memref_slice %arg9[%add3A_305, %dma_start3A_330] : memref<80x128xi32, #tpu.memory_space<vmem>> -> memref<1x128xi32, #tpu.memory_space<vmem>>
      %dma_start3A_332 = tpu.memref_squeeze %dma_start3A_331 : memref<1x128xi32, #tpu.memory_space<vmem>> -> memref<128xi32, #tpu.memory_space<vmem>>
      %dma_start3A_333 = arith.constant 0 : i32
      %dma_start3A_334 = arith.constant 0 : i32
      %dma_start3A_335 = tpu.memref_slice %arg8[%dma_start3A_333, %dma_start3A_334] : memref<10112x128xf32, #tpu.memory_space<vmem_shared>> -> memref<10112x128xf32, #tpu.memory_space<vmem_shared>>
      tpu.enqueue_indirect_dma source(%arg15 : memref<128x128xf32, #tpu.memory_space<vmem>>) target(%dma_start3A_335 : memref<10112x128xf32, #tpu.memory_space<vmem_shared>>) offsets(%dma_start3A_332 : memref<128xi32, #tpu.memory_space<vmem>>) semaphore(%arg23 : memref<!tpu.dma_semaphore, #tpu.memory_space<semaphore_mem>>) {add = true}
      %mul3A_336 = arith.constant 4 : i32
      %mul3A_337 = arith.muli %scan3A_299, %mul3A_336 : i32
      %add3A_338 = arith.constant 1 : i32
      %add3A_339 = arith.addi %mul3A_337, %add3A_338 : i32
      %add3A_340 = arith.constant 1 : i32
      %add3A_341 = arith.addi %add3A_339, %add3A_340 : i32
      %add3A_342 = arith.constant 2 : i32
      %add3A_343 = arith.addi %add3A_341, %add3A_342 : i32
      %mul3A_344 = arith.constant 128 : i32
      %mul3A_345 = arith.muli %add3A_343, %mul3A_344 : i32
      %add3A_346 = arith.addi %add3A_156, %mul3A_345 : i32
      %dma_start3A_347 = tpu.memref_slice %arg3[%add3A_346] : memref<655360xi32, #tpu.memory_space<hbm>> -> memref<128xi32, #tpu.memory_space<hbm>>
      %dma_start3A_348 = tpu.memref_slice %arg3[%add3A_346] : memref<655360xi32, #tpu.memory_space<hbm>> -> memref<128xi32, #tpu.memory_space<hbm>>
      tpu.enqueue_dma source(%dma_start3A_348 : memref<128xi32, #tpu.memory_space<hbm>>) target(%arg10 : memref<128xi32, #tpu.memory_space<vmem>>) target_semaphore(%arg16 : memref<!tpu.dma_semaphore, #tpu.memory_space<semaphore_mem>>)
      %dma_wait3A_349 = arith.constant 0 : i32
      %dma_wait3A_350 = arith.constant 0 : i32
      %dma_wait3A_351 = tpu.memref_slice %arg9[%dma_wait3A_349, %dma_wait3A_350] : memref<80x128xi32, #tpu.memory_space<vmem>> -> memref<1x128xi32, #tpu.memory_space<vmem>>
      %dma_wait3A_352 = tpu.memref_squeeze %dma_wait3A_351 : memref<1x128xi32, #tpu.memory_space<vmem>> -> memref<128xi32, #tpu.memory_space<vmem>>
      %dma_wait3A_353 = arith.constant 0 : i32
      %dma_wait3A_354 = arith.constant 0 : i32
      %dma_wait3A_355 = tpu.memref_slice %arg8[%dma_wait3A_353, %dma_wait3A_354] : memref<10112x128xf32, #tpu.memory_space<vmem_shared>> -> memref<10112x128xf32, #tpu.memory_space<vmem_shared>>
      tpu.wait_indirect_dma semaphore(%arg23 : memref<!tpu.dma_semaphore, #tpu.memory_space<semaphore_mem>>) src(%arg15 : memref<128x128xf32, #tpu.memory_space<vmem>>) dst(%dma_wait3A_355 : memref<10112x128xf32, #tpu.memory_space<vmem_shared>>)
      %dma_wait3A_356 = arith.constant 0 : i32
      %dma_wait3A_357 = tpu.memref_slice %arg3[%dma_wait3A_356] : memref<655360xi32, #tpu.memory_space<hbm>> -> memref<128xi32, #tpu.memory_space<hbm>>
      %dma_wait3A_358 = arith.constant 0 : i32
      %dma_wait3A_359 = tpu.memref_slice %arg3[%dma_wait3A_358] : memref<655360xi32, #tpu.memory_space<hbm>> -> memref<128xi32, #tpu.memory_space<hbm>>
      tpu.wait_dma2 semaphore(%arg19 : memref<!tpu.dma_semaphore, #tpu.memory_space<semaphore_mem>>) src(%dma_wait3A_359 : memref<128xi32, #tpu.memory_space<hbm>>) dst(%arg13 : memref<128xi32, #tpu.memory_space<vmem>>)
      %dma_start3A_360 = arith.constant 0 : i32
      %dma_start3A_361 = arith.constant 0 : i32
      %dma_start3A_362 = tpu.memref_slice %arg2[%dma_start3A_360, %dma_start3A_361] : memref<40000x128xf32, #tpu.memory_space<hbm>> -> memref<40000x128xf32, #tpu.memory_space<hbm>>
      tpu.enqueue_indirect_dma source(%dma_start3A_362 : memref<40000x128xf32, #tpu.memory_space<hbm>>) target(%arg15 : memref<128x128xf32, #tpu.memory_space<vmem>>) offsets(%arg13 : memref<128xi32, #tpu.memory_space<vmem>>) semaphore(%arg21 : memref<!tpu.dma_semaphore, #tpu.memory_space<semaphore_mem>>)
      %dma_wait3A_363 = arith.constant 0 : i32
      %dma_wait3A_364 = arith.constant 0 : i32
      %dma_wait3A_365 = tpu.memref_slice %arg2[%dma_wait3A_363, %dma_wait3A_364] : memref<40000x128xf32, #tpu.memory_space<hbm>> -> memref<40000x128xf32, #tpu.memory_space<hbm>>
      tpu.wait_indirect_dma semaphore(%arg20 : memref<!tpu.dma_semaphore, #tpu.memory_space<semaphore_mem>>) src(%dma_wait3A_365 : memref<40000x128xf32, #tpu.memory_space<hbm>>) dst(%arg14 : memref<128x128xf32, #tpu.memory_space<vmem>>)
      %dma_start3A_366 = arith.constant 0 : i32
      %dma_start3A_367 = tpu.memref_slice %arg9[%add3A_341, %dma_start3A_366] : memref<80x128xi32, #tpu.memory_space<vmem>> -> memref<1x128xi32, #tpu.memory_space<vmem>>
      %dma_start3A_368 = tpu.memref_squeeze %dma_start3A_367 : memref<1x128xi32, #tpu.memory_space<vmem>> -> memref<128xi32, #tpu.memory_space<vmem>>
      %dma_start3A_369 = arith.constant 0 : i32
      %dma_start3A_370 = arith.constant 0 : i32
      %dma_start3A_371 = tpu.memref_slice %arg8[%dma_start3A_369, %dma_start3A_370] : memref<10112x128xf32, #tpu.memory_space<vmem_shared>> -> memref<10112x128xf32, #tpu.memory_space<vmem_shared>>
      tpu.enqueue_indirect_dma source(%arg14 : memref<128x128xf32, #tpu.memory_space<vmem>>) target(%dma_start3A_371 : memref<10112x128xf32, #tpu.memory_space<vmem_shared>>) offsets(%dma_start3A_368 : memref<128xi32, #tpu.memory_space<vmem>>) semaphore(%arg22 : memref<!tpu.dma_semaphore, #tpu.memory_space<semaphore_mem>>) {add = true}
      %mul3A_372 = arith.constant 4 : i32
      %mul3A_373 = arith.muli %scan3A_299, %mul3A_372 : i32
      %add3A_374 = arith.constant 1 : i32
      %add3A_375 = arith.addi %mul3A_373, %add3A_374 : i32
      %add3A_376 = arith.constant 2 : i32
      %add3A_377 = arith.addi %add3A_375, %add3A_376 : i32
      %add3A_378 = arith.constant 2 : i32
      %add3A_379 = arith.addi %add3A_377, %add3A_378 : i32
      %mul3A_380 = arith.constant 128 : i32
      %mul3A_381 = arith.muli %add3A_379, %mul3A_380 : i32
      %add3A_382 = arith.addi %add3A_156, %mul3A_381 : i32
      %dma_start3A_383 = tpu.memref_slice %arg3[%add3A_382] : memref<655360xi32, #tpu.memory_space<hbm>> -> memref<128xi32, #tpu.memory_space<hbm>>
      %dma_start3A_384 = tpu.memref_slice %arg3[%add3A_382] : memref<655360xi32, #tpu.memory_space<hbm>> -> memref<128xi32, #tpu.memory_space<hbm>>
      tpu.enqueue_dma source(%dma_start3A_384 : memref<128xi32, #tpu.memory_space<hbm>>) target(%arg11 : memref<128xi32, #tpu.memory_space<vmem>>) target_semaphore(%arg17 : memref<!tpu.dma_semaphore, #tpu.memory_space<semaphore_mem>>)
      %dma_wait3A_385 = arith.constant 0 : i32
      %dma_wait3A_386 = arith.constant 0 : i32
      %dma_wait3A_387 = tpu.memref_slice %arg9[%dma_wait3A_385, %dma_wait3A_386] : memref<80x128xi32, #tpu.memory_space<vmem>> -> memref<1x128xi32, #tpu.memory_space<vmem>>
      %dma_wait3A_388 = tpu.memref_squeeze %dma_wait3A_387 : memref<1x128xi32, #tpu.memory_space<vmem>> -> memref<128xi32, #tpu.memory_space<vmem>>
      %dma_wait3A_389 = arith.constant 0 : i32
      %dma_wait3A_390 = arith.constant 0 : i32
      %dma_wait3A_391 = tpu.memref_slice %arg8[%dma_wait3A_389, %dma_wait3A_390] : memref<10112x128xf32, #tpu.memory_space<vmem_shared>> -> memref<10112x128xf32, #tpu.memory_space<vmem_shared>>
      tpu.wait_indirect_dma semaphore(%arg22 : memref<!tpu.dma_semaphore, #tpu.memory_space<semaphore_mem>>) src(%arg14 : memref<128x128xf32, #tpu.memory_space<vmem>>) dst(%dma_wait3A_391 : memref<10112x128xf32, #tpu.memory_space<vmem_shared>>)
      %dma_wait3A_392 = arith.constant 0 : i32
      %dma_wait3A_393 = tpu.memref_slice %arg3[%dma_wait3A_392] : memref<655360xi32, #tpu.memory_space<hbm>> -> memref<128xi32, #tpu.memory_space<hbm>>
      %dma_wait3A_394 = arith.constant 0 : i32
      %dma_wait3A_395 = tpu.memref_slice %arg3[%dma_wait3A_394] : memref<655360xi32, #tpu.memory_space<hbm>> -> memref<128xi32, #tpu.memory_space<hbm>>
      tpu.wait_dma2 semaphore(%arg16 : memref<!tpu.dma_semaphore, #tpu.memory_space<semaphore_mem>>) src(%dma_wait3A_395 : memref<128xi32, #tpu.memory_space<hbm>>) dst(%arg10 : memref<128xi32, #tpu.memory_space<vmem>>)
      %dma_start3A_396 = arith.constant 0 : i32
      %dma_start3A_397 = arith.constant 0 : i32
      %dma_start3A_398 = tpu.memref_slice %arg2[%dma_start3A_396, %dma_start3A_397] : memref<40000x128xf32, #tpu.memory_space<hbm>> -> memref<40000x128xf32, #tpu.memory_space<hbm>>
      tpu.enqueue_indirect_dma source(%dma_start3A_398 : memref<40000x128xf32, #tpu.memory_space<hbm>>) target(%arg14 : memref<128x128xf32, #tpu.memory_space<vmem>>) offsets(%arg10 : memref<128xi32, #tpu.memory_space<vmem>>) semaphore(%arg20 : memref<!tpu.dma_semaphore, #tpu.memory_space<semaphore_mem>>)
      %dma_wait3A_399 = arith.constant 0 : i32
      %dma_wait3A_400 = arith.constant 0 : i32
      %dma_wait3A_401 = tpu.memref_slice %arg2[%dma_wait3A_399, %dma_wait3A_400] : memref<40000x128xf32, #tpu.memory_space<hbm>> -> memref<40000x128xf32, #tpu.memory_space<hbm>>
      tpu.wait_indirect_dma semaphore(%arg21 : memref<!tpu.dma_semaphore, #tpu.memory_space<semaphore_mem>>) src(%dma_wait3A_401 : memref<40000x128xf32, #tpu.memory_space<hbm>>) dst(%arg15 : memref<128x128xf32, #tpu.memory_space<vmem>>)
      %dma_start3A_402 = arith.constant 0 : i32
      %dma_start3A_403 = tpu.memref_slice %arg9[%add3A_377, %dma_start3A_402] : memref<80x128xi32, #tpu.memory_space<vmem>> -> memref<1x128xi32, #tpu.memory_space<vmem>>
      %dma_start3A_404 = tpu.memref_squeeze %dma_start3A_403 : memref<1x128xi32, #tpu.memory_space<vmem>> -> memref<128xi32, #tpu.memory_space<vmem>>
      %dma_start3A_405 = arith.constant 0 : i32
      %dma_start3A_406 = arith.constant 0 : i32
      %dma_start3A_407 = tpu.memref_slice %arg8[%dma_start3A_405, %dma_start3A_406] : memref<10112x128xf32, #tpu.memory_space<vmem_shared>> -> memref<10112x128xf32, #tpu.memory_space<vmem_shared>>
      tpu.enqueue_indirect_dma source(%arg15 : memref<128x128xf32, #tpu.memory_space<vmem>>) target(%dma_start3A_407 : memref<10112x128xf32, #tpu.memory_space<vmem_shared>>) offsets(%dma_start3A_404 : memref<128xi32, #tpu.memory_space<vmem>>) semaphore(%arg23 : memref<!tpu.dma_semaphore, #tpu.memory_space<semaphore_mem>>) {add = true}
      %mul3A_408 = arith.constant 4 : i32
      %mul3A_409 = arith.muli %scan3A_299, %mul3A_408 : i32
      %add3A_410 = arith.constant 1 : i32
      %add3A_411 = arith.addi %mul3A_409, %add3A_410 : i32
      %add3A_412 = arith.constant 3 : i32
      %add3A_413 = arith.addi %add3A_411, %add3A_412 : i32
      %add3A_414 = arith.constant 2 : i32
      %add3A_415 = arith.addi %add3A_413, %add3A_414 : i32
      %mul3A_416 = arith.constant 128 : i32
      %mul3A_417 = arith.muli %add3A_415, %mul3A_416 : i32
      %add3A_418 = arith.addi %add3A_156, %mul3A_417 : i32
      %dma_start3A_419 = tpu.memref_slice %arg3[%add3A_418] : memref<655360xi32, #tpu.memory_space<hbm>> -> memref<128xi32, #tpu.memory_space<hbm>>
      %dma_start3A_420 = tpu.memref_slice %arg3[%add3A_418] : memref<655360xi32, #tpu.memory_space<hbm>> -> memref<128xi32, #tpu.memory_space<hbm>>
      tpu.enqueue_dma source(%dma_start3A_420 : memref<128xi32, #tpu.memory_space<hbm>>) target(%arg12 : memref<128xi32, #tpu.memory_space<vmem>>) target_semaphore(%arg18 : memref<!tpu.dma_semaphore, #tpu.memory_space<semaphore_mem>>)
      %dma_wait3A_421 = arith.constant 0 : i32
      %dma_wait3A_422 = arith.constant 0 : i32
      %dma_wait3A_423 = tpu.memref_slice %arg9[%dma_wait3A_421, %dma_wait3A_422] : memref<80x128xi32, #tpu.memory_space<vmem>> -> memref<1x128xi32, #tpu.memory_space<vmem>>
      %dma_wait3A_424 = tpu.memref_squeeze %dma_wait3A_423 : memref<1x128xi32, #tpu.memory_space<vmem>> -> memref<128xi32, #tpu.memory_space<vmem>>
      %dma_wait3A_425 = arith.constant 0 : i32
      %dma_wait3A_426 = arith.constant 0 : i32
      %dma_wait3A_427 = tpu.memref_slice %arg8[%dma_wait3A_425, %dma_wait3A_426] : memref<10112x128xf32, #tpu.memory_space<vmem_shared>> -> memref<10112x128xf32, #tpu.memory_space<vmem_shared>>
      tpu.wait_indirect_dma semaphore(%arg23 : memref<!tpu.dma_semaphore, #tpu.memory_space<semaphore_mem>>) src(%arg15 : memref<128x128xf32, #tpu.memory_space<vmem>>) dst(%dma_wait3A_427 : memref<10112x128xf32, #tpu.memory_space<vmem_shared>>)
      %dma_wait3A_428 = arith.constant 0 : i32
      %dma_wait3A_429 = tpu.memref_slice %arg3[%dma_wait3A_428] : memref<655360xi32, #tpu.memory_space<hbm>> -> memref<128xi32, #tpu.memory_space<hbm>>
      %dma_wait3A_430 = arith.constant 0 : i32
      %dma_wait3A_431 = tpu.memref_slice %arg3[%dma_wait3A_430] : memref<655360xi32, #tpu.memory_space<hbm>> -> memref<128xi32, #tpu.memory_space<hbm>>
      tpu.wait_dma2 semaphore(%arg17 : memref<!tpu.dma_semaphore, #tpu.memory_space<semaphore_mem>>) src(%dma_wait3A_431 : memref<128xi32, #tpu.memory_space<hbm>>) dst(%arg11 : memref<128xi32, #tpu.memory_space<vmem>>)
      %dma_start3A_432 = arith.constant 0 : i32
      %dma_start3A_433 = arith.constant 0 : i32
      %dma_start3A_434 = tpu.memref_slice %arg2[%dma_start3A_432, %dma_start3A_433] : memref<40000x128xf32, #tpu.memory_space<hbm>> -> memref<40000x128xf32, #tpu.memory_space<hbm>>
      tpu.enqueue_indirect_dma source(%dma_start3A_434 : memref<40000x128xf32, #tpu.memory_space<hbm>>) target(%arg15 : memref<128x128xf32, #tpu.memory_space<vmem>>) offsets(%arg11 : memref<128xi32, #tpu.memory_space<vmem>>) semaphore(%arg21 : memref<!tpu.dma_semaphore, #tpu.memory_space<semaphore_mem>>)
      %dma_wait3A_435 = arith.constant 0 : i32
      %dma_wait3A_436 = arith.constant 0 : i32
      %dma_wait3A_437 = tpu.memref_slice %arg2[%dma_wait3A_435, %dma_wait3A_436] : memref<40000x128xf32, #tpu.memory_space<hbm>> -> memref<40000x128xf32, #tpu.memory_space<hbm>>
      tpu.wait_indirect_dma semaphore(%arg20 : memref<!tpu.dma_semaphore, #tpu.memory_space<semaphore_mem>>) src(%dma_wait3A_437 : memref<40000x128xf32, #tpu.memory_space<hbm>>) dst(%arg14 : memref<128x128xf32, #tpu.memory_space<vmem>>)
      %dma_start3A_438 = arith.constant 0 : i32
      %dma_start3A_439 = tpu.memref_slice %arg9[%add3A_413, %dma_start3A_438] : memref<80x128xi32, #tpu.memory_space<vmem>> -> memref<1x128xi32, #tpu.memory_space<vmem>>
      %dma_start3A_440 = tpu.memref_squeeze %dma_start3A_439 : memref<1x128xi32, #tpu.memory_space<vmem>> -> memref<128xi32, #tpu.memory_space<vmem>>
      %dma_start3A_441 = arith.constant 0 : i32
      %dma_start3A_442 = arith.constant 0 : i32
      %dma_start3A_443 = tpu.memref_slice %arg8[%dma_start3A_441, %dma_start3A_442] : memref<10112x128xf32, #tpu.memory_space<vmem_shared>> -> memref<10112x128xf32, #tpu.memory_space<vmem_shared>>
      tpu.enqueue_indirect_dma source(%arg14 : memref<128x128xf32, #tpu.memory_space<vmem>>) target(%dma_start3A_443 : memref<10112x128xf32, #tpu.memory_space<vmem_shared>>) offsets(%dma_start3A_440 : memref<128xi32, #tpu.memory_space<vmem>>) semaphore(%arg22 : memref<!tpu.dma_semaphore, #tpu.memory_space<semaphore_mem>>) {add = true}
    }
    %scan3A_199 = arith.constant 19 : i32
    %add3A_200 = arith.constant 10112 : i32
    %add3A_201 = arith.addi %add3A_156, %add3A_200 : i32
    %dma_start3A_202 = tpu.memref_slice %arg3[%add3A_201] : memref<655360xi32, #tpu.memory_space<hbm>> -> memref<128xi32, #tpu.memory_space<hbm>>
    %dma_start3A_203 = tpu.memref_slice %arg3[%add3A_201] : memref<655360xi32, #tpu.memory_space<hbm>> -> memref<128xi32, #tpu.memory_space<hbm>>
    tpu.enqueue_dma source(%dma_start3A_203 : memref<128xi32, #tpu.memory_space<hbm>>) target(%arg13 : memref<128xi32, #tpu.memory_space<vmem>>) target_semaphore(%arg19 : memref<!tpu.dma_semaphore, #tpu.memory_space<semaphore_mem>>)
    %dma_wait3A_204 = arith.constant 0 : i32
    %dma_wait3A_205 = arith.constant 0 : i32
    %dma_wait3A_206 = tpu.memref_slice %arg9[%dma_wait3A_204, %dma_wait3A_205] : memref<80x128xi32, #tpu.memory_space<vmem>> -> memref<1x128xi32, #tpu.memory_space<vmem>>
    %dma_wait3A_207 = tpu.memref_squeeze %dma_wait3A_206 : memref<1x128xi32, #tpu.memory_space<vmem>> -> memref<128xi32, #tpu.memory_space<vmem>>
    %dma_wait3A_208 = arith.constant 0 : i32
    %dma_wait3A_209 = arith.constant 0 : i32
    %dma_wait3A_210 = tpu.memref_slice %arg8[%dma_wait3A_208, %dma_wait3A_209] : memref<10112x128xf32, #tpu.memory_space<vmem_shared>> -> memref<10112x128xf32, #tpu.memory_space<vmem_shared>>
    tpu.wait_indirect_dma semaphore(%arg22 : memref<!tpu.dma_semaphore, #tpu.memory_space<semaphore_mem>>) src(%arg14 : memref<128x128xf32, #tpu.memory_space<vmem>>) dst(%dma_wait3A_210 : memref<10112x128xf32, #tpu.memory_space<vmem_shared>>)
    %dma_wait3A_211 = arith.constant 0 : i32
    %dma_wait3A_212 = tpu.memref_slice %arg3[%dma_wait3A_211] : memref<655360xi32, #tpu.memory_space<hbm>> -> memref<128xi32, #tpu.memory_space<hbm>>
    %dma_wait3A_213 = arith.constant 0 : i32
    %dma_wait3A_214 = tpu.memref_slice %arg3[%dma_wait3A_213] : memref<655360xi32, #tpu.memory_space<hbm>> -> memref<128xi32, #tpu.memory_space<hbm>>
    tpu.wait_dma2 semaphore(%arg18 : memref<!tpu.dma_semaphore, #tpu.memory_space<semaphore_mem>>) src(%dma_wait3A_214 : memref<128xi32, #tpu.memory_space<hbm>>) dst(%arg12 : memref<128xi32, #tpu.memory_space<vmem>>)
    %dma_start3A_215 = arith.constant 0 : i32
    %dma_start3A_216 = arith.constant 0 : i32
    %dma_start3A_217 = tpu.memref_slice %arg2[%dma_start3A_215, %dma_start3A_216] : memref<40000x128xf32, #tpu.memory_space<hbm>> -> memref<40000x128xf32, #tpu.memory_space<hbm>>
    tpu.enqueue_indirect_dma source(%dma_start3A_217 : memref<40000x128xf32, #tpu.memory_space<hbm>>) target(%arg14 : memref<128x128xf32, #tpu.memory_space<vmem>>) offsets(%arg12 : memref<128xi32, #tpu.memory_space<vmem>>) semaphore(%arg20 : memref<!tpu.dma_semaphore, #tpu.memory_space<semaphore_mem>>)
    %dma_wait3A_218 = arith.constant 0 : i32
    %dma_wait3A_219 = arith.constant 0 : i32
    %dma_wait3A_220 = tpu.memref_slice %arg2[%dma_wait3A_218, %dma_wait3A_219] : memref<40000x128xf32, #tpu.memory_space<hbm>> -> memref<40000x128xf32, #tpu.memory_space<hbm>>
    tpu.wait_indirect_dma semaphore(%arg21 : memref<!tpu.dma_semaphore, #tpu.memory_space<semaphore_mem>>) src(%dma_wait3A_220 : memref<40000x128xf32, #tpu.memory_space<hbm>>) dst(%arg15 : memref<128x128xf32, #tpu.memory_space<vmem>>)
    %dma_start3A_221 = arith.constant 77 : i32
    %dma_start3A_222 = arith.constant 0 : i32
    %dma_start3A_223 = tpu.memref_slice %arg9[%dma_start3A_221, %dma_start3A_222] : memref<80x128xi32, #tpu.memory_space<vmem>> -> memref<1x128xi32, #tpu.memory_space<vmem>>
    %dma_start3A_224 = tpu.memref_squeeze %dma_start3A_223 : memref<1x128xi32, #tpu.memory_space<vmem>> -> memref<128xi32, #tpu.memory_space<vmem>>
    %dma_start3A_225 = arith.constant 0 : i32
    %dma_start3A_226 = arith.constant 0 : i32
    %dma_start3A_227 = tpu.memref_slice %arg8[%dma_start3A_225, %dma_start3A_226] : memref<10112x128xf32, #tpu.memory_space<vmem_shared>> -> memref<10112x128xf32, #tpu.memory_space<vmem_shared>>
    tpu.enqueue_indirect_dma source(%arg15 : memref<128x128xf32, #tpu.memory_space<vmem>>) target(%dma_start3A_227 : memref<10112x128xf32, #tpu.memory_space<vmem_shared>>) offsets(%dma_start3A_224 : memref<128xi32, #tpu.memory_space<vmem>>) semaphore(%arg23 : memref<!tpu.dma_semaphore, #tpu.memory_space<semaphore_mem>>) {add = true}
    %add3A_228 = arith.constant 0 : i32
    %add3A_229 = arith.addi %add3A_156, %add3A_228 : i32
    %dma_start3A_230 = tpu.memref_slice %arg3[%add3A_229] : memref<655360xi32, #tpu.memory_space<hbm>> -> memref<128xi32, #tpu.memory_space<hbm>>
    %dma_start3A_231 = tpu.memref_slice %arg3[%add3A_229] : memref<655360xi32, #tpu.memory_space<hbm>> -> memref<128xi32, #tpu.memory_space<hbm>>
    tpu.enqueue_dma source(%dma_start3A_231 : memref<128xi32, #tpu.memory_space<hbm>>) target(%arg10 : memref<128xi32, #tpu.memory_space<vmem>>) target_semaphore(%arg16 : memref<!tpu.dma_semaphore, #tpu.memory_space<semaphore_mem>>)
    %dma_wait3A_232 = arith.constant 0 : i32
    %dma_wait3A_233 = arith.constant 0 : i32
    %dma_wait3A_234 = tpu.memref_slice %arg9[%dma_wait3A_232, %dma_wait3A_233] : memref<80x128xi32, #tpu.memory_space<vmem>> -> memref<1x128xi32, #tpu.memory_space<vmem>>
    %dma_wait3A_235 = tpu.memref_squeeze %dma_wait3A_234 : memref<1x128xi32, #tpu.memory_space<vmem>> -> memref<128xi32, #tpu.memory_space<vmem>>
    %dma_wait3A_236 = arith.constant 0 : i32
    %dma_wait3A_237 = arith.constant 0 : i32
    %dma_wait3A_238 = tpu.memref_slice %arg8[%dma_wait3A_236, %dma_wait3A_237] : memref<10112x128xf32, #tpu.memory_space<vmem_shared>> -> memref<10112x128xf32, #tpu.memory_space<vmem_shared>>
    tpu.wait_indirect_dma semaphore(%arg23 : memref<!tpu.dma_semaphore, #tpu.memory_space<semaphore_mem>>) src(%arg15 : memref<128x128xf32, #tpu.memory_space<vmem>>) dst(%dma_wait3A_238 : memref<10112x128xf32, #tpu.memory_space<vmem_shared>>)
    %dma_wait3A_239 = arith.constant 0 : i32
    %dma_wait3A_240 = tpu.memref_slice %arg3[%dma_wait3A_239] : memref<655360xi32, #tpu.memory_space<hbm>> -> memref<128xi32, #tpu.memory_space<hbm>>
    %dma_wait3A_241 = arith.constant 0 : i32
    %dma_wait3A_242 = tpu.memref_slice %arg3[%dma_wait3A_241] : memref<655360xi32, #tpu.memory_space<hbm>> -> memref<128xi32, #tpu.memory_space<hbm>>
    tpu.wait_dma2 semaphore(%arg19 : memref<!tpu.dma_semaphore, #tpu.memory_space<semaphore_mem>>) src(%dma_wait3A_242 : memref<128xi32, #tpu.memory_space<hbm>>) dst(%arg13 : memref<128xi32, #tpu.memory_space<vmem>>)
    %dma_start3A_243 = arith.constant 0 : i32
    %dma_start3A_244 = arith.constant 0 : i32
    %dma_start3A_245 = tpu.memref_slice %arg2[%dma_start3A_243, %dma_start3A_244] : memref<40000x128xf32, #tpu.memory_space<hbm>> -> memref<40000x128xf32, #tpu.memory_space<hbm>>
    tpu.enqueue_indirect_dma source(%dma_start3A_245 : memref<40000x128xf32, #tpu.memory_space<hbm>>) target(%arg15 : memref<128x128xf32, #tpu.memory_space<vmem>>) offsets(%arg13 : memref<128xi32, #tpu.memory_space<vmem>>) semaphore(%arg21 : memref<!tpu.dma_semaphore, #tpu.memory_space<semaphore_mem>>)
    %dma_wait3A_246 = arith.constant 0 : i32
    %dma_wait3A_247 = arith.constant 0 : i32
    %dma_wait3A_248 = tpu.memref_slice %arg2[%dma_wait3A_246, %dma_wait3A_247] : memref<40000x128xf32, #tpu.memory_space<hbm>> -> memref<40000x128xf32, #tpu.memory_space<hbm>>
    tpu.wait_indirect_dma semaphore(%arg20 : memref<!tpu.dma_semaphore, #tpu.memory_space<semaphore_mem>>) src(%dma_wait3A_248 : memref<40000x128xf32, #tpu.memory_space<hbm>>) dst(%arg14 : memref<128x128xf32, #tpu.memory_space<vmem>>)
    %dma_start3A_249 = arith.constant 78 : i32
    %dma_start3A_250 = arith.constant 0 : i32
    %dma_start3A_251 = tpu.memref_slice %arg9[%dma_start3A_249, %dma_start3A_250] : memref<80x128xi32, #tpu.memory_space<vmem>> -> memref<1x128xi32, #tpu.memory_space<vmem>>
    %dma_start3A_252 = tpu.memref_squeeze %dma_start3A_251 : memref<1x128xi32, #tpu.memory_space<vmem>> -> memref<128xi32, #tpu.memory_space<vmem>>
    %dma_start3A_253 = arith.constant 0 : i32
    %dma_start3A_254 = arith.constant 0 : i32
    %dma_start3A_255 = tpu.memref_slice %arg8[%dma_start3A_253, %dma_start3A_254] : memref<10112x128xf32, #tpu.memory_space<vmem_shared>> -> memref<10112x128xf32, #tpu.memory_space<vmem_shared>>
    tpu.enqueue_indirect_dma source(%arg14 : memref<128x128xf32, #tpu.memory_space<vmem>>) target(%dma_start3A_255 : memref<10112x128xf32, #tpu.memory_space<vmem_shared>>) offsets(%dma_start3A_252 : memref<128xi32, #tpu.memory_space<vmem>>) semaphore(%arg22 : memref<!tpu.dma_semaphore, #tpu.memory_space<semaphore_mem>>) {add = true}
    %add3A_256 = arith.constant 128 : i32
    %add3A_257 = arith.addi %add3A_156, %add3A_256 : i32
    %dma_start3A_258 = tpu.memref_slice %arg3[%add3A_257] : memref<655360xi32, #tpu.memory_space<hbm>> -> memref<128xi32, #tpu.memory_space<hbm>>
    %dma_start3A_259 = tpu.memref_slice %arg3[%add3A_257] : memref<655360xi32, #tpu.memory_space<hbm>> -> memref<128xi32, #tpu.memory_space<hbm>>
    tpu.enqueue_dma source(%dma_start3A_259 : memref<128xi32, #tpu.memory_space<hbm>>) target(%arg11 : memref<128xi32, #tpu.memory_space<vmem>>) target_semaphore(%arg17 : memref<!tpu.dma_semaphore, #tpu.memory_space<semaphore_mem>>)
    %dma_wait3A_260 = arith.constant 0 : i32
    %dma_wait3A_261 = arith.constant 0 : i32
    %dma_wait3A_262 = tpu.memref_slice %arg9[%dma_wait3A_260, %dma_wait3A_261] : memref<80x128xi32, #tpu.memory_space<vmem>> -> memref<1x128xi32, #tpu.memory_space<vmem>>
    %dma_wait3A_263 = tpu.memref_squeeze %dma_wait3A_262 : memref<1x128xi32, #tpu.memory_space<vmem>> -> memref<128xi32, #tpu.memory_space<vmem>>
    %dma_wait3A_264 = arith.constant 0 : i32
    %dma_wait3A_265 = arith.constant 0 : i32
    %dma_wait3A_266 = tpu.memref_slice %arg8[%dma_wait3A_264, %dma_wait3A_265] : memref<10112x128xf32, #tpu.memory_space<vmem_shared>> -> memref<10112x128xf32, #tpu.memory_space<vmem_shared>>
    tpu.wait_indirect_dma semaphore(%arg22 : memref<!tpu.dma_semaphore, #tpu.memory_space<semaphore_mem>>) src(%arg14 : memref<128x128xf32, #tpu.memory_space<vmem>>) dst(%dma_wait3A_266 : memref<10112x128xf32, #tpu.memory_space<vmem_shared>>)
    %dma_wait3A_267 = arith.constant 0 : i32
    %dma_wait3A_268 = tpu.memref_slice %arg3[%dma_wait3A_267] : memref<655360xi32, #tpu.memory_space<hbm>> -> memref<128xi32, #tpu.memory_space<hbm>>
    %dma_wait3A_269 = arith.constant 0 : i32
    %dma_wait3A_270 = tpu.memref_slice %arg3[%dma_wait3A_269] : memref<655360xi32, #tpu.memory_space<hbm>> -> memref<128xi32, #tpu.memory_space<hbm>>
    tpu.wait_dma2 semaphore(%arg16 : memref<!tpu.dma_semaphore, #tpu.memory_space<semaphore_mem>>) src(%dma_wait3A_270 : memref<128xi32, #tpu.memory_space<hbm>>) dst(%arg10 : memref<128xi32, #tpu.memory_space<vmem>>)
    %dma_start3A_271 = arith.constant 0 : i32
    %dma_start3A_272 = arith.constant 0 : i32
    %dma_start3A_273 = tpu.memref_slice %arg2[%dma_start3A_271, %dma_start3A_272] : memref<40000x128xf32, #tpu.memory_space<hbm>> -> memref<40000x128xf32, #tpu.memory_space<hbm>>
    tpu.enqueue_indirect_dma source(%dma_start3A_273 : memref<40000x128xf32, #tpu.memory_space<hbm>>) target(%arg14 : memref<128x128xf32, #tpu.memory_space<vmem>>) offsets(%arg10 : memref<128xi32, #tpu.memory_space<vmem>>) semaphore(%arg20 : memref<!tpu.dma_semaphore, #tpu.memory_space<semaphore_mem>>)
    %dma_wait3A_274 = arith.constant 0 : i32
    %dma_wait3A_275 = arith.constant 0 : i32
    %dma_wait3A_276 = tpu.memref_slice %arg2[%dma_wait3A_274, %dma_wait3A_275] : memref<40000x128xf32, #tpu.memory_space<hbm>> -> memref<40000x128xf32, #tpu.memory_space<hbm>>
    tpu.wait_indirect_dma semaphore(%arg21 : memref<!tpu.dma_semaphore, #tpu.memory_space<semaphore_mem>>) src(%dma_wait3A_276 : memref<40000x128xf32, #tpu.memory_space<hbm>>) dst(%arg15 : memref<128x128xf32, #tpu.memory_space<vmem>>)
    %dma_start3A_277 = arith.constant 79 : i32
    %dma_start3A_278 = arith.constant 0 : i32
    %dma_start3A_279 = tpu.memref_slice %arg9[%dma_start3A_277, %dma_start3A_278] : memref<80x128xi32, #tpu.memory_space<vmem>> -> memref<1x128xi32, #tpu.memory_space<vmem>>
    %dma_start3A_280 = tpu.memref_squeeze %dma_start3A_279 : memref<1x128xi32, #tpu.memory_space<vmem>> -> memref<128xi32, #tpu.memory_space<vmem>>
    %dma_start3A_281 = arith.constant 0 : i32
    %dma_start3A_282 = arith.constant 0 : i32
    %dma_start3A_283 = tpu.memref_slice %arg8[%dma_start3A_281, %dma_start3A_282] : memref<10112x128xf32, #tpu.memory_space<vmem_shared>> -> memref<10112x128xf32, #tpu.memory_space<vmem_shared>>
    tpu.enqueue_indirect_dma source(%arg15 : memref<128x128xf32, #tpu.memory_space<vmem>>) target(%dma_start3A_283 : memref<10112x128xf32, #tpu.memory_space<vmem_shared>>) offsets(%dma_start3A_280 : memref<128xi32, #tpu.memory_space<vmem>>) semaphore(%arg23 : memref<!tpu.dma_semaphore, #tpu.memory_space<semaphore_mem>>) {add = true}
    %dma_wait3A_284 = arith.constant 0 : i32
    %dma_wait3A_285 = arith.constant 0 : i32
    %dma_wait3A_286 = tpu.memref_slice %arg9[%dma_wait3A_284, %dma_wait3A_285] : memref<80x128xi32, #tpu.memory_space<vmem>> -> memref<1x128xi32, #tpu.memory_space<vmem>>
    %dma_wait3A_287 = tpu.memref_squeeze %dma_wait3A_286 : memref<1x128xi32, #tpu.memory_space<vmem>> -> memref<128xi32, #tpu.memory_space<vmem>>
    %dma_wait3A_288 = arith.constant 0 : i32
    %dma_wait3A_289 = arith.constant 0 : i32
    %dma_wait3A_290 = tpu.memref_slice %arg8[%dma_wait3A_288, %dma_wait3A_289] : memref<10112x128xf32, #tpu.memory_space<vmem_shared>> -> memref<10112x128xf32, #tpu.memory_space<vmem_shared>>
    tpu.wait_indirect_dma semaphore(%arg23 : memref<!tpu.dma_semaphore, #tpu.memory_space<semaphore_mem>>) src(%arg15 : memref<128x128xf32, #tpu.memory_space<vmem>>) dst(%dma_wait3A_290 : memref<10112x128xf32, #tpu.memory_space<vmem_shared>>)
    %dma_wait3A_291 = arith.constant 0 : i32
    %dma_wait3A_292 = tpu.memref_slice %arg3[%dma_wait3A_291] : memref<655360xi32, #tpu.memory_space<hbm>> -> memref<128xi32, #tpu.memory_space<hbm>>
    %dma_wait3A_293 = arith.constant 0 : i32
    %dma_wait3A_294 = tpu.memref_slice %arg3[%dma_wait3A_293] : memref<655360xi32, #tpu.memory_space<hbm>> -> memref<128xi32, #tpu.memory_space<hbm>>
    tpu.wait_dma2 semaphore(%arg17 : memref<!tpu.dma_semaphore, #tpu.memory_space<semaphore_mem>>) src(%dma_wait3A_294 : memref<128xi32, #tpu.memory_space<hbm>>) dst(%arg11 : memref<128xi32, #tpu.memory_space<vmem>>)
    %dma_wait3A_295 = arith.constant 0 : i32
    %dma_wait3A_296 = arith.constant 0 : i32
    %dma_wait3A_297 = tpu.memref_slice %arg2[%dma_wait3A_295, %dma_wait3A_296] : memref<40000x128xf32, #tpu.memory_space<hbm>> -> memref<40000x128xf32, #tpu.memory_space<hbm>>
    tpu.wait_indirect_dma semaphore(%arg20 : memref<!tpu.dma_semaphore, #tpu.memory_space<semaphore_mem>>) src(%dma_wait3A_297 : memref<40000x128xf32, #tpu.memory_space<hbm>>) dst(%arg14 : memref<128x128xf32, #tpu.memory_space<vmem>>)
    %barrier3A_298 = arith.constant 0 : index
    tpu.barrier barrier_id(%barrier3A_298)
    "tpu.region"() ({
      %run_scoped3A = tpu.sem_alloc : memref<!tpu.dma_semaphore, #tpu.memory_space<semaphore_mem>>
      %dma_start3A_299 = arith.constant 0 : i32
      %dma_start3A_300 = tpu.memref_slice %arg7[%add3A_151, %mul3A_0, %dma_start3A_299] : memref<4x10112x128xf32, #tpu.memory_space<hbm>> -> memref<1x632x128xf32, #tpu.memory_space<hbm>>
      %dma_start3A_301 = tpu.memref_squeeze %dma_start3A_300 : memref<1x632x128xf32, #tpu.memory_space<hbm>> -> memref<632x128xf32, #tpu.memory_space<hbm>>
      %dma_start3A_302 = arith.constant 0 : i32
      %dma_start3A_303 = tpu.memref_slice %arg8[%mul3A_0, %dma_start3A_302] : memref<10112x128xf32, #tpu.memory_space<vmem_shared>> -> memref<632x128xf32, #tpu.memory_space<vmem_shared>>
      tpu.enqueue_dma source(%dma_start3A_303 : memref<632x128xf32, #tpu.memory_space<vmem_shared>>) target(%dma_start3A_301 : memref<632x128xf32, #tpu.memory_space<hbm>>) target_semaphore(%run_scoped3A : memref<!tpu.dma_semaphore, #tpu.memory_space<semaphore_mem>>)
      %dma_wait3A_304 = arith.constant 0 : i32
      %dma_wait3A_305 = tpu.memref_slice %arg7[%add3A_151, %mul3A_0, %dma_wait3A_304] : memref<4x10112x128xf32, #tpu.memory_space<hbm>> -> memref<1x632x128xf32, #tpu.memory_space<hbm>>
      %dma_wait3A_306 = tpu.memref_squeeze %dma_wait3A_305 : memref<1x632x128xf32, #tpu.memory_space<hbm>> -> memref<632x128xf32, #tpu.memory_space<hbm>>
      %dma_wait3A_307 = arith.constant 0 : i32
      %dma_wait3A_308 = tpu.memref_slice %arg8[%mul3A_0, %dma_wait3A_307] : memref<10112x128xf32, #tpu.memory_space<vmem_shared>> -> memref<632x128xf32, #tpu.memory_space<vmem_shared>>
      tpu.wait_dma2 semaphore(%run_scoped3A : memref<!tpu.dma_semaphore, #tpu.memory_space<semaphore_mem>>) src(%dma_wait3A_308 : memref<632x128xf32, #tpu.memory_space<vmem_shared>>) dst(%dma_wait3A_306 : memref<632x128xf32, #tpu.memory_space<hbm>>)
      tpu.yield
    }) : () -> ()
    return
  }
}

module attributes {stable_mosaic.version = 14 : i64} {
  func.func @_mma_body(%arg0: i32, %arg1: memref<400x256xf32, #tpu.memory_space<vmem>>, %arg2: memref<256x512xf32, #tpu.memory_space<vmem>>, %arg3: memref<1x512xf32, #tpu.memory_space<vmem>>, %arg4: memref<400x512xf32, #tpu.memory_space<vmem>>, %arg5: memref<2x400x128xf32, #tpu.memory_space<vmem>>) attributes {dimension_semantics = [#tpu.dimension_semantics<arbitrary>], iteration_bounds = array<i64: 25>, scalar_prefetch = 0 : i64, scratch_operands = 0 : i64, tpu.core_type = #tpu.core_type<tc>, window_params = [{transform_indices = @transform_0, window_bounds = array<i64: 400, 256>}, {pipeline_mode = #tpu.pipeline_mode<synchronous>, transform_indices = @transform_1, window_bounds = array<i64: 256, 512>}, {pipeline_mode = #tpu.pipeline_mode<synchronous>, transform_indices = @transform_2, window_bounds = array<i64: 1, 512>}, {transform_indices = @transform_3, window_bounds = array<i64: 400, 512>}, {transform_indices = @transform_4, window_bounds = array<i64: 2, 400, 128>}]} {
    %get3A = arith.constant 0 : index
    %get3A_0 = arith.constant 0 : index
    %get3A_1 = vector.load %arg1[%get3A, %get3A_0] : memref<400x256xf32, #tpu.memory_space<vmem>>, vector<400x256xf32>
    %get3A_2 = arith.constant 0 : index
    %get3A_3 = arith.constant 0 : index
    %get3A_4 = vector.load %arg2[%get3A_2, %get3A_3] : memref<256x512xf32, #tpu.memory_space<vmem>>, vector<256x512xf32>
    %dot_general3A = arith.constant dense<0.000000e+00> : vector<400x512xf32>
    %dot_general3A_5 = tpu.matmul %get3A_1, %get3A_4, %dot_general3A {dimension_numbers = #tpu.dot_dimension_numbers<[1], [0], [0], [1], [0, 0, 1, 1], [], []>, transpose_lhs_hint = false} : vector<400x256xf32>, vector<256x512xf32>, vector<400x512xf32> -> vector<400x512xf32>
    %get3A_6 = arith.constant 0 : index
    %get3A_7 = arith.constant 0 : index
    %get3A_8 = vector.load %arg3[%get3A_6, %get3A_7] : memref<1x512xf32, #tpu.memory_space<vmem>>, vector<1x512xf32>
    %add3A = vector.broadcast %get3A_8 : vector<1x512xf32> to vector<400x512xf32>
    %add3A_9 = arith.addf %dot_general3A_5, %add3A : vector<400x512xf32>
    %swap3A = arith.constant 0 : index
    %swap3A_10 = arith.constant 0 : index
    %swap3A_11 = vector.load %arg4[%swap3A, %swap3A_10] : memref<400x512xf32, #tpu.memory_space<vmem>>, vector<400x512xf32>
    tpu.vector_store %arg4[%swap3A, %swap3A_10], %add3A_9 {strides = array<i32>} : memref<400x512xf32, #tpu.memory_space<vmem>>, vector<400x512xf32>,
    %slice3A = vector.extract_strided_slice %get3A_1 {offsets = [0, 0], sizes = [400, 128], strides = [1, 1]} : vector<400x256xf32> to vector<400x128xf32>
    %swap3A_12 = arith.constant 0 : index
    %swap3A_13 = arith.constant 0 : index
    %swap3A_14 = arith.constant 0 : index
    %swap3A_15 = vector.load %arg5[%swap3A_12, %swap3A_13, %swap3A_14] : memref<2x400x128xf32, #tpu.memory_space<vmem>>, vector<1x400x128xf32>
    %swap3A_16 = vector.shape_cast %swap3A_15 : vector<1x400x128xf32> to vector<400x128xf32>
    %swap3A_17 = vector.shape_cast %slice3A : vector<400x128xf32> to vector<1x400x128xf32>
    tpu.vector_store %arg5[%swap3A_12, %swap3A_13, %swap3A_14], %swap3A_17 {strides = array<i32>} : memref<2x400x128xf32, #tpu.memory_space<vmem>>, vector<1x400x128xf32>,
    %slice3A_18 = vector.extract_strided_slice %get3A_1 {offsets = [0, 128], sizes = [400, 128], strides = [1, 1]} : vector<400x256xf32> to vector<400x128xf32>
    %swap3A_19 = arith.constant 1 : index
    %swap3A_20 = arith.constant 0 : index
    %swap3A_21 = arith.constant 0 : index
    %swap3A_22 = vector.load %arg5[%swap3A_19, %swap3A_20, %swap3A_21] : memref<2x400x128xf32, #tpu.memory_space<vmem>>, vector<1x400x128xf32>
    %swap3A_23 = vector.shape_cast %swap3A_22 : vector<1x400x128xf32> to vector<400x128xf32>
    %swap3A_24 = vector.shape_cast %slice3A_18 : vector<400x128xf32> to vector<1x400x128xf32>
    tpu.vector_store %arg5[%swap3A_19, %swap3A_20, %swap3A_21], %swap3A_24 {strides = array<i32>} : memref<2x400x128xf32, #tpu.memory_space<vmem>>, vector<1x400x128xf32>,
    return
  }
  func.func @transform_0(%arg0: i32) -> (i32, i32) {
    %c0_i32 = arith.constant 0 : i32
    %c0_i32_0 = arith.constant 0 : i32
    return %arg0, %c0_i32 : i32, i32
  }
  func.func @transform_1(%arg0: i32) -> (i32, i32) {
    %c0_i32 = arith.constant 0 : i32
    %c0_i32_0 = arith.constant 0 : i32
    %c0_i32_1 = arith.constant 0 : i32
    return %c0_i32, %c0_i32_0 : i32, i32
  }
  func.func @transform_2(%arg0: i32) -> (i32, i32) {
    %c0_i32 = arith.constant 0 : i32
    %c0_i32_0 = arith.constant 0 : i32
    %c0_i32_1 = arith.constant 0 : i32
    return %c0_i32, %c0_i32_0 : i32, i32
  }
  func.func @transform_3(%arg0: i32) -> (i32, i32) {
    %c0_i32 = arith.constant 0 : i32
    %c0_i32_0 = arith.constant 0 : i32
    return %arg0, %c0_i32 : i32, i32
  }
  func.func @transform_4(%arg0: i32) -> (i32, i32, i32) {
    %c0_i32 = arith.constant 0 : i32
    %c0_i32_0 = arith.constant 0 : i32
    %c0_i32_1 = arith.constant 0 : i32
    return %c0_i32, %arg0, %c0_i32_0 : i32, i32, i32
  }
}

module attributes {stable_mosaic.version = 14 : i64} {
  func.func @_mm1_body(%arg0: i32, %arg1: memref<2x400x128xf32, #tpu.memory_space<vmem>>, %arg2: memref<2x400x128xf32, #tpu.memory_space<vmem>>, %arg3: memref<400x512xf32, #tpu.memory_space<vmem>>, %arg4: memref<256x512xf32, #tpu.memory_space<vmem>>, %arg5: memref<4x400x128xf32, #tpu.memory_space<vmem>>) attributes {dimension_semantics = [#tpu.dimension_semantics<arbitrary>], iteration_bounds = array<i64: 25>, scalar_prefetch = 0 : i64, scratch_operands = 0 : i64, tpu.core_type = #tpu.core_type<tc>, window_params = [{transform_indices = @transform_0, window_bounds = array<i64: 2, 400, 128>}, {transform_indices = @transform_1, window_bounds = array<i64: 2, 400, 128>}, {transform_indices = @transform_2, window_bounds = array<i64: 400, 512>}, {pipeline_mode = #tpu.pipeline_mode<synchronous>, transform_indices = @transform_3, window_bounds = array<i64: 256, 512>}, {transform_indices = @transform_4, window_bounds = array<i64: 4, 400, 128>}]} {
    %get3A = arith.constant 0 : index
    %get3A_0 = arith.constant 0 : index
    %get3A_1 = arith.constant 0 : index
    %get3A_2 = vector.load %arg2[%get3A, %get3A_0, %get3A_1] : memref<2x400x128xf32, #tpu.memory_space<vmem>>, vector<1x400x1xf32>
    %get3A_3 = vector.shape_cast %get3A_2 : vector<1x400x1xf32> to vector<400x1xf32>
    %get3A_4 = arith.constant 1 : index
    %get3A_5 = arith.constant 0 : index
    %get3A_6 = arith.constant 0 : index
    %get3A_7 = vector.load %arg2[%get3A_4, %get3A_5, %get3A_6] : memref<2x400x128xf32, #tpu.memory_space<vmem>>, vector<1x400x1xf32>
    %get3A_8 = vector.shape_cast %get3A_7 : vector<1x400x1xf32> to vector<400x1xf32>
    %add3A = arith.addf %get3A_3, %get3A_8 : vector<400x1xf32>
    %max3A = arith.constant 1.000000e+00 : f32
    %max3A_9 = vector.broadcast %max3A : f32 to vector<400x1xf32>
    %max3A_10 = arith.maximumf %add3A, %max3A_9 : vector<400x1xf32>
    %div3A = arith.constant 1.000000e+00 : f32
    %div3A_11 = vector.broadcast %div3A : f32 to vector<400x1xf32>
    %div3A_12 = arith.divf %div3A_11, %max3A_10 : vector<400x1xf32>
    %get3A_13 = arith.constant 0 : index
    %get3A_14 = arith.constant 0 : index
    %get3A_15 = vector.load %arg3[%get3A_13, %get3A_14] : memref<400x512xf32, #tpu.memory_space<vmem>>, vector<400x512xf32>
    %get3A_16 = arith.constant 0 : index
    %get3A_17 = arith.constant 0 : index
    %get3A_18 = arith.constant 0 : index
    %get3A_19 = vector.load %arg1[%get3A_16, %get3A_17, %get3A_18] : memref<2x400x128xf32, #tpu.memory_space<vmem>>, vector<1x400x128xf32>
    %get3A_20 = vector.shape_cast %get3A_19 : vector<1x400x128xf32> to vector<400x128xf32>
    %mul3A = vector.broadcast %div3A_12 : vector<400x1xf32> to vector<400x128xf32>
    %mul3A_21 = arith.mulf %get3A_20, %mul3A : vector<400x128xf32>
    %get3A_22 = arith.constant 0 : index
    %get3A_23 = arith.constant 0 : index
    %get3A_24 = vector.load %arg4[%get3A_22, %get3A_23] : memref<256x512xf32, #tpu.memory_space<vmem>>, vector<128x512xf32>
    %dot_general3A = arith.constant dense<0.000000e+00> : vector<400x512xf32>
    %dot_general3A_25 = tpu.matmul %mul3A_21, %get3A_24, %dot_general3A {dimension_numbers = #tpu.dot_dimension_numbers<[1], [0], [0], [1], [0, 0, 1, 1], [], []>, transpose_lhs_hint = false} : vector<400x128xf32>, vector<128x512xf32>, vector<400x512xf32> -> vector<400x512xf32>
    %add3A_26 = arith.addf %get3A_15, %dot_general3A_25 : vector<400x512xf32>
    %get3A_27 = arith.constant 1 : index
    %get3A_28 = arith.constant 0 : index
    %get3A_29 = arith.constant 0 : index
    %get3A_30 = vector.load %arg1[%get3A_27, %get3A_28, %get3A_29] : memref<2x400x128xf32, #tpu.memory_space<vmem>>, vector<1x400x128xf32>
    %get3A_31 = vector.shape_cast %get3A_30 : vector<1x400x128xf32> to vector<400x128xf32>
    %mul3A_32 = vector.broadcast %div3A_12 : vector<400x1xf32> to vector<400x128xf32>
    %mul3A_33 = arith.mulf %get3A_31, %mul3A_32 : vector<400x128xf32>
    %get3A_34 = arith.constant 128 : index
    %get3A_35 = arith.constant 0 : index
    %get3A_36 = vector.load %arg4[%get3A_34, %get3A_35] : memref<256x512xf32, #tpu.memory_space<vmem>>, vector<128x512xf32>
    %dot_general3A_37 = arith.constant dense<0.000000e+00> : vector<400x512xf32>
    %dot_general3A_38 = tpu.matmul %mul3A_33, %get3A_36, %dot_general3A_37 {dimension_numbers = #tpu.dot_dimension_numbers<[1], [0], [0], [1], [0, 0, 1, 1], [], []>, transpose_lhs_hint = false} : vector<400x128xf32>, vector<128x512xf32>, vector<400x512xf32> -> vector<400x512xf32>
    %add3A_39 = arith.addf %add3A_26, %dot_general3A_38 : vector<400x512xf32>
    %max3A_40 = arith.constant 0.000000e+00 : f32
    %max3A_41 = vector.broadcast %max3A_40 : f32 to vector<400x512xf32>
    %max3A_42 = arith.maximumf %add3A_39, %max3A_41 : vector<400x512xf32>
    %slice3A = vector.extract_strided_slice %max3A_42 {offsets = [0, 0], sizes = [400, 128], strides = [1, 1]} : vector<400x512xf32> to vector<400x128xf32>
    %swap3A = arith.constant 0 : index
    %swap3A_43 = arith.constant 0 : index
    %swap3A_44 = arith.constant 0 : index
    %swap3A_45 = vector.load %arg5[%swap3A, %swap3A_43, %swap3A_44] : memref<4x400x128xf32, #tpu.memory_space<vmem>>, vector<1x400x128xf32>
    %swap3A_46 = vector.shape_cast %swap3A_45 : vector<1x400x128xf32> to vector<400x128xf32>
    %swap3A_47 = vector.shape_cast %slice3A : vector<400x128xf32> to vector<1x400x128xf32>
    tpu.vector_store %arg5[%swap3A, %swap3A_43, %swap3A_44], %swap3A_47 {strides = array<i32>} : memref<4x400x128xf32, #tpu.memory_space<vmem>>, vector<1x400x128xf32>,
    %slice3A_48 = vector.extract_strided_slice %max3A_42 {offsets = [0, 128], sizes = [400, 128], strides = [1, 1]} : vector<400x512xf32> to vector<400x128xf32>
    %swap3A_49 = arith.constant 1 : index
    %swap3A_50 = arith.constant 0 : index
    %swap3A_51 = arith.constant 0 : index
    %swap3A_52 = vector.load %arg5[%swap3A_49, %swap3A_50, %swap3A_51] : memref<4x400x128xf32, #tpu.memory_space<vmem>>, vector<1x400x128xf32>
    %swap3A_53 = vector.shape_cast %swap3A_52 : vector<1x400x128xf32> to vector<400x128xf32>
    %swap3A_54 = vector.shape_cast %slice3A_48 : vector<400x128xf32> to vector<1x400x128xf32>
    tpu.vector_store %arg5[%swap3A_49, %swap3A_50, %swap3A_51], %swap3A_54 {strides = array<i32>} : memref<4x400x128xf32, #tpu.memory_space<vmem>>, vector<1x400x128xf32>,
    %slice3A_55 = vector.extract_strided_slice %max3A_42 {offsets = [0, 256], sizes = [400, 128], strides = [1, 1]} : vector<400x512xf32> to vector<400x128xf32>
    %swap3A_56 = arith.constant 2 : index
    %swap3A_57 = arith.constant 0 : index
    %swap3A_58 = arith.constant 0 : index
    %swap3A_59 = vector.load %arg5[%swap3A_56, %swap3A_57, %swap3A_58] : memref<4x400x128xf32, #tpu.memory_space<vmem>>, vector<1x400x128xf32>
    %swap3A_60 = vector.shape_cast %swap3A_59 : vector<1x400x128xf32> to vector<400x128xf32>
    %swap3A_61 = vector.shape_cast %slice3A_55 : vector<400x128xf32> to vector<1x400x128xf32>
    tpu.vector_store %arg5[%swap3A_56, %swap3A_57, %swap3A_58], %swap3A_61 {strides = array<i32>} : memref<4x400x128xf32, #tpu.memory_space<vmem>>, vector<1x400x128xf32>,
    %slice3A_62 = vector.extract_strided_slice %max3A_42 {offsets = [0, 384], sizes = [400, 128], strides = [1, 1]} : vector<400x512xf32> to vector<400x128xf32>
    %swap3A_63 = arith.constant 3 : index
    %swap3A_64 = arith.constant 0 : index
    %swap3A_65 = arith.constant 0 : index
    %swap3A_66 = vector.load %arg5[%swap3A_63, %swap3A_64, %swap3A_65] : memref<4x400x128xf32, #tpu.memory_space<vmem>>, vector<1x400x128xf32>
    %swap3A_67 = vector.shape_cast %swap3A_66 : vector<1x400x128xf32> to vector<400x128xf32>
    %swap3A_68 = vector.shape_cast %slice3A_62 : vector<400x128xf32> to vector<1x400x128xf32>
    tpu.vector_store %arg5[%swap3A_63, %swap3A_64, %swap3A_65], %swap3A_68 {strides = array<i32>} : memref<4x400x128xf32, #tpu.memory_space<vmem>>, vector<1x400x128xf32>,
    return
  }
  func.func @transform_0(%arg0: i32) -> (i32, i32, i32) {
    %c0_i32 = arith.constant 0 : i32
    %c0_i32_0 = arith.constant 0 : i32
    %c0_i32_1 = arith.constant 0 : i32
    return %c0_i32, %arg0, %c0_i32_0 : i32, i32, i32
  }
  func.func @transform_1(%arg0: i32) -> (i32, i32, i32) {
    %c1_i32 = arith.constant 1 : i32
    %c0_i32 = arith.constant 0 : i32
    %c0_i32_0 = arith.constant 0 : i32
    return %c1_i32, %arg0, %c0_i32 : i32, i32, i32
  }
  func.func @transform_2(%arg0: i32) -> (i32, i32) {
    %c0_i32 = arith.constant 0 : i32
    %c0_i32_0 = arith.constant 0 : i32
    return %arg0, %c0_i32 : i32, i32
  }
  func.func @transform_3(%arg0: i32) -> (i32, i32) {
    %c0_i32 = arith.constant 0 : i32
    %c0_i32_0 = arith.constant 0 : i32
    %c0_i32_1 = arith.constant 0 : i32
    return %c0_i32, %c0_i32_0 : i32, i32
  }
  func.func @transform_4(%arg0: i32) -> (i32, i32, i32) {
    %c0_i32 = arith.constant 0 : i32
    %c0_i32_0 = arith.constant 0 : i32
    %c0_i32_1 = arith.constant 0 : i32
    return %c0_i32, %arg0, %c0_i32_0 : i32, i32, i32
  }
}

module attributes {stable_mosaic.version = 14 : i64} {
  func.func @_mmb_body(%arg0: i32, %arg1: memref<4x400x128xf32, #tpu.memory_space<vmem>>, %arg2: memref<512x512xf32, #tpu.memory_space<vmem>>, %arg3: memref<1x512xf32, #tpu.memory_space<vmem>>, %arg4: memref<400x512xf32, #tpu.memory_space<vmem>>) attributes {dimension_semantics = [#tpu.dimension_semantics<arbitrary>], iteration_bounds = array<i64: 25>, scalar_prefetch = 0 : i64, scratch_operands = 0 : i64, tpu.core_type = #tpu.core_type<tc>, window_params = [{transform_indices = @transform_0, window_bounds = array<i64: 4, 400, 128>}, {pipeline_mode = #tpu.pipeline_mode<synchronous>, transform_indices = @transform_1, window_bounds = array<i64: 512, 512>}, {pipeline_mode = #tpu.pipeline_mode<synchronous>, transform_indices = @transform_2, window_bounds = array<i64: 1, 512>}, {transform_indices = @transform_3, window_bounds = array<i64: 400, 512>}]} {
    %get3A = arith.constant 0 : index
    %get3A_0 = arith.constant 0 : index
    %get3A_1 = vector.load %arg3[%get3A, %get3A_0] : memref<1x512xf32, #tpu.memory_space<vmem>>, vector<1x512xf32>
    %broadcast_in_dim3A = vector.shape_cast %get3A_1 : vector<1x512xf32> to vector<1x512xf32>
    %broadcast_in_dim3A_2 = vector.broadcast %broadcast_in_dim3A : vector<1x512xf32> to vector<400x512xf32>
    %get3A_3 = arith.constant 0 : index
    %get3A_4 = arith.constant 0 : index
    %get3A_5 = arith.constant 0 : index
    %get3A_6 = vector.load %arg1[%get3A_3, %get3A_4, %get3A_5] : memref<4x400x128xf32, #tpu.memory_space<vmem>>, vector<1x400x128xf32>
    %get3A_7 = vector.shape_cast %get3A_6 : vector<1x400x128xf32> to vector<400x128xf32>
    %get3A_8 = arith.constant 0 : index
    %get3A_9 = arith.constant 0 : index
    %get3A_10 = vector.load %arg2[%get3A_8, %get3A_9] : memref<512x512xf32, #tpu.memory_space<vmem>>, vector<128x512xf32>
    %dot_general3A = arith.constant dense<0.000000e+00> : vector<400x512xf32>
    %dot_general3A_11 = tpu.matmul %get3A_7, %get3A_10, %dot_general3A {dimension_numbers = #tpu.dot_dimension_numbers<[1], [0], [0], [1], [0, 0, 1, 1], [], []>, transpose_lhs_hint = false} : vector<400x128xf32>, vector<128x512xf32>, vector<400x512xf32> -> vector<400x512xf32>
    %add3A = arith.addf %broadcast_in_dim3A_2, %dot_general3A_11 : vector<400x512xf32>
    %get3A_12 = arith.constant 1 : index
    %get3A_13 = arith.constant 0 : index
    %get3A_14 = arith.constant 0 : index
    %get3A_15 = vector.load %arg1[%get3A_12, %get3A_13, %get3A_14] : memref<4x400x128xf32, #tpu.memory_space<vmem>>, vector<1x400x128xf32>
    %get3A_16 = vector.shape_cast %get3A_15 : vector<1x400x128xf32> to vector<400x128xf32>
    %get3A_17 = arith.constant 128 : index
    %get3A_18 = arith.constant 0 : index
    %get3A_19 = vector.load %arg2[%get3A_17, %get3A_18] : memref<512x512xf32, #tpu.memory_space<vmem>>, vector<128x512xf32>
    %dot_general3A_20 = arith.constant dense<0.000000e+00> : vector<400x512xf32>
    %dot_general3A_21 = tpu.matmul %get3A_16, %get3A_19, %dot_general3A_20 {dimension_numbers = #tpu.dot_dimension_numbers<[1], [0], [0], [1], [0, 0, 1, 1], [], []>, transpose_lhs_hint = false} : vector<400x128xf32>, vector<128x512xf32>, vector<400x512xf32> -> vector<400x512xf32>
    %add3A_22 = arith.addf %add3A, %dot_general3A_21 : vector<400x512xf32>
    %get3A_23 = arith.constant 2 : index
    %get3A_24 = arith.constant 0 : index
    %get3A_25 = arith.constant 0 : index
    %get3A_26 = vector.load %arg1[%get3A_23, %get3A_24, %get3A_25] : memref<4x400x128xf32, #tpu.memory_space<vmem>>, vector<1x400x128xf32>
    %get3A_27 = vector.shape_cast %get3A_26 : vector<1x400x128xf32> to vector<400x128xf32>
    %get3A_28 = arith.constant 256 : index
    %get3A_29 = arith.constant 0 : index
    %get3A_30 = vector.load %arg2[%get3A_28, %get3A_29] : memref<512x512xf32, #tpu.memory_space<vmem>>, vector<128x512xf32>
    %dot_general3A_31 = arith.constant dense<0.000000e+00> : vector<400x512xf32>
    %dot_general3A_32 = tpu.matmul %get3A_27, %get3A_30, %dot_general3A_31 {dimension_numbers = #tpu.dot_dimension_numbers<[1], [0], [0], [1], [0, 0, 1, 1], [], []>, transpose_lhs_hint = false} : vector<400x128xf32>, vector<128x512xf32>, vector<400x512xf32> -> vector<400x512xf32>
    %add3A_33 = arith.addf %add3A_22, %dot_general3A_32 : vector<400x512xf32>
    %get3A_34 = arith.constant 3 : index
    %get3A_35 = arith.constant 0 : index
    %get3A_36 = arith.constant 0 : index
    %get3A_37 = vector.load %arg1[%get3A_34, %get3A_35, %get3A_36] : memref<4x400x128xf32, #tpu.memory_space<vmem>>, vector<1x400x128xf32>
    %get3A_38 = vector.shape_cast %get3A_37 : vector<1x400x128xf32> to vector<400x128xf32>
    %get3A_39 = arith.constant 384 : index
    %get3A_40 = arith.constant 0 : index
    %get3A_41 = vector.load %arg2[%get3A_39, %get3A_40] : memref<512x512xf32, #tpu.memory_space<vmem>>, vector<128x512xf32>
    %dot_general3A_42 = arith.constant dense<0.000000e+00> : vector<400x512xf32>
    %dot_general3A_43 = tpu.matmul %get3A_38, %get3A_41, %dot_general3A_42 {dimension_numbers = #tpu.dot_dimension_numbers<[1], [0], [0], [1], [0, 0, 1, 1], [], []>, transpose_lhs_hint = false} : vector<400x128xf32>, vector<128x512xf32>, vector<400x512xf32> -> vector<400x512xf32>
    %add3A_44 = arith.addf %add3A_33, %dot_general3A_43 : vector<400x512xf32>
    %swap3A = arith.constant 0 : index
    %swap3A_45 = arith.constant 0 : index
    %swap3A_46 = vector.load %arg4[%swap3A, %swap3A_45] : memref<400x512xf32, #tpu.memory_space<vmem>>, vector<400x512xf32>
    tpu.vector_store %arg4[%swap3A, %swap3A_45], %add3A_44 {strides = array<i32>} : memref<400x512xf32, #tpu.memory_space<vmem>>, vector<400x512xf32>,
    return
  }
  func.func @transform_0(%arg0: i32) -> (i32, i32, i32) {
    %c0_i32 = arith.constant 0 : i32
    %c0_i32_0 = arith.constant 0 : i32
    %c0_i32_1 = arith.constant 0 : i32
    return %c0_i32, %arg0, %c0_i32_0 : i32, i32, i32
  }
  func.func @transform_1(%arg0: i32) -> (i32, i32) {
    %c0_i32 = arith.constant 0 : i32
    %c0_i32_0 = arith.constant 0 : i32
    %c0_i32_1 = arith.constant 0 : i32
    return %c0_i32, %c0_i32_0 : i32, i32
  }
  func.func @transform_2(%arg0: i32) -> (i32, i32) {
    %c0_i32 = arith.constant 0 : i32
    %c0_i32_0 = arith.constant 0 : i32
    %c0_i32_1 = arith.constant 0 : i32
    return %c0_i32, %c0_i32_0 : i32, i32
  }
  func.func @transform_3(%arg0: i32) -> (i32, i32) {
    %c0_i32 = arith.constant 0 : i32
    %c0_i32_0 = arith.constant 0 : i32
    return %arg0, %c0_i32 : i32, i32
  }
}

module attributes {stable_mosaic.version = 14 : i64} {
  func.func @_mm2_body(%arg0: i32, %arg1: memref<4x400x128xf32, #tpu.memory_space<vmem>>, %arg2: memref<2x400x128xf32, #tpu.memory_space<vmem>>, %arg3: memref<400x512xf32, #tpu.memory_space<vmem>>, %arg4: memref<512x512xf32, #tpu.memory_space<vmem>>, %arg5: memref<400x512xf32, #tpu.memory_space<vmem>>) attributes {dimension_semantics = [#tpu.dimension_semantics<arbitrary>], iteration_bounds = array<i64: 25>, scalar_prefetch = 0 : i64, scratch_operands = 0 : i64, tpu.core_type = #tpu.core_type<tc>, window_params = [{transform_indices = @transform_0, window_bounds = array<i64: 4, 400, 128>}, {transform_indices = @transform_1, window_bounds = array<i64: 2, 400, 128>}, {transform_indices = @transform_2, window_bounds = array<i64: 400, 512>}, {pipeline_mode = #tpu.pipeline_mode<synchronous>, transform_indices = @transform_3, window_bounds = array<i64: 512, 512>}, {transform_indices = @transform_4, window_bounds = array<i64: 400, 512>}]} {
    %get3A = arith.constant 0 : index
    %get3A_0 = arith.constant 0 : index
    %get3A_1 = arith.constant 0 : index
    %get3A_2 = vector.load %arg2[%get3A, %get3A_0, %get3A_1] : memref<2x400x128xf32, #tpu.memory_space<vmem>>, vector<1x400x1xf32>
    %get3A_3 = vector.shape_cast %get3A_2 : vector<1x400x1xf32> to vector<400x1xf32>
    %get3A_4 = arith.constant 1 : index
    %get3A_5 = arith.constant 0 : index
    %get3A_6 = arith.constant 0 : index
    %get3A_7 = vector.load %arg2[%get3A_4, %get3A_5, %get3A_6] : memref<2x400x128xf32, #tpu.memory_space<vmem>>, vector<1x400x1xf32>
    %get3A_8 = vector.shape_cast %get3A_7 : vector<1x400x1xf32> to vector<400x1xf32>
    %add3A = arith.addf %get3A_3, %get3A_8 : vector<400x1xf32>
    %max3A = arith.constant 1.000000e+00 : f32
    %max3A_9 = vector.broadcast %max3A : f32 to vector<400x1xf32>
    %max3A_10 = arith.maximumf %add3A, %max3A_9 : vector<400x1xf32>
    %div3A = arith.constant 1.000000e+00 : f32
    %div3A_11 = vector.broadcast %div3A : f32 to vector<400x1xf32>
    %div3A_12 = arith.divf %div3A_11, %max3A_10 : vector<400x1xf32>
    %get3A_13 = arith.constant 0 : index
    %get3A_14 = arith.constant 0 : index
    %get3A_15 = vector.load %arg3[%get3A_13, %get3A_14] : memref<400x512xf32, #tpu.memory_space<vmem>>, vector<400x512xf32>
    %get3A_16 = arith.constant 0 : index
    %get3A_17 = arith.constant 0 : index
    %get3A_18 = arith.constant 0 : index
    %get3A_19 = vector.load %arg1[%get3A_16, %get3A_17, %get3A_18] : memref<4x400x128xf32, #tpu.memory_space<vmem>>, vector<1x400x128xf32>
    %get3A_20 = vector.shape_cast %get3A_19 : vector<1x400x128xf32> to vector<400x128xf32>
    %mul3A = vector.broadcast %div3A_12 : vector<400x1xf32> to vector<400x128xf32>
    %mul3A_21 = arith.mulf %get3A_20, %mul3A : vector<400x128xf32>
    %get3A_22 = arith.constant 0 : index
    %get3A_23 = arith.constant 0 : index
    %get3A_24 = vector.load %arg4[%get3A_22, %get3A_23] : memref<512x512xf32, #tpu.memory_space<vmem>>, vector<128x512xf32>
    %dot_general3A = arith.constant dense<0.000000e+00> : vector<400x512xf32>
    %dot_general3A_25 = tpu.matmul %mul3A_21, %get3A_24, %dot_general3A {dimension_numbers = #tpu.dot_dimension_numbers<[1], [0], [0], [1], [0, 0, 1, 1], [], []>, transpose_lhs_hint = false} : vector<400x128xf32>, vector<128x512xf32>, vector<400x512xf32> -> vector<400x512xf32>
    %add3A_26 = arith.addf %get3A_15, %dot_general3A_25 : vector<400x512xf32>
    %get3A_27 = arith.constant 1 : index
    %get3A_28 = arith.constant 0 : index
    %get3A_29 = arith.constant 0 : index
    %get3A_30 = vector.load %arg1[%get3A_27, %get3A_28, %get3A_29] : memref<4x400x128xf32, #tpu.memory_space<vmem>>, vector<1x400x128xf32>
    %get3A_31 = vector.shape_cast %get3A_30 : vector<1x400x128xf32> to vector<400x128xf32>
    %mul3A_32 = vector.broadcast %div3A_12 : vector<400x1xf32> to vector<400x128xf32>
    %mul3A_33 = arith.mulf %get3A_31, %mul3A_32 : vector<400x128xf32>
    %get3A_34 = arith.constant 128 : index
    %get3A_35 = arith.constant 0 : index
    %get3A_36 = vector.load %arg4[%get3A_34, %get3A_35] : memref<512x512xf32, #tpu.memory_space<vmem>>, vector<128x512xf32>
    %dot_general3A_37 = arith.constant dense<0.000000e+00> : vector<400x512xf32>
    %dot_general3A_38 = tpu.matmul %mul3A_33, %get3A_36, %dot_general3A_37 {dimension_numbers = #tpu.dot_dimension_numbers<[1], [0], [0], [1], [0, 0, 1, 1], [], []>, transpose_lhs_hint = false} : vector<400x128xf32>, vector<128x512xf32>, vector<400x512xf32> -> vector<400x512xf32>
    %add3A_39 = arith.addf %add3A_26, %dot_general3A_38 : vector<400x512xf32>
    %get3A_40 = arith.constant 2 : index
    %get3A_41 = arith.constant 0 : index
    %get3A_42 = arith.constant 0 : index
    %get3A_43 = vector.load %arg1[%get3A_40, %get3A_41, %get3A_42] : memref<4x400x128xf32, #tpu.memory_space<vmem>>, vector<1x400x128xf32>
    %get3A_44 = vector.shape_cast %get3A_43 : vector<1x400x128xf32> to vector<400x128xf32>
    %mul3A_45 = vector.broadcast %div3A_12 : vector<400x1xf32> to vector<400x128xf32>
    %mul3A_46 = arith.mulf %get3A_44, %mul3A_45 : vector<400x128xf32>
    %get3A_47 = arith.constant 256 : index
    %get3A_48 = arith.constant 0 : index
    %get3A_49 = vector.load %arg4[%get3A_47, %get3A_48] : memref<512x512xf32, #tpu.memory_space<vmem>>, vector<128x512xf32>
    %dot_general3A_50 = arith.constant dense<0.000000e+00> : vector<400x512xf32>
    %dot_general3A_51 = tpu.matmul %mul3A_46, %get3A_49, %dot_general3A_50 {dimension_numbers = #tpu.dot_dimension_numbers<[1], [0], [0], [1], [0, 0, 1, 1], [], []>, transpose_lhs_hint = false} : vector<400x128xf32>, vector<128x512xf32>, vector<400x512xf32> -> vector<400x512xf32>
    %add3A_52 = arith.addf %add3A_39, %dot_general3A_51 : vector<400x512xf32>
    %get3A_53 = arith.constant 3 : index
    %get3A_54 = arith.constant 0 : index
    %get3A_55 = arith.constant 0 : index
    %get3A_56 = vector.load %arg1[%get3A_53, %get3A_54, %get3A_55] : memref<4x400x128xf32, #tpu.memory_space<vmem>>, vector<1x400x128xf32>
    %get3A_57 = vector.shape_cast %get3A_56 : vector<1x400x128xf32> to vector<400x128xf32>
    %mul3A_58 = vector.broadcast %div3A_12 : vector<400x1xf32> to vector<400x128xf32>
    %mul3A_59 = arith.mulf %get3A_57, %mul3A_58 : vector<400x128xf32>
    %get3A_60 = arith.constant 384 : index
    %get3A_61 = arith.constant 0 : index
    %get3A_62 = vector.load %arg4[%get3A_60, %get3A_61] : memref<512x512xf32, #tpu.memory_space<vmem>>, vector<128x512xf32>
    %dot_general3A_63 = arith.constant dense<0.000000e+00> : vector<400x512xf32>
    %dot_general3A_64 = tpu.matmul %mul3A_59, %get3A_62, %dot_general3A_63 {dimension_numbers = #tpu.dot_dimension_numbers<[1], [0], [0], [1], [0, 0, 1, 1], [], []>, transpose_lhs_hint = false} : vector<400x128xf32>, vector<128x512xf32>, vector<400x512xf32> -> vector<400x512xf32>
    %add3A_65 = arith.addf %add3A_52, %dot_general3A_64 : vector<400x512xf32>
    %swap3A = arith.constant 0 : index
    %swap3A_66 = arith.constant 0 : index
    %swap3A_67 = vector.load %arg5[%swap3A, %swap3A_66] : memref<400x512xf32, #tpu.memory_space<vmem>>, vector<400x512xf32>
    tpu.vector_store %arg5[%swap3A, %swap3A_66], %add3A_65 {strides = array<i32>} : memref<400x512xf32, #tpu.memory_space<vmem>>, vector<400x512xf32>,
    return
  }
  func.func @transform_0(%arg0: i32) -> (i32, i32, i32) {
    %c0_i32 = arith.constant 0 : i32
    %c0_i32_0 = arith.constant 0 : i32
    %c0_i32_1 = arith.constant 0 : i32
    return %c0_i32, %arg0, %c0_i32_0 : i32, i32, i32
  }
  func.func @transform_1(%arg0: i32) -> (i32, i32, i32) {
    %c1_i32 = arith.constant 1 : i32
    %c0_i32 = arith.constant 0 : i32
    %c0_i32_0 = arith.constant 0 : i32
    return %c1_i32, %arg0, %c0_i32 : i32, i32, i32
  }
  func.func @transform_2(%arg0: i32) -> (i32, i32) {
    %c0_i32 = arith.constant 0 : i32
    %c0_i32_0 = arith.constant 0 : i32
    return %arg0, %c0_i32 : i32, i32
  }
  func.func @transform_3(%arg0: i32) -> (i32, i32) {
    %c0_i32 = arith.constant 0 : i32
    %c0_i32_0 = arith.constant 0 : i32
    %c0_i32_1 = arith.constant 0 : i32
    return %c0_i32, %c0_i32_0 : i32, i32
  }
  func.func @transform_4(%arg0: i32) -> (i32, i32) {
    %c0_i32 = arith.constant 0 : i32
    %c0_i32_0 = arith.constant 0 : i32
    return %arg0, %c0_i32 : i32, i32
  }
}

</mosaic_0001>

<sc_bundles>
// kernel: kernel.11.cloned.1.call-start
scs
__scs_entry_jumppad:
0x0: {  	(pc) =	sbr.rel $0x88, $3  }
0x1: {  	(tag) =	ssettag $0x0;
	lr =	simm.s32 $0x1  }
0x2: {  	[smem:$0x3F99] =	sst lr;
	_ =	strace $0xD0000000  }
0x3: {  	_ = 	snop  }
0x4: {  	_ = 	snop  }
0x5: {  	_ = 	snop  }
0x6: {  	_ = 	snop  }
0x7: {  	_ = 	snop  }
__scs_overlays_trampoline_lowered:
0x8: {  	[smem:$0x3FA8] =	sst s0  }
0x9: {  	[smem:$0x3FA9] =	sst s1  }
0xa: {  	[smem:$0x3FAA] =	sst s2  }
0xb: {  	[smem:$0x3FAB] =	sst s3  }
0xc: {  	[smem:$0x3FAC] =	sst s4  }
0xd: {  	[smem:$0x3FAD] =	sst s5  }
0xe: {  	[smem:$0x3FAE] =	sst s6  }
0xf: {  	[smem:$0x3FAF] =	sst s7  }
0x10: {  	[smem:$0x3FB0] =	sst s8  }
0x11: {  	[smem:$0x3FB1] =	sst s9;
	s0 =	simm.s32 @!p0 $0x0  }
0x12: {  	s1 =	sld [smem:$0x3F97];
	s0 =	simm.s32 @p0 $0x1  }
0x13: {  	[smem:$0x3FB2] =	sst s0;
	s0 =	simm.s32 @!p1 $0x0  }
0x14: {  	s2 =	sld [smem:$0x3F96];
	s0 =	simm.s32 @p1 $0x1  }
0x15: {  	[smem:$0x3FB3] =	sst s0;
	s0 =	simm.s32 @!p2 $0x0  }
0x16: {  	s3 =	sld [smem:$0x3FDB];
	s0 =	simm.s32 @p2 $0x1  }
0x17: {  	s4 =	simm.s32 $0x1BF5;
	[smem:$0x3FB5] =	sst s0  }
0x18: {  	s0 =	sld [smem:$0x3F98];
	_ =	swait.ge [sflag:s4], $0x0  }
0x19: {  	s7 =	sld [smem:$0x3F99]  }
0x1a: {  	s8 =	sadd.s32 $0xFFFFE003, lr  }
0x1b: {  	s9 =	sadd.s32 $0xFFFFFEF7, lr;
	s5 =	simm.s32 $0xFFFFFFFF;
	p2 =	slt.u32 s8, $0xFFFFF086  }
0x1c: {  	p1 =	slt.u32 s9, $0xF7A;
	s5 =	simm.s32 @!p2 $0x0  }
0x1d: {  	s5 =	simm.s32 @p1 $0x1;
	p0 =	seq.s32 s7, s2  }
0x1e: {  	s7 =	smul.u32 @!p0 $0xF7A, s2;
	p2 =	seq.s32 @!p0 s5, $0x0  }
0x1f: {  	s9 =	smul.u32 $0xF7A, s1;
	s8 =	simm.s32 @!p0 $0x1BF5;
	p2 =	por !p2, p0  }
0x20: {  	[sflag:s8] =	ssyncset.s32 @!p0 $0xFFFFF086;
	s6 =	sadd.s32 @!p0 s3, s7;
	s7 =	simm.s32 @!p0 $0x108  }
0x21: {  	s3 =	sadd.s32 s3, s9;
	s6 =	sadd.s32 @!p0 $0x88, s6;
	s7 =	simm.s32 @p2 $0x1082  }
0x22: {  	[simem:s7], [sflag:s8] =	dma.local @!p0 [hbm:s6], $0xF7A  }
0x23: {  	s9 =	sor.u32 $0xD0000000, s2;
	s6 =	simm.s32 $0x108;
	_ =	swait.ge @!p0 [sflag:s8], $0x0  }
0x24: {  	s3 =	sadd.s32 $0x88, s3;
	s6 =	simm.s32 @!p1 $0x1082;
	[sflag:s4] =	ssyncset.s32 $0xFFFFF086  }
0x25: {  	[simem:s6], [sflag:s4] =	dma.local [hbm:s3], $0xF7A  }
0x26: {  	[smem:$0x3F99] =	sst s1;
	(tag) =	ssettag s2;
	_ =	strace s9  }
0x27: {  	s1 =	sld [smem:$0x3FA9]  }
0x28: {  	s2 =	sld [smem:$0x3FAA]  }
0x29: {  	s4 =	sld [smem:$0x3FAC]  }
0x2a: {  	p0 =	seq.s32 s5, $0x0;
	s5 =	sld [smem:$0x3FAD]  }
0x2b: {  	s6 =	sld [smem:$0x3FAE]  }
0x2c: {  	s7 =	sld [smem:$0x3FAF]  }
0x2d: {  	s3 =	simm.s32 $0x108;
	s8 =	sld [smem:$0x3FB0]  }
0x2e: {  	s3 =	simm.s32 @!p0 $0x1082;
	s9 =	sld [smem:$0x3FB1]  }
0x2f: {  	lr =	sadd.s32 s0, s3;
	s0 =	sld [smem:$0x3FA8]  }
0x30: {  	s3 =	sld [smem:$0x3FAB]  }
0x31: {  	[smem:$0x3FB4] =	sst s10  }
0x32: {  	s10 =	sld [smem:$0x3FB2];
	_ =	sdelay $0x3  }
0x33: {  	p0 =	seq.s32 s10, $0x1;
	s10 =	sld [smem:$0x3FB4];
	_ =	sdelay $0x3  }
0x34: {  	[smem:$0x3FB4] =	sst s10  }
0x35: {  	s10 =	sld [smem:$0x3FB3];
	_ =	sdelay $0x3  }
0x36: {  	p1 =	seq.s32 s10, $0x1;
	s10 =	sld [smem:$0x3FB4];
	_ =	sdelay $0x3  }
0x37: {  	[smem:$0x3FB4] =	sst s10  }
0x38: {  	s10 =	sld [smem:$0x3FB5]  }
0x39: {  	_ = 	snop;
	(pc) =	sbr.ind lr, $3  }
0x3a: {  	_ = 	snop  }
0x3b: {  	_ = 	snop  }
0x3c: {  	p2 =	seq.s32 s10, $0x1;
	s10 =	sld [smem:$0x3FB4]  }
0x3d: {  	_ =	shalt  }
0x3e: {  	_ =	shalt  }
0x3f: {  	_ =	shalt  }
0x40: {  	_ =	shalt  }
0x41: {  	_ =	shalt  }
0x42: {  	_ =	shalt  }
0x43: {  	_ =	shalt  }
0x44: {  	_ =	shalt  }
0x45: {  	_ =	shalt  }
0x46: {  	_ =	shalt  }
0x47: {  	_ =	shalt  }
0x48: {  	_ =	shalt  }
0x49: {  	_ =	shalt  }
0x4a: {  	_ =	shalt  }
0x4b: {  	_ =	shalt  }
0x4c: {  	_ =	shalt  }
0x4d: {  	_ =	shalt  }
0x4e: {  	_ =	shalt  }
0x4f: {  	_ =	shalt  }
0x50: {  	_ =	shalt  }
0x51: {  	_ =	shalt  }
0x52: {  	_ =	shalt  }
0x53: {  	_ =	shalt  }
0x54: {  	_ =	shalt  }
0x55: {  	_ =	shalt  }
0x56: {  	_ =	shalt  }
0x57: {  	_ =	shalt  }
0x58: {  	_ =	shalt  }
0x59: {  	_ =	shalt  }
0x5a: {  	_ =	shalt  }
0x5b: {  	_ =	shalt  }
0x5c: {  	_ =	shalt  }
0x5d: {  	_ =	shalt  }
0x5e: {  	_ =	shalt  }
0x5f: {  	_ =	shalt  }
0x60: {  	_ =	shalt  }
0x61: {  	_ =	shalt  }
0x62: {  	_ =	shalt  }
0x63: {  	_ =	shalt  }
0x64: {  	_ =	shalt  }
0x65: {  	_ =	shalt  }
0x66: {  	_ =	shalt  }
0x67: {  	_ =	shalt  }
0x68: {  	_ =	shalt  }
0x69: {  	_ =	shalt  }
0x6a: {  	_ =	shalt  }
0x6b: {  	_ =	shalt  }
0x6c: {  	_ =	shalt  }
0x6d: {  	_ =	shalt  }
0x6e: {  	_ =	shalt  }
0x6f: {  	_ =	shalt  }
0x70: {  	_ =	shalt  }
0x71: {  	_ =	shalt  }
0x72: {  	_ =	shalt  }
0x73: {  	_ =	shalt  }
0x74: {  	_ =	shalt  }
0x75: {  	_ =	shalt  }
0x76: {  	_ =	shalt  }
0x77: {  	_ =	shalt  }
0x78: {  	_ =	shalt  }
0x79: {  	_ =	shalt  }
0x7a: {  	_ =	shalt  }
0x7b: {  	_ =	shalt  }
0x7c: {  	_ =	shalt  }
0x7d: {  	_ =	shalt  }
0x7e: {  	_ =	shalt  }
0x7f: {  	_ =	shalt  }
0x80: {  	_ =	shalt  }
0x81: {  	_ =	shalt  }
0x82: {  	_ =	shalt  }
0x83: {  	_ =	shalt  }
0x84: {  	_ =	shalt  }
0x85: {  	_ =	shalt  }
0x86: {  	_ =	shalt  }
0x87: {  	_ =	shalt  }
.Lfunc_end0:
.L_simem_size_0:
called_computation.1_lowered:
.L_overlay_start_0:
0x88: {  	s2 =	sld [smem:$0x3FD9]  }
0x89: {  	s3 =	sld [smem:$0x3FFE];
	_ =	sdelay $0x1  }
0x8a: {  	s1 =	srdreg.scid  }
0x8b: {  	s0 =	sand.u32 $0x1, s1  }
0x8c: {  	s17 =	sshll.u32 s0, $0xA;
	s2 =	sadd.s32 s3, s2  }
0x8d: {  	s2 =	sadd.s32 s2, s17  }
0x8e: {  	[smem:$0x3FC0] =	sst s2  }
0x8f: {  	_ = 	snop  }
0x90: {  	s2 =	sld [smem:$0x3FD0];
	(tm) =	ssettm $0x1  }
0x91: {  	s18 =	sld [smem:$0x3FFB];
	_ =	sdelay $0x3  }
0x92: {  	_ =	strace s18  }
0x93: {  	s3 =	sld [smem:$0x3FFC];
	_ =	sdelay $0x3  }
0x94: {  	_ =	strace s3  }
0x95: {  	s3 =	sld [smem:$0x3FFD];
	_ =	sdelay $0x3  }
0x96: {  	_ =	strace s3  }
0x97: {  	_ =	strace $0x8FFFFFFF  }
0x98: {  	s19 =	sld [smem:$0x3FDB];
	_ =	sdelay $0x1  }
0x99: {  	s4 =	simm.s32 $_scs_section_size  }
0x9a: {  	s5 =	simm.s32 $_size__tile_overlayer_lowered;
	s6 =	simm.s32 $_tile_overlayer_lowered  }
0x9b: {  	s22 =	simm.s32 $0x1BFF;
	s21 =	sshll.u32 s6, $0x1;
	s3 =	sadd.s32 s4, s19  }
0x9c: {  	s7 =	simm.s32 $0x0;
	s20 =	sshll.u32 s5, $0x1;
	s5 =	sadd.s32 s21, s3  }
0x9d: {  	[timem:s7], [sflag:s22] =	dma.local [hbm:s5], s20  }
0x9e: {  	_ =	swait.ge [sflag:s22], s20  }
0x9f: {  	s4 =	ssub.s32 $0x0, s20;
	[sflag:s22] =	ssyncset.done $0x0  }
0xa0: {  	[sflag:s22] =	ssyncadd.s32 s4;
	_ =	sdelay $0x1  }
0xa1: {  	s23 =	simm.s32 $0x1B8B  }
0xa2: {  	_ =	swait.ge [sflag:s23], $0x1  }
0xa3: {  	[sflag:s23] =	ssyncset.done $0x0  }
0xa4: {  	s25 =	simm.s32 $0x1B8E;
	s24 =	sld [smem:$0x3FFE];
	[sflag:s23] =	ssyncadd.s32 $0xFFFFFFFF  }
0xa5: {  	s26 =	simm.s32 $execute0_lowered;
	[smem:$0x3FD2] =	sst s25  }
0xa6: {  	s5 =	sshll.u32 s26, $0x1;
	_ =	strace $0x80000049;
	[dreg:$0x1] =	wrdreg $0xFFFFFFFF  }
0xa7: {  	s28 =	simm.s32 $_size_execute0_lowered;
	s3 =	sadd.s32 s3, s5;
	[dreg:$0x0] =	wrdreg $0x0  }
0xa8: {  	s5 =	sshll.u32 s28, $0x1;
	[dreg:$0x2] =	wrdreg s3  }
0xa9: {  	[dreg:$0x3] =	wrdreg s5  }
0xaa: {  	[dreg:$0x4] =	wrdreg $0xC0  }
0xab: {  	_ =	task [dreg:s7], $0x5FFFF  }
0xac: {  	[dreg:$0x1] =	wrdreg $0xFFFFFFFF  }
0xad: {  	[dreg:$0x0] =	wrdreg $0x60  }
0xae: {  	[dreg:$0x2] =	wrdreg s2  }
0xaf: {  	[dreg:$0x3] =	wrdreg s24  }
0xb0: {  	[dreg:$0x4] =	wrdreg $0x0  }
0xb1: {  	[dreg:$0x5] =	wrdreg $0x9  }
0xb2: {  	_ =	task.clear_ibuf [dreg:s7], $0x6FFFF;
	_ =	strace $0x90000049  }
0xb3: {  	s29 =	simm.s32 $0x9;
	_ =	strace $0x8000004B  }
0xb4: {  	_ =	swait.ge [sflag:s29], $0x1  }
0xb5: {  	[sflag:s29] =	ssyncadd.s32 $0xFFFFFFFF  }
0xb6: {  	_ =	strace $0x9000004B  }
0xb7: {  	_ =	sfence  }
0xb8: {  	s30 =	sld [smem:$0x0];
	_ =	sdelay $0x2  }
0xb9: {  	s31 =	sshll.u32 s1, $0xD;
	s1 =	sshrl.u32 s1, $0x2  }
0xba: {  	s3 =	sand.u32 $0x4000, s31;
	s1 =	sadd.s32 s1, s30  }
0xbb: {  	s0 =	sor.u32 s3, s0;
	s1 =	sshll.u32 s1, $0x11  }
0xbc: {  	s0 =	sor.u32 s1, s0  }
0xbd: {  	s0 =	sadd.s32 $0x8F2B, s0  }
0xbe: {  	[sflag:s0] =	ssyncadd.remote.s32 $0x1  }
0xbf: {  	_ =	sfence.sel $0xFFFF  }
0xc0: {  	[dreg:$0x0] =	wrdreg $0xFFFFFFFF;
	(pc) =	sbr.abs _section_cstart, $3  }
0xc1: {  	[dreg:$0x1] =	wrdreg $0xFFFFFFFF  }
0xc2: {  	_ =	task.clear_ibuf [dreg:s7], $0x2FFFF;
	_ =	strace $0x9FFFFFFF  }
0xc3: {  	(tm) =	ssettm $0x7FFFFFFF  }
tec
execute0_lowered:
.L_overlay_start_1:
0x0: {  	(tag) =	ssettag $0x1  }
0x1: {  	s2 =	rddreg [dreg:$0x0]  }
0x2: {  	s0 =	rddreg [dreg:$0x1]  }
0x3: {  	s3 =	rddreg [dreg:$0x2];
	s13 =	stileid.u32  }
0x4: {  	s4 =	simm.s32 $0x0;
	s6 =	srdreg.scid;
	s29 =	simm.s32 $0x9  }
0x5: {  	s30 =	simm.s32 $0x16400;
	s31 =	simm.s32 $0x16480;
	s28 =	simm.s32 $0x8  }
0x6: {  	s1 =	smul.u32 $0x2800, s13;
	[smem:$0x7FF] =	sst s4;
	s7 =	sadd.s32 $0xFFA00, s0  }
0x7: {  	s6 =	sand.u32 $0x1, s6;
	s8 =	sadd.s32 $0x5EA00, s0;
	s9 =	smul.u32 $0x4F000, s13  }
0x8: {  	s10 =	sadd.s32 $0x113A00, s0;
	s21 =	smul.u32 $0x13C00, s13;
	s24 =	sadd.s32 $0xFFA10, s0  }
0x9: {  	_ =	strace $0x8000004A;
	[dreg:$0x4] =	wrdreg s8;
	s12 =	smul.u32 $0x50000, s6  }
0xa: {  	s19 =	ssub.s32 $0x2, s6;
	s23 =	smul.u32 $0x278000, s6;
	s5 =	sshrl.u32 s1, $0x3  }
0xb: {  	s6 =	sshllo.u32 s6, $0x1;
	s11 =	sshrl.u32 s19, $0x1;
	s5 =	sadd.s32 s5, s0  }
0xc: {  	s20 =	sshrl.u32 s9, $0x2;
	s14 =	smul.u32 $0x28000, s6;
	s5 =	sadd.s32 $0xB800, s5  }
0xd: {  	s6 =	smul.u32 $0x13C000, s6;
	[dreg:$0x5] =	wrdreg s5;
	s5 =	sadd.s32 s20, s3  }
0xe: {  	s8 =	ssub.s32 s19, s11;
	s0 =	sadd.s32 $0xFFA20, s0;
	[dreg:$0x6] =	wrdreg s5  }
0xf: {  	s5 =	sadd.s32 s1, s12;
	s12 =	sadd.s32 s21, s23;
	s1 =	sadd.s32 s1, s14  }
0x10: {  	s22 =	sshrl.u32 s5, $0x3;
	s25 =	sshrl.u32 s12, $0x3;
	s1 =	sshrl.u32 s1, $0x3  }
0x11: {  	s9 =	sor.u32 $0x280, s5;
	s14 =	sor.u32 $0x200, s5;
	s16 =	sadd.s32 s22, s24  }
0x12: {  	s17 =	sadd.s32 $0x28300, s5;
	s11 =	sadd.s32 s22, s0;
	[dreg:$0x7] =	wrdreg s16  }
0x13: {  	s20 =	sadd.s32 $0x28280, s5;
	s26 =	sadd.s32 s1, s24;
	[dreg:$0x8] =	wrdreg s11  }
0x14: {  	s15 =	sadd.s32 s7, s22;
	s0 =	sadd.s32 s1, s0;
	[dreg:$0xa] =	wrdreg s26  }
0x15: {  	s11 =	sadd.s32 s10, s25;
	[dreg:$0xb] =	wrdreg s0;
	s16 =	sor.u32 $0x180, s5  }
0x16: {  	s24 =	sadd.s32 $0x4F0, s15;
	s25 =	smax.u32 s8, $0x1;
	[dreg:$0x9] =	wrdreg s11  }
0x17: {  	s11 =	sadd.s32 s7, s1;
	s1 =	sadd.s32 s21, s6;
	s6 =	sor.u32 $0x300, s5  }
0x18: {  	s21 =	sadd.s32 $0x28200, s5;
	s5 =	sadd.s32 $0x28180, s5;
	[dreg:$0x15] =	wrdreg s24  }
0x19: {  	[dreg:$0x16] =	wrdreg s25;
	s24 =	simm.s32 $0x7;
	s25 =	simm.s32 $0x3  }
0x1a: {  	s0 =	sshrl.u32 s1, $0x3;
	s1 =	sshrl.u32 s6, $0x3;
	s6 =	sshrl.u32 s9, $0x3  }
0x1b: {  	s5 =	sshrl.u32 s5, $0x3;
	s26 =	sadd.s32 $0x4F0, s11;
	s9 =	simm.s32 $0x0  }
0x1c: {  	s0 =	sadd.s32 s10, s0;
	s12 =	sadd.s32 s1, s7;
	s13 =	sadd.s32 s6, s7  }
0x1d: {  	s1 =	sshrl.u32 s16, $0x3;
	s6 =	sshrl.u32 s17, $0x3;
	[dreg:$0x17] =	wrdreg s26  }
0x1e: {  	s23 =	sadd.s32 s5, s7;
	s10 =	simm.s32 $0x2;
	[dreg:$0xc] =	wrdreg s0  }
0x1f: {  	s26 =	simm.s32 $0x6;
	s5 =	simm.s32 $0x4;
	[dreg:$0xd] =	wrdreg s12  }
0x20: {  	[dreg:$0xe] =	wrdreg s13;
	s0 =	sshrl.u32 s14, $0x3;
	s18 =	sadd.s32 s1, s7  }
0x21: {  	s19 =	sadd.s32 s6, s7;
	s1 =	sshrl.u32 s21, $0x3;
	[dreg:$0x14] =	wrdreg s23  }
0x22: {  	s23 =	smov.u32 s11;
	s6 =	simm.s32 $0x16600;
	[dreg:$0x10] =	wrdreg s18  }
0x23: {  	s11 =	simm.s32 $0x1A600;
	s0 =	sadd.s32 s0, s7;
	[dreg:$0x11] =	wrdreg s19  }
0x24: {  	s14 =	simm.s32 $0x5;
	s22 =	sadd.s32 s1, s7;
	[dreg:$0xf] =	wrdreg s0  }
0x25: {  	s1 =	simm.s32 $0x80;
	s0 =	sshrl.u32 s20, $0x3;
	[dreg:$0x13] =	wrdreg s22  }
0x26: {  	s22 =	smov.u32 s15;
	s15 =	simm.s32 $0x16580;
	s0 =	sadd.s32 s0, s7  }
0x27: {  	s7 =	simm.s32 $0x16500;
	[dreg:$0x12] =	wrdreg s0;
	s0 =	simm.s32 $0x1  }
.LBB2_1:
0x28: {  	s8 =	rddreg [dreg:$0x5];
	s16 =	simm.s32 $0x13C00;
	s20 =	stileid.u32  }
0x29: {  	[tilespmem:s16], [sflag:$0x9] =	stream.linear.gather [hbm4b:s8+s4], $0x2800, $0x38;
	[tilespmem:$0x1E600] =	vst v63  }
0x2a: {  	s8 =	sshll.u32 s20, $0x6;
	_ =	swait.ge [sflag:s29], $0x2800  }
0x2b: {  	s8 =	sor.u32 $0x1C09, s8;
	[sflag:s29] =	ssyncset.done $0x0;
	s12 =	rddreg [dreg:$0x6]  }
0x2c: {  	s21 =	rddreg [dreg:$0x4];
	[sflag:s29] =	ssyncadd.s32 $0xFFFFD800;
	s13 =	sshrl.u32 s12, $0x3  }
0x2d: {  	[spmem:s13], [sflag:s8] =	dma.local [hbm:s21], $0x2780  }
0x2e: {  	_ =	swait.ge [sflag:s29], $0x2780  }
0x2f: {  	[sflag:s29] =	ssyncset.done $0x0  }
0x30: {  	[sflag:s29] =	ssyncadd.s32 $0xFFFFD880  }
0x31: {  	[bflag:$0x0] =	sbarrier.arrive $0xFFFF  }
0x32: {  	[tilespmem:s30], [sflag:$0x1] =	stream.linear.gather [hbm4b:s22+s4], $0x80, $0x38;
	[tilespmem:$0x1E600] =	vst v63  }
0x33: {  	s17 =	rddreg [dreg:$0x7]  }
0x34: {  	[tilespmem:s31], [sflag:$0x2] =	stream.linear.gather [hbm4b:s17+s4], $0x80, $0x38;
	[tilespmem:$0x1E600] =	vst v63  }
0x35: {  	_ =	swait.ge [sflag:s0], $0x80  }
0x36: {  	[sflag:s0] =	ssyncset.done $0x0  }
0x37: {  	[sflag:s0] =	ssyncadd.s32 $0xFFFFFF80  }
0x38: {  	[tilespmem:s6], [sflag:$0x5] =	stream.indirect.gather [hbm4b:s2+s1], $0x80, s30, s1, $0xb8;
	[tilespmem:$0x1E600] =	vst v63  }
0x39: {  	s18 =	rddreg [dreg:$0x8]  }
0x3a: {  	[tilespmem:s7], [sflag:$0x3] =	stream.linear.gather [hbm4b:s18+s4], $0x80, $0x38;
	[tilespmem:$0x1E600] =	vst v63  }
0x3b: {  	_ =	swait.ge [sflag:s10], $0x80  }
0x3c: {  	[sflag:s10] =	ssyncset.done $0x0  }
0x3d: {  	[sflag:s10] =	ssyncadd.s32 $0xFFFFFF80  }
0x3e: {  	[tilespmem:s11], [sflag:$0x6] =	stream.indirect.gather [hbm4b:s2+s1], $0x80, s31, s1, $0xb8;
	[tilespmem:$0x1E600] =	vst v63  }
0x3f: {  	_ =	swait.ge [sflag:s14], $0x4000  }
0x40: {  	[sflag:s14] =	ssyncset.done $0x0  }
0x41: {  	[sflag:s14] =	ssyncadd.s32 $0xFFFFC000  }
0x42: {  	[spmem:s3] =	stream.indirect.scatter.add.f32 [tilespmem:s6], [sflag:$0x7], $0x80, s16, s1, $0xb8;
	[tilespmem:$0x1E600] =	vst v63  }
0x43: {  	s16 =	rddreg [dreg:$0x10]  }
0x44: {  	[tilespmem:s15], [sflag:$0x4] =	stream.linear.gather [hbm4b:s16+s4], $0x80, $0x38;
	[tilespmem:$0x1E600] =	vst v63  }
0x45: {  	_ =	swait.ge [sflag:s24], $0x4000  }
0x46: {  	[sflag:s24] =	ssyncset.done $0x0  }
0x47: {  	[sflag:s24] =	ssyncadd.s32 $0xFFFFC000  }
0x48: {  	_ =	swait.ge [sflag:s25], $0x80  }
0x49: {  	[sflag:s25] =	ssyncset.done $0x0  }
0x4a: {  	[sflag:s25] =	ssyncadd.s32 $0xFFFFFF80  }
0x4b: {  	[tilespmem:s6], [sflag:$0x5] =	stream.indirect.gather [hbm4b:s2+s1], $0x80, s7, s1, $0xb8;
	[tilespmem:$0x1E600] =	vst v63  }
0x4c: {  	_ =	swait.ge [sflag:s26], $0x4000  }
0x4d: {  	[sflag:s26] =	ssyncset.done $0x0  }
0x4e: {  	s19 =	simm.s32 $0x13C80;
	[sflag:s26] =	ssyncadd.s32 $0xFFFFC000  }
0x4f: {  	[spmem:s3] =	stream.indirect.scatter.add.f32 [tilespmem:s11], [sflag:$0x8], $0x80, s19, s1, $0xb8;
	[tilespmem:$0x1E600] =	vst v63  }
0x50: {  	s18 =	rddreg [dreg:$0xf]  }
0x51: {  	[tilespmem:s30], [sflag:$0x1] =	stream.linear.gather [hbm4b:s18+s4], $0x80, $0x38;
	[tilespmem:$0x1E600] =	vst v63  }
0x52: {  	_ =	swait.ge [sflag:s28], $0x4000  }
0x53: {  	[sflag:s28] =	ssyncset.done $0x0  }
0x54: {  	[sflag:s28] =	ssyncadd.s32 $0xFFFFC000  }
0x55: {  	_ =	swait.ge [sflag:s5], $0x80  }
0x56: {  	[sflag:s5] =	ssyncset.done $0x0  }
0x57: {  	[sflag:s5] =	ssyncadd.s32 $0xFFFFFF80  }
0x58: {  	[tilespmem:s11], [sflag:$0x6] =	stream.indirect.gather [hbm4b:s2+s1], $0x80, s15, s1, $0xb8;
	[tilespmem:$0x1E600] =	vst v63  }
0x59: {  	_ =	swait.ge [sflag:s14], $0x4000  }
0x5a: {  	[sflag:s14] =	ssyncset.done $0x0  }
0x5b: {  	s20 =	simm.s32 $0x13D00;
	[sflag:s14] =	ssyncadd.s32 $0xFFFFC000  }
0x5c: {  	[spmem:s3] =	stream.indirect.scatter.add.f32 [tilespmem:s6], [sflag:$0x7], $0x80, s20, s1, $0xb8;
	[tilespmem:$0x1E600] =	vst v63  }
0x5d: {  	s17 =	rddreg [dreg:$0xe]  }
0x5e: {  	[tilespmem:s31], [sflag:$0x2] =	stream.linear.gather [hbm4b:s17+s4], $0x80, $0x38;
	[tilespmem:$0x1E600] =	vst v63  }
0x5f: {  	_ =	swait.ge [sflag:s24], $0x4000  }
0x60: {  	[sflag:s24] =	ssyncset.done $0x0  }
0x61: {  	[sflag:s24] =	ssyncadd.s32 $0xFFFFC000  }
0x62: {  	_ =	swait.ge [sflag:s0], $0x80  }
0x63: {  	[sflag:s0] =	ssyncset.done $0x0  }
0x64: {  	[sflag:s0] =	ssyncadd.s32 $0xFFFFFF80  }
0x65: {  	[tilespmem:s6], [sflag:$0x5] =	stream.indirect.gather [hbm4b:s2+s1], $0x80, s30, s1, $0xb8;
	[tilespmem:$0x1E600] =	vst v63  }
0x66: {  	_ =	swait.ge [sflag:s26], $0x4000  }
0x67: {  	[sflag:s26] =	ssyncset.done $0x0  }
0x68: {  	s21 =	simm.s32 $0x13D80;
	[sflag:s26] =	ssyncadd.s32 $0xFFFFC000  }
0x69: {  	[spmem:s3] =	stream.indirect.scatter.add.f32 [tilespmem:s11], [sflag:$0x8], $0x80, s21, s1, $0xb8;
	[tilespmem:$0x1E600] =	vst v63  }
0x6a: {  	s19 =	rddreg [dreg:$0xd]  }
0x6b: {  	[tilespmem:s7], [sflag:$0x3] =	stream.linear.gather [hbm4b:s19+s4], $0x80, $0x38;
	[tilespmem:$0x1E600] =	vst v63  }
0x6c: {  	_ =	swait.ge [sflag:s28], $0x4000  }
0x6d: {  	[sflag:s28] =	ssyncset.done $0x0  }
0x6e: {  	[sflag:s28] =	ssyncadd.s32 $0xFFFFC000  }
0x6f: {  	_ =	swait.ge [sflag:s10], $0x80  }
0x70: {  	[sflag:s10] =	ssyncset.done $0x0  }
0x71: {  	[sflag:s10] =	ssyncadd.s32 $0xFFFFFF80  }
0x72: {  	[tilespmem:s11], [sflag:$0x6] =	stream.indirect.gather [hbm4b:s2+s1], $0x80, s31, s1, $0xb8;
	[tilespmem:$0x1E600] =	vst v63  }
0x73: {  	s12 =	simm.s32 $0x800;
	s16 =	sadd.s32 $0x40, s16;
	_ =	swait.ge [sflag:s14], $0x4000  }
0x74: {  	s18 =	sadd.s32 $0x40, s18;
	s20 =	simm.s32 $0x13E00;
	[sflag:s14] =	ssyncset.done $0x0  }
0x75: {  	s17 =	sadd.s32 $0x40, s17;
	s19 =	sadd.s32 $0x40, s19;
	[sflag:s14] =	ssyncadd.s32 $0xFFFFC000  }
.LBB2_2:
0x76: {  	[spmem:s3] =	stream.indirect.scatter.add.f32 [tilespmem:s6], [sflag:$0x7], $0x80, s20, s1, $0xb8;
	[tilespmem:$0x1E600] =	vst v63  }
0x77: {  	p0 =	sne.s32 s12, $0x9000;
	s20 =	smov.u32 s12;
	s12 =	sadd.s32 $0x800, s12  }
0x78: {  	[tilespmem:s15], [sflag:$0x4] =	stream.linear.gather [hbm4b:s16+s4], $0x80, $0x38;
	[tilespmem:$0x1E600] =	vst v63  }
0x79: {  	_ =	swait.ge [sflag:s24], $0x4000  }
0x7a: {  	[sflag:s24] =	ssyncset.done $0x0  }
0x7b: {  	[sflag:s24] =	ssyncadd.s32 $0xFFFFC000  }
0x7c: {  	_ =	swait.ge [sflag:s25], $0x80  }
0x7d: {  	[sflag:s25] =	ssyncset.done $0x0  }
0x7e: {  	[sflag:s25] =	ssyncadd.s32 $0xFFFFFF80  }
0x7f: {  	[tilespmem:s6], [sflag:$0x5] =	stream.indirect.gather [hbm4b:s2+s1], $0x80, s7, s1, $0xb8;
	[tilespmem:$0x1E600] =	vst v63  }
0x80: {  	_ =	swait.ge [sflag:s26], $0x4000  }
0x81: {  	s20 =	sshra.s32 s20, $0x2;
	[sflag:s26] =	ssyncset.done $0x0  }
0x82: {  	s21 =	sadd.s32 $0x13C80, s20;
	[sflag:s26] =	ssyncadd.s32 $0xFFFFC000  }
0x83: {  	[spmem:s3] =	stream.indirect.scatter.add.f32 [tilespmem:s11], [sflag:$0x8], $0x80, s21, s1, $0xb8;
	[tilespmem:$0x1E600] =	vst v63  }
0x84: {  	_ = 	snop  }
0x85: {  	[tilespmem:s30], [sflag:$0x1] =	stream.linear.gather [hbm4b:s18+s4], $0x80, $0x38;
	[tilespmem:$0x1E600] =	vst v63  }
0x86: {  	_ =	swait.ge [sflag:s28], $0x4000  }
0x87: {  	[sflag:s28] =	ssyncset.done $0x0  }
0x88: {  	[sflag:s28] =	ssyncadd.s32 $0xFFFFC000  }
0x89: {  	_ =	swait.ge [sflag:s5], $0x80  }
0x8a: {  	[sflag:s5] =	ssyncset.done $0x0  }
0x8b: {  	[sflag:s5] =	ssyncadd.s32 $0xFFFFFF80  }
0x8c: {  	[tilespmem:s11], [sflag:$0x6] =	stream.indirect.gather [hbm4b:s2+s1], $0x80, s15, s1, $0xb8;
	[tilespmem:$0x1E600] =	vst v63  }
0x8d: {  	_ =	swait.ge [sflag:s14], $0x4000  }
0x8e: {  	[sflag:s14] =	ssyncset.done $0x0  }
0x8f: {  	s21 =	sadd.s32 $0x13D00, s20;
	[sflag:s14] =	ssyncadd.s32 $0xFFFFC000  }
0x90: {  	[spmem:s3] =	stream.indirect.scatter.add.f32 [tilespmem:s6], [sflag:$0x7], $0x80, s21, s1, $0xb8;
	[tilespmem:$0x1E600] =	vst v63  }
0x91: {  	_ = 	snop  }
0x92: {  	[tilespmem:s31], [sflag:$0x2] =	stream.linear.gather [hbm4b:s17+s4], $0x80, $0x38;
	[tilespmem:$0x1E600] =	vst v63  }
0x93: {  	_ =	swait.ge [sflag:s24], $0x4000  }
0x94: {  	[sflag:s24] =	ssyncset.done $0x0  }
0x95: {  	[sflag:s24] =	ssyncadd.s32 $0xFFFFC000  }
0x96: {  	_ =	swait.ge [sflag:s0], $0x80  }
0x97: {  	[sflag:s0] =	ssyncset.done $0x0  }
0x98: {  	[sflag:s0] =	ssyncadd.s32 $0xFFFFFF80  }
0x99: {  	[tilespmem:s6], [sflag:$0x5] =	stream.indirect.gather [hbm4b:s2+s1], $0x80, s30, s1, $0xb8;
	[tilespmem:$0x1E600] =	vst v63  }
0x9a: {  	_ =	swait.ge [sflag:s26], $0x4000  }
0x9b: {  	[sflag:s26] =	ssyncset.done $0x0  }
0x9c: {  	s21 =	sadd.s32 $0x13D80, s20;
	[sflag:s26] =	ssyncadd.s32 $0xFFFFC000  }
0x9d: {  	[spmem:s3] =	stream.indirect.scatter.add.f32 [tilespmem:s11], [sflag:$0x8], $0x80, s21, s1, $0xb8;
	[tilespmem:$0x1E600] =	vst v63  }
0x9e: {  	_ = 	snop  }
0x9f: {  	[tilespmem:s7], [sflag:$0x3] =	stream.linear.gather [hbm4b:s19+s4], $0x80, $0x38;
	[tilespmem:$0x1E600] =	vst v63  }
0xa0: {  	_ =	swait.ge [sflag:s28], $0x4000  }
0xa1: {  	[sflag:s28] =	ssyncset.done $0x0  }
0xa2: {  	[sflag:s28] =	ssyncadd.s32 $0xFFFFC000  }
0xa3: {  	_ =	swait.ge [sflag:s10], $0x80  }
0xa4: {  	[sflag:s10] =	ssyncset.done $0x0  }
.Ltmp0:
0xa5: {  	[sflag:s10] =	ssyncadd.s32 $0xFFFFFF80;
	(pc) =	sbr.rel @p0 .LBB2_2-.Ltmp0, $4  }
0xa6: {  	[tilespmem:s11], [sflag:$0x6] =	stream.indirect.gather [hbm4b:s2+s1], $0x80, s31, s1, $0xb8;
	[tilespmem:$0x1E600] =	vst v63  }
0xa7: {  	s16 =	sadd.s32 $0x40, s16;
	_ =	swait.ge [sflag:s14], $0x4000  }
0xa8: {  	s18 =	sadd.s32 $0x40, s18;
	s17 =	sadd.s32 $0x40, s17;
	[sflag:s14] =	ssyncset.done $0x0  }
0xa9: {  	s20 =	sadd.s32 $0x13E00, s20;
	s19 =	sadd.s32 $0x40, s19;
	[sflag:s14] =	ssyncadd.s32 $0xFFFFC000  }
0xaa: {  	[spmem:s3] =	stream.indirect.scatter.add.f32 [tilespmem:s6], [sflag:$0x7], $0x80, s20, s1, $0xb8;
	[tilespmem:$0x1E600] =	vst v63  }
0xab: {  	s12 =	simm.s32 $0x0;
	s16 =	rddreg [dreg:$0x15]  }
0xac: {  	[tilespmem:s15], [sflag:$0x4] =	stream.linear.gather [hbm4b:s16+s12], $0x80, $0x38;
	[tilespmem:$0x1E600] =	vst v63  }
0xad: {  	_ =	swait.ge [sflag:s24], $0x4000  }
0xae: {  	[sflag:s24] =	ssyncset.done $0x0  }
0xaf: {  	[sflag:s24] =	ssyncadd.s32 $0xFFFFC000  }
0xb0: {  	_ =	swait.ge [sflag:s25], $0x80  }
0xb1: {  	[sflag:s25] =	ssyncset.done $0x0  }
0xb2: {  	[sflag:s25] =	ssyncadd.s32 $0xFFFFFF80  }
0xb3: {  	[tilespmem:s6], [sflag:$0x5] =	stream.indirect.gather [hbm4b:s2+s1], $0x80, s7, s1, $0xb8;
	[tilespmem:$0x1E600] =	vst v63  }
0xb4: {  	_ =	swait.ge [sflag:s26], $0x4000  }
0xb5: {  	[sflag:s26] =	ssyncset.done $0x0  }
0xb6: {  	s20 =	simm.s32 $0x16280;
	[sflag:s26] =	ssyncadd.s32 $0xFFFFC000  }
0xb7: {  	[spmem:s3] =	stream.indirect.scatter.add.f32 [tilespmem:s11], [sflag:$0x8], $0x80, s20, s1, $0xb8;
	[tilespmem:$0x1E600] =	vst v63  }
0xb8: {  	_ = 	snop  }
0xb9: {  	[tilespmem:s30], [sflag:$0x1] =	stream.linear.gather [hbm4b:s22+s12], $0x80, $0x38;
	[tilespmem:$0x1E600] =	vst v63  }
0xba: {  	_ =	swait.ge [sflag:s28], $0x4000  }
0xbb: {  	[sflag:s28] =	ssyncset.done $0x0  }
0xbc: {  	[sflag:s28] =	ssyncadd.s32 $0xFFFFC000  }
0xbd: {  	_ =	swait.ge [sflag:s5], $0x80  }
0xbe: {  	[sflag:s5] =	ssyncset.done $0x0  }
0xbf: {  	[sflag:s5] =	ssyncadd.s32 $0xFFFFFF80  }
0xc0: {  	[tilespmem:s11], [sflag:$0x6] =	stream.indirect.gather [hbm4b:s2+s1], $0x80, s15, s1, $0xb8;
	[tilespmem:$0x1E600] =	vst v63  }
0xc1: {  	_ =	swait.ge [sflag:s14], $0x4000  }
0xc2: {  	[sflag:s14] =	ssyncset.done $0x0  }
0xc3: {  	s21 =	simm.s32 $0x16300;
	[sflag:s14] =	ssyncadd.s32 $0xFFFFC000  }
0xc4: {  	[spmem:s3] =	stream.indirect.scatter.add.f32 [tilespmem:s6], [sflag:$0x7], $0x80, s21, s1, $0xb8;
	[tilespmem:$0x1E600] =	vst v63  }
0xc5: {  	s17 =	rddreg [dreg:$0x7]  }
0xc6: {  	[tilespmem:s31], [sflag:$0x2] =	stream.linear.gather [hbm4b:s17+s12], $0x80, $0x38;
	[tilespmem:$0x1E600] =	vst v63  }
0xc7: {  	_ =	swait.ge [sflag:s24], $0x4000  }
0xc8: {  	[sflag:s24] =	ssyncset.done $0x0  }
0xc9: {  	[sflag:s24] =	ssyncadd.s32 $0xFFFFC000  }
0xca: {  	_ =	swait.ge [sflag:s0], $0x80  }
0xcb: {  	[sflag:s0] =	ssyncset.done $0x0  }
0xcc: {  	[sflag:s0] =	ssyncadd.s32 $0xFFFFFF80  }
0xcd: {  	[tilespmem:s6], [sflag:$0x5] =	stream.indirect.gather [hbm4b:s2+s1], $0x80, s30, s1, $0xb8;
	[tilespmem:$0x1E600] =	vst v63  }
0xce: {  	_ =	swait.ge [sflag:s26], $0x4000  }
0xcf: {  	[sflag:s26] =	ssyncset.done $0x0  }
0xd0: {  	s18 =	simm.s32 $0x16380;
	[sflag:s26] =	ssyncadd.s32 $0xFFFFC000  }
0xd1: {  	[spmem:s3] =	stream.indirect.scatter.add.f32 [tilespmem:s11], [sflag:$0x8], $0x80, s18, s1, $0xb8;
	[tilespmem:$0x1E600] =	vst v63  }
0xd2: {  	_ =	swait.ge [sflag:s28], $0x4000  }
0xd3: {  	[sflag:s28] =	ssyncset.done $0x0  }
0xd4: {  	[sflag:s28] =	ssyncadd.s32 $0xFFFFC000  }
0xd5: {  	_ =	swait.ge [sflag:s10], $0x80  }
0xd6: {  	[sflag:s10] =	ssyncset.done $0x0  }
0xd7: {  	[sflag:s10] =	ssyncadd.s32 $0xFFFFFF80  }
0xd8: {  	_ =	swait.ge [sflag:s14], $0x4000  }
0xd9: {  	[sflag:s14] =	ssyncset.done $0x0  }
0xda: {  	[sflag:s14] =	ssyncadd.s32 $0xFFFFC000  }
0xdb: {  	[bflag:$0x0] =	sbarrier.arrive $0xFFFF  }
0xdc: {  	s19 =	rddreg [dreg:$0x9]  }
0xdd: {  	[hbm:s19], [sflag:s8] =	dma.local [spmem:s13], $0x2780  }
0xde: {  	_ =	swait.ge [sflag:s29], $0x2780  }
0xdf: {  	[sflag:s29] =	ssyncset.done $0x0  }
0xe0: {  	[sflag:s29] =	ssyncadd.s32 $0xFFFFD880  }
0xe1: {  	[bflag:$0x0] =	sbarrier.arrive $0xFFFF  }
0xe2: {  	s20 =	rddreg [dreg:$0x4]  }
0xe3: {  	[spmem:s13], [sflag:s8] =	dma.local [hbm:s20], $0x2780  }
0xe4: {  	_ =	swait.ge [sflag:s29], $0x2780  }
0xe5: {  	[sflag:s29] =	ssyncset.done $0x0  }
0xe6: {  	[sflag:s29] =	ssyncadd.s32 $0xFFFFD880  }
0xe7: {  	[bflag:$0x0] =	sbarrier.arrive $0xFFFF  }
0xe8: {  	[tilespmem:s30], [sflag:$0x1] =	stream.linear.gather [hbm4b:s23+s12], $0x80, $0x38;
	[tilespmem:$0x1E600] =	vst v63  }
0xe9: {  	s21 =	rddreg [dreg:$0xa]  }
0xea: {  	[tilespmem:s31], [sflag:$0x2] =	stream.linear.gather [hbm4b:s21+s12], $0x80, $0x38;
	[tilespmem:$0x1E600] =	vst v63  }
0xeb: {  	_ =	swait.ge [sflag:s0], $0x80  }
0xec: {  	[sflag:s0] =	ssyncset.done $0x0  }
0xed: {  	[sflag:s0] =	ssyncadd.s32 $0xFFFFFF80  }
0xee: {  	[tilespmem:s6], [sflag:$0x5] =	stream.indirect.gather [hbm4b:s2+s1], $0x80, s30, s1, $0xb8;
	[tilespmem:$0x1E600] =	vst v63  }
0xef: {  	s17 =	rddreg [dreg:$0xb]  }
0xf0: {  	[tilespmem:s7], [sflag:$0x3] =	stream.linear.gather [hbm4b:s17+s12], $0x80, $0x38;
	[tilespmem:$0x1E600] =	vst v63  }
0xf1: {  	_ =	swait.ge [sflag:s10], $0x80  }
0xf2: {  	[sflag:s10] =	ssyncset.done $0x0  }
0xf3: {  	[sflag:s10] =	ssyncadd.s32 $0xFFFFFF80  }
0xf4: {  	[tilespmem:s11], [sflag:$0x6] =	stream.indirect.gather [hbm4b:s2+s1], $0x80, s31, s1, $0xb8;
	[tilespmem:$0x1E600] =	vst v63  }
0xf5: {  	_ =	swait.ge [sflag:s14], $0x4000  }
0xf6: {  	[sflag:s14] =	ssyncset.done $0x0  }
0xf7: {  	s18 =	simm.s32 $0x13C00;
	[sflag:s14] =	ssyncadd.s32 $0xFFFFC000  }
0xf8: {  	[spmem:s3] =	stream.indirect.scatter.add.f32 [tilespmem:s6], [sflag:$0x7], $0x80, s18, s1, $0xb8;
	[tilespmem:$0x1E600] =	vst v63  }
0xf9: {  	s16 =	rddreg [dreg:$0x14]  }
0xfa: {  	[tilespmem:s15], [sflag:$0x4] =	stream.linear.gather [hbm4b:s16+s4], $0x80, $0x38;
	[tilespmem:$0x1E600] =	vst v63  }
0xfb: {  	_ =	swait.ge [sflag:s24], $0x4000  }
0xfc: {  	[sflag:s24] =	ssyncset.done $0x0  }
0xfd: {  	[sflag:s24] =	ssyncadd.s32 $0xFFFFC000  }
0xfe: {  	_ =	swait.ge [sflag:s25], $0x80  }
0xff: {  	[sflag:s25] =	ssyncset.done $0x0  }
0x100: {  	[sflag:s25] =	ssyncadd.s32 $0xFFFFFF80  }
0x101: {  	[tilespmem:s6], [sflag:$0x5] =	stream.indirect.gather [hbm4b:s2+s1], $0x80, s7, s1, $0xb8;
	[tilespmem:$0x1E600] =	vst v63  }
0x102: {  	_ =	swait.ge [sflag:s26], $0x4000  }
0x103: {  	[sflag:s26] =	ssyncset.done $0x0  }
0x104: {  	s19 =	simm.s32 $0x13C80;
	[sflag:s26] =	ssyncadd.s32 $0xFFFFC000  }
0x105: {  	[spmem:s3] =	stream.indirect.scatter.add.f32 [tilespmem:s11], [sflag:$0x8], $0x80, s19, s1, $0xb8;
	[tilespmem:$0x1E600] =	vst v63  }
0x106: {  	s18 =	rddreg [dreg:$0x13]  }
0x107: {  	[tilespmem:s30], [sflag:$0x1] =	stream.linear.gather [hbm4b:s18+s4], $0x80, $0x38;
	[tilespmem:$0x1E600] =	vst v63  }
0x108: {  	_ =	swait.ge [sflag:s28], $0x4000  }
0x109: {  	[sflag:s28] =	ssyncset.done $0x0  }
0x10a: {  	[sflag:s28] =	ssyncadd.s32 $0xFFFFC000  }
0x10b: {  	_ =	swait.ge [sflag:s5], $0x80  }
0x10c: {  	[sflag:s5] =	ssyncset.done $0x0  }
0x10d: {  	[sflag:s5] =	ssyncadd.s32 $0xFFFFFF80  }
0x10e: {  	[tilespmem:s11], [sflag:$0x6] =	stream.indirect.gather [hbm4b:s2+s1], $0x80, s15, s1, $0xb8;
	[tilespmem:$0x1E600] =	vst v63  }
0x10f: {  	_ =	swait.ge [sflag:s14], $0x4000  }
0x110: {  	[sflag:s14] =	ssyncset.done $0x0  }
0x111: {  	s20 =	simm.s32 $0x13D00;
	[sflag:s14] =	ssyncadd.s32 $0xFFFFC000  }
0x112: {  	[spmem:s3] =	stream.indirect.scatter.add.f32 [tilespmem:s6], [sflag:$0x7], $0x80, s20, s1, $0xb8;
	[tilespmem:$0x1E600] =	vst v63  }
0x113: {  	s17 =	rddreg [dreg:$0x12]  }
0x114: {  	[tilespmem:s31], [sflag:$0x2] =	stream.linear.gather [hbm4b:s17+s4], $0x80, $0x38;
	[tilespmem:$0x1E600] =	vst v63  }
0x115: {  	_ =	swait.ge [sflag:s24], $0x4000  }
0x116: {  	[sflag:s24] =	ssyncset.done $0x0  }
0x117: {  	[sflag:s24] =	ssyncadd.s32 $0xFFFFC000  }
0x118: {  	_ =	swait.ge [sflag:s0], $0x80  }
0x119: {  	[sflag:s0] =	ssyncset.done $0x0  }
0x11a: {  	[sflag:s0] =	ssyncadd.s32 $0xFFFFFF80  }
0x11b: {  	[tilespmem:s6], [sflag:$0x5] =	stream.indirect.gather [hbm4b:s2+s1], $0x80, s30, s1, $0xb8;
	[tilespmem:$0x1E600] =	vst v63  }
0x11c: {  	_ =	swait.ge [sflag:s26], $0x4000  }
0x11d: {  	[sflag:s26] =	ssyncset.done $0x0  }
0x11e: {  	s21 =	simm.s32 $0x13D80;
	[sflag:s26] =	ssyncadd.s32 $0xFFFFC000  }
0x11f: {  	[spmem:s3] =	stream.indirect.scatter.add.f32 [tilespmem:s11], [sflag:$0x8], $0x80, s21, s1, $0xb8;
	[tilespmem:$0x1E600] =	vst v63  }
0x120: {  	s19 =	rddreg [dreg:$0x11]  }
0x121: {  	[tilespmem:s7], [sflag:$0x3] =	stream.linear.gather [hbm4b:s19+s4], $0x80, $0x38;
	[tilespmem:$0x1E600] =	vst v63  }
0x122: {  	_ =	swait.ge [sflag:s28], $0x4000  }
0x123: {  	[sflag:s28] =	ssyncset.done $0x0  }
0x124: {  	[sflag:s28] =	ssyncadd.s32 $0xFFFFC000  }
0x125: {  	_ =	swait.ge [sflag:s10], $0x80  }
0x126: {  	[sflag:s10] =	ssyncset.done $0x0  }
0x127: {  	[sflag:s10] =	ssyncadd.s32 $0xFFFFFF80  }
0x128: {  	[tilespmem:s11], [sflag:$0x6] =	stream.indirect.gather [hbm4b:s2+s1], $0x80, s31, s1, $0xb8;
	[tilespmem:$0x1E600] =	vst v63  }
0x129: {  	s12 =	simm.s32 $0x800;
	s16 =	sadd.s32 $0x40, s16;
	_ =	swait.ge [sflag:s14], $0x4000  }
0x12a: {  	s18 =	sadd.s32 $0x40, s18;
	s20 =	simm.s32 $0x13E00;
	[sflag:s14] =	ssyncset.done $0x0  }
0x12b: {  	s17 =	sadd.s32 $0x40, s17;
	s19 =	sadd.s32 $0x40, s19;
	[sflag:s14] =	ssyncadd.s32 $0xFFFFC000  }
.LBB2_4:
0x12c: {  	[spmem:s3] =	stream.indirect.scatter.add.f32 [tilespmem:s6], [sflag:$0x7], $0x80, s20, s1, $0xb8;
	[tilespmem:$0x1E600] =	vst v63  }
0x12d: {  	p0 =	sne.s32 s12, $0x9000;
	s20 =	smov.u32 s12;
	s12 =	sadd.s32 $0x800, s12  }
0x12e: {  	[tilespmem:s15], [sflag:$0x4] =	stream.linear.gather [hbm4b:s16+s4], $0x80, $0x38;
	[tilespmem:$0x1E600] =	vst v63  }
0x12f: {  	_ =	swait.ge [sflag:s24], $0x4000  }
0x130: {  	[sflag:s24] =	ssyncset.done $0x0  }
0x131: {  	[sflag:s24] =	ssyncadd.s32 $0xFFFFC000  }
0x132: {  	_ =	swait.ge [sflag:s25], $0x80  }
0x133: {  	[sflag:s25] =	ssyncset.done $0x0  }
0x134: {  	[sflag:s25] =	ssyncadd.s32 $0xFFFFFF80  }
0x135: {  	[tilespmem:s6], [sflag:$0x5] =	stream.indirect.gather [hbm4b:s2+s1], $0x80, s7, s1, $0xb8;
	[tilespmem:$0x1E600] =	vst v63  }
0x136: {  	_ =	swait.ge [sflag:s26], $0x4000  }
0x137: {  	s20 =	sshra.s32 s20, $0x2;
	[sflag:s26] =	ssyncset.done $0x0  }
0x138: {  	s21 =	sadd.s32 $0x13C80, s20;
	[sflag:s26] =	ssyncadd.s32 $0xFFFFC000  }
0x139: {  	[spmem:s3] =	stream.indirect.scatter.add.f32 [tilespmem:s11], [sflag:$0x8], $0x80, s21, s1, $0xb8;
	[tilespmem:$0x1E600] =	vst v63  }
0x13a: {  	_ = 	snop  }
0x13b: {  	[tilespmem:s30], [sflag:$0x1] =	stream.linear.gather [hbm4b:s18+s4], $0x80, $0x38;
	[tilespmem:$0x1E600] =	vst v63  }
0x13c: {  	_ =	swait.ge [sflag:s28], $0x4000  }
0x13d: {  	[sflag:s28] =	ssyncset.done $0x0  }
0x13e: {  	[sflag:s28] =	ssyncadd.s32 $0xFFFFC000  }
0x13f: {  	_ =	swait.ge [sflag:s5], $0x80  }
0x140: {  	[sflag:s5] =	ssyncset.done $0x0  }
0x141: {  	[sflag:s5] =	ssyncadd.s32 $0xFFFFFF80  }
0x142: {  	[tilespmem:s11], [sflag:$0x6] =	stream.indirect.gather [hbm4b:s2+s1], $0x80, s15, s1, $0xb8;
	[tilespmem:$0x1E600] =	vst v63  }
0x143: {  	_ =	swait.ge [sflag:s14], $0x4000  }
0x144: {  	[sflag:s14] =	ssyncset.done $0x0  }
0x145: {  	s21 =	sadd.s32 $0x13D00, s20;
	[sflag:s14] =	ssyncadd.s32 $0xFFFFC000  }
0x146: {  	[spmem:s3] =	stream.indirect.scatter.add.f32 [tilespmem:s6], [sflag:$0x7], $0x80, s21, s1, $0xb8;
	[tilespmem:$0x1E600] =	vst v63  }
0x147: {  	_ = 	snop  }
0x148: {  	[tilespmem:s31], [sflag:$0x2] =	stream.linear.gather [hbm4b:s17+s4], $0x80, $0x38;
	[tilespmem:$0x1E600] =	vst v63  }
0x149: {  	_ =	swait.ge [sflag:s24], $0x4000  }
0x14a: {  	[sflag:s24] =	ssyncset.done $0x0  }
0x14b: {  	[sflag:s24] =	ssyncadd.s32 $0xFFFFC000  }
0x14c: {  	_ =	swait.ge [sflag:s0], $0x80  }
0x14d: {  	[sflag:s0] =	ssyncset.done $0x0  }
0x14e: {  	[sflag:s0] =	ssyncadd.s32 $0xFFFFFF80  }
0x14f: {  	[tilespmem:s6], [sflag:$0x5] =	stream.indirect.gather [hbm4b:s2+s1], $0x80, s30, s1, $0xb8;
	[tilespmem:$0x1E600] =	vst v63  }
0x150: {  	_ =	swait.ge [sflag:s26], $0x4000  }
0x151: {  	[sflag:s26] =	ssyncset.done $0x0  }
0x152: {  	s21 =	sadd.s32 $0x13D80, s20;
	[sflag:s26] =	ssyncadd.s32 $0xFFFFC000  }
0x153: {  	[spmem:s3] =	stream.indirect.scatter.add.f32 [tilespmem:s11], [sflag:$0x8], $0x80, s21, s1, $0xb8;
	[tilespmem:$0x1E600] =	vst v63  }
0x154: {  	_ = 	snop  }
0x155: {  	[tilespmem:s7], [sflag:$0x3] =	stream.linear.gather [hbm4b:s19+s4], $0x80, $0x38;
	[tilespmem:$0x1E600] =	vst v63  }
0x156: {  	_ =	swait.ge [sflag:s28], $0x4000  }
0x157: {  	[sflag:s28] =	ssyncset.done $0x0  }
0x158: {  	[sflag:s28] =	ssyncadd.s32 $0xFFFFC000  }
0x159: {  	_ =	swait.ge [sflag:s10], $0x80  }
0x15a: {  	[sflag:s10] =	ssyncset.done $0x0  }
.Ltmp1:
0x15b: {  	[sflag:s10] =	ssyncadd.s32 $0xFFFFFF80;
	(pc) =	sbr.rel @p0 .LBB2_4-.Ltmp1, $4  }
0x15c: {  	[tilespmem:s11], [sflag:$0x6] =	stream.indirect.gather [hbm4b:s2+s1], $0x80, s31, s1, $0xb8;
	[tilespmem:$0x1E600] =	vst v63  }
0x15d: {  	s16 =	sadd.s32 $0x40, s16;
	_ =	swait.ge [sflag:s14], $0x4000  }
0x15e: {  	s18 =	sadd.s32 $0x40, s18;
	s17 =	sadd.s32 $0x40, s17;
	[sflag:s14] =	ssyncset.done $0x0  }
0x15f: {  	s20 =	sadd.s32 $0x13E00, s20;
	s19 =	sadd.s32 $0x40, s19;
	[sflag:s14] =	ssyncadd.s32 $0xFFFFC000  }
0x160: {  	[spmem:s3] =	stream.indirect.scatter.add.f32 [tilespmem:s6], [sflag:$0x7], $0x80, s20, s1, $0xb8;
	[tilespmem:$0x1E600] =	vst v63  }
0x161: {  	s12 =	rddreg [dreg:$0x17]  }
0x162: {  	[tilespmem:s15], [sflag:$0x4] =	stream.linear.gather [hbm4b:s12+s4], $0x80, $0x38;
	[tilespmem:$0x1E600] =	vst v63  }
0x163: {  	_ =	swait.ge [sflag:s24], $0x4000  }
0x164: {  	[sflag:s24] =	ssyncset.done $0x0  }
0x165: {  	[sflag:s24] =	ssyncadd.s32 $0xFFFFC000  }
0x166: {  	_ =	swait.ge [sflag:s25], $0x80  }
0x167: {  	[sflag:s25] =	ssyncset.done $0x0  }
0x168: {  	[sflag:s25] =	ssyncadd.s32 $0xFFFFFF80  }
0x169: {  	[tilespmem:s6], [sflag:$0x5] =	stream.indirect.gather [hbm4b:s2+s1], $0x80, s7, s1, $0xb8;
	[tilespmem:$0x1E600] =	vst v63  }
0x16a: {  	_ =	swait.ge [sflag:s26], $0x4000  }
0x16b: {  	[sflag:s26] =	ssyncset.done $0x0  }
0x16c: {  	s16 =	simm.s32 $0x16280;
	[sflag:s26] =	ssyncadd.s32 $0xFFFFC000  }
0x16d: {  	[spmem:s3] =	stream.indirect.scatter.add.f32 [tilespmem:s11], [sflag:$0x8], $0x80, s16, s1, $0xb8;
	[tilespmem:$0x1E600] =	vst v63  }
0x16e: {  	_ = 	snop  }
0x16f: {  	[tilespmem:s30], [sflag:$0x1] =	stream.linear.gather [hbm4b:s23+s4], $0x80, $0x38;
	[tilespmem:$0x1E600] =	vst v63  }
0x170: {  	_ =	swait.ge [sflag:s28], $0x4000  }
0x171: {  	[sflag:s28] =	ssyncset.done $0x0  }
0x172: {  	[sflag:s28] =	ssyncadd.s32 $0xFFFFC000  }
0x173: {  	_ =	swait.ge [sflag:s5], $0x80  }
0x174: {  	[sflag:s5] =	ssyncset.done $0x0  }
0x175: {  	[sflag:s5] =	ssyncadd.s32 $0xFFFFFF80  }
0x176: {  	[tilespmem:s11], [sflag:$0x6] =	stream.indirect.gather [hbm4b:s2+s1], $0x80, s15, s1, $0xb8;
	[tilespmem:$0x1E600] =	vst v63  }
0x177: {  	_ =	swait.ge [sflag:s14], $0x4000  }
0x178: {  	[sflag:s14] =	ssyncset.done $0x0  }
0x179: {  	s17 =	simm.s32 $0x16300;
	[sflag:s14] =	ssyncadd.s32 $0xFFFFC000  }
0x17a: {  	[spmem:s3] =	stream.indirect.scatter.add.f32 [tilespmem:s6], [sflag:$0x7], $0x80, s17, s1, $0xb8;
	[tilespmem:$0x1E600] =	vst v63  }
0x17b: {  	s18 =	rddreg [dreg:$0xa]  }
0x17c: {  	[tilespmem:s31], [sflag:$0x2] =	stream.linear.gather [hbm4b:s18+s4], $0x80, $0x38;
	[tilespmem:$0x1E600] =	vst v63  }
0x17d: {  	_ =	swait.ge [sflag:s24], $0x4000  }
0x17e: {  	[sflag:s24] =	ssyncset.done $0x0  }
0x17f: {  	[sflag:s24] =	ssyncadd.s32 $0xFFFFC000  }
0x180: {  	_ =	swait.ge [sflag:s0], $0x80  }
0x181: {  	[sflag:s0] =	ssyncset.done $0x0  }
0x182: {  	[sflag:s0] =	ssyncadd.s32 $0xFFFFFF80  }
0x183: {  	[tilespmem:s6], [sflag:$0x5] =	stream.indirect.gather [hbm4b:s2+s1], $0x80, s30, s1, $0xb8;
	[tilespmem:$0x1E600] =	vst v63  }
0x184: {  	_ =	swait.ge [sflag:s26], $0x4000  }
0x185: {  	[sflag:s26] =	ssyncset.done $0x0  }
0x186: {  	s19 =	simm.s32 $0x16380;
	[sflag:s26] =	ssyncadd.s32 $0xFFFFC000  }
0x187: {  	[spmem:s3] =	stream.indirect.scatter.add.f32 [tilespmem:s11], [sflag:$0x8], $0x80, s19, s1, $0xb8;
	[tilespmem:$0x1E600] =	vst v63  }
0x188: {  	_ =	swait.ge [sflag:s28], $0x4000  }
0x189: {  	[sflag:s28] =	ssyncset.done $0x0  }
0x18a: {  	[sflag:s28] =	ssyncadd.s32 $0xFFFFC000  }
0x18b: {  	_ =	swait.ge [sflag:s10], $0x80  }
0x18c: {  	[sflag:s10] =	ssyncset.done $0x0  }
0x18d: {  	[sflag:s10] =	ssyncadd.s32 $0xFFFFFF80  }
0x18e: {  	_ =	swait.ge [sflag:s14], $0x4000  }
0x18f: {  	[sflag:s14] =	ssyncset.done $0x0  }
0x190: {  	[sflag:s14] =	ssyncadd.s32 $0xFFFFC000  }
0x191: {  	[bflag:$0x0] =	sbarrier.arrive $0xFFFF  }
0x192: {  	s20 =	rddreg [dreg:$0xc]  }
0x193: {  	[hbm:s20], [sflag:s8] =	dma.local [spmem:s13], $0x2780  }
0x194: {  	_ =	swait.ge [sflag:s29], $0x2780  }
0x195: {  	s9 =	sadd.s32 $0x1, s9;
	s21 =	rddreg [dreg:$0x16]  }
0x196: {  	p0 =	sne.s32 s9, s21  }
.Ltmp2:
0x197: {  	_ = 	snop;
	(pc) =	sbr.rel @p0 .LBB2_1-.Ltmp2, $3  }
0x198: {  	_ =	sdelay $0x1  }
0x199: {  	[sflag:s29] =	ssyncset.done $0x0  }
0x19a: {  	[sflag:s29] =	ssyncadd.s32 $0xFFFFD880  }
0x19b: {  	_ =	sfence.sel $0x180000  }
0x19c: {  	[bflag:$0x0] =	sbarrier.arrive $0xFFFF  }
0x19d: {  	_ =	strace $0x9000004A  }
0x19e: {  	s0 =	stileid.u32;
	[bflag:$0x2] =	sbarrier.arrive $0xFFFF  }
0x19f: {  	p0 =	sne.s32 s0, $0x0;
	s0 =	rddreg [dreg:$0x3]  }
0x1a0: {  	s0 =	sadd.s32 @!p0 $0x100000, s0  }
0x1a1: {  	[sflag:s0] =	ssyncadd.tile.s32 @!p0 $0x1;
	_ =	shalt  }
.Lfunc_end2:
_tile_overlayer_lowered:
.L_overlay_start_2:
0x1a2: {  	(tag) =	ssettag $0x2  }
0x1a3: {  	s0 =	rddreg [dreg:$0x0];
	s2 =	stileid.u32  }
0x1a4: {  	s1 =	rddreg [dreg:$0x1];
	p0 =	sne.s32 s2, $0x0  }
0x1a5: {  	s3 =	rddreg [dreg:$0x2];
	[bflag:$0x3] =	sbarrier.arrive $0xFFFF;
	s2 =	simm.s32 @!p0 $0x1C09  }
0x1a6: {  	[timem:s3], [sflag:s2] =	dma.local @!p0 [hbm:s0], s1  }
0x1a7: {  	s0 =	simm.s32 @!p0 $0x9  }
0x1a8: {  	_ =	swait.ge @!p0 [sflag:s0], s1  }
0x1a9: {  	s1 =	ssub.s32 @!p0 $0x0, s1;
	[sflag:s0] =	ssyncset.done @!p0 $0x0  }
0x1aa: {  	[sflag:s0] =	ssyncadd.s32 @!p0 s1  }
0x1ab: {  	[bflag:$0x3] =	sbarrier.arrive $0xFFFF  }
0x1ac: {  	_ =	shalt  }

// kernel: kernel.8.cloned.1.call-start
scs
__scs_entry_jumppad:
0x0: {  	(pc) =	sbr.rel $0x88, $3  }
0x1: {  	(tag) =	ssettag $0x0;
	lr =	simm.s32 $0x1  }
0x2: {  	[smem:$0x3F99] =	sst lr;
	_ =	strace $0xD0000000  }
0x3: {  	_ = 	snop  }
0x4: {  	_ = 	snop  }
0x5: {  	_ = 	snop  }
0x6: {  	_ = 	snop  }
0x7: {  	_ = 	snop  }
__scs_overlays_trampoline_lowered:
0x8: {  	[smem:$0x3FA8] =	sst s0  }
0x9: {  	[smem:$0x3FA9] =	sst s1  }
0xa: {  	[smem:$0x3FAA] =	sst s2  }
0xb: {  	[smem:$0x3FAB] =	sst s3  }
0xc: {  	[smem:$0x3FAC] =	sst s4  }
0xd: {  	[smem:$0x3FAD] =	sst s5  }
0xe: {  	[smem:$0x3FAE] =	sst s6  }
0xf: {  	[smem:$0x3FAF] =	sst s7  }
0x10: {  	[smem:$0x3FB0] =	sst s8  }
0x11: {  	[smem:$0x3FB1] =	sst s9;
	s0 =	simm.s32 @!p0 $0x0  }
0x12: {  	s1 =	sld [smem:$0x3F97];
	s0 =	simm.s32 @p0 $0x1  }
0x13: {  	[smem:$0x3FB2] =	sst s0;
	s0 =	simm.s32 @!p1 $0x0  }
0x14: {  	s2 =	sld [smem:$0x3F96];
	s0 =	simm.s32 @p1 $0x1  }
0x15: {  	[smem:$0x3FB3] =	sst s0;
	s0 =	simm.s32 @!p2 $0x0  }
0x16: {  	s3 =	sld [smem:$0x3FDB];
	s0 =	simm.s32 @p2 $0x1  }
0x17: {  	s4 =	simm.s32 $0x1BF5;
	[smem:$0x3FB5] =	sst s0  }
0x18: {  	s0 =	sld [smem:$0x3F98];
	_ =	swait.ge [sflag:s4], $0x0  }
0x19: {  	s7 =	sld [smem:$0x3F99]  }
0x1a: {  	s8 =	sadd.s32 $0xFFFFE003, lr  }
0x1b: {  	s9 =	sadd.s32 $0xFFFFFEF7, lr;
	s5 =	simm.s32 $0xFFFFFFFF;
	p2 =	slt.u32 s8, $0xFFFFF086  }
0x1c: {  	p1 =	slt.u32 s9, $0xF7A;
	s5 =	simm.s32 @!p2 $0x0  }
0x1d: {  	s5 =	simm.s32 @p1 $0x1;
	p0 =	seq.s32 s7, s2  }
0x1e: {  	s7 =	smul.u32 @!p0 $0xF7A, s2;
	p2 =	seq.s32 @!p0 s5, $0x0  }
0x1f: {  	s9 =	smul.u32 $0xF7A, s1;
	s8 =	simm.s32 @!p0 $0x1BF5;
	p2 =	por !p2, p0  }
0x20: {  	[sflag:s8] =	ssyncset.s32 @!p0 $0xFFFFF086;
	s6 =	sadd.s32 @!p0 s3, s7;
	s7 =	simm.s32 @!p0 $0x108  }
0x21: {  	s3 =	sadd.s32 s3, s9;
	s6 =	sadd.s32 @!p0 $0x88, s6;
	s7 =	simm.s32 @p2 $0x1082  }
0x22: {  	[simem:s7], [sflag:s8] =	dma.local @!p0 [hbm:s6], $0xF7A  }
0x23: {  	s9 =	sor.u32 $0xD0000000, s2;
	s6 =	simm.s32 $0x108;
	_ =	swait.ge @!p0 [sflag:s8], $0x0  }
0x24: {  	s3 =	sadd.s32 $0x88, s3;
	s6 =	simm.s32 @!p1 $0x1082;
	[sflag:s4] =	ssyncset.s32 $0xFFFFF086  }
0x25: {  	[simem:s6], [sflag:s4] =	dma.local [hbm:s3], $0xF7A  }
0x26: {  	[smem:$0x3F99] =	sst s1;
	(tag) =	ssettag s2;
	_ =	strace s9  }
0x27: {  	s1 =	sld [smem:$0x3FA9]  }
0x28: {  	s2 =	sld [smem:$0x3FAA]  }
0x29: {  	s4 =	sld [smem:$0x3FAC]  }
0x2a: {  	p0 =	seq.s32 s5, $0x0;
	s5 =	sld [smem:$0x3FAD]  }
0x2b: {  	s6 =	sld [smem:$0x3FAE]  }
0x2c: {  	s7 =	sld [smem:$0x3FAF]  }
0x2d: {  	s3 =	simm.s32 $0x108;
	s8 =	sld [smem:$0x3FB0]  }
0x2e: {  	s3 =	simm.s32 @!p0 $0x1082;
	s9 =	sld [smem:$0x3FB1]  }
0x2f: {  	lr =	sadd.s32 s0, s3;
	s0 =	sld [smem:$0x3FA8]  }
0x30: {  	s3 =	sld [smem:$0x3FAB]  }
0x31: {  	[smem:$0x3FB4] =	sst s10  }
0x32: {  	s10 =	sld [smem:$0x3FB2];
	_ =	sdelay $0x3  }
0x33: {  	p0 =	seq.s32 s10, $0x1;
	s10 =	sld [smem:$0x3FB4];
	_ =	sdelay $0x3  }
0x34: {  	[smem:$0x3FB4] =	sst s10  }
0x35: {  	s10 =	sld [smem:$0x3FB3];
	_ =	sdelay $0x3  }
0x36: {  	p1 =	seq.s32 s10, $0x1;
	s10 =	sld [smem:$0x3FB4];
	_ =	sdelay $0x3  }
0x37: {  	[smem:$0x3FB4] =	sst s10  }
0x38: {  	s10 =	sld [smem:$0x3FB5]  }
0x39: {  	_ = 	snop;
	(pc) =	sbr.ind lr, $3  }
0x3a: {  	_ = 	snop  }
0x3b: {  	_ = 	snop  }
0x3c: {  	p2 =	seq.s32 s10, $0x1;
	s10 =	sld [smem:$0x3FB4]  }
0x3d: {  	_ =	shalt  }
0x3e: {  	_ =	shalt  }
0x3f: {  	_ =	shalt  }
0x40: {  	_ =	shalt  }
0x41: {  	_ =	shalt  }
0x42: {  	_ =	shalt  }
0x43: {  	_ =	shalt  }
0x44: {  	_ =	shalt  }
0x45: {  	_ =	shalt  }
0x46: {  	_ =	shalt  }
0x47: {  	_ =	shalt  }
0x48: {  	_ =	shalt  }
0x49: {  	_ =	shalt  }
0x4a: {  	_ =	shalt  }
0x4b: {  	_ =	shalt  }
0x4c: {  	_ =	shalt  }
0x4d: {  	_ =	shalt  }
0x4e: {  	_ =	shalt  }
0x4f: {  	_ =	shalt  }
0x50: {  	_ =	shalt  }
0x51: {  	_ =	shalt  }
0x52: {  	_ =	shalt  }
0x53: {  	_ =	shalt  }
0x54: {  	_ =	shalt  }
0x55: {  	_ =	shalt  }
0x56: {  	_ =	shalt  }
0x57: {  	_ =	shalt  }
0x58: {  	_ =	shalt  }
0x59: {  	_ =	shalt  }
0x5a: {  	_ =	shalt  }
0x5b: {  	_ =	shalt  }
0x5c: {  	_ =	shalt  }
0x5d: {  	_ =	shalt  }
0x5e: {  	_ =	shalt  }
0x5f: {  	_ =	shalt  }
0x60: {  	_ =	shalt  }
0x61: {  	_ =	shalt  }
0x62: {  	_ =	shalt  }
0x63: {  	_ =	shalt  }
0x64: {  	_ =	shalt  }
0x65: {  	_ =	shalt  }
0x66: {  	_ =	shalt  }
0x67: {  	_ =	shalt  }
0x68: {  	_ =	shalt  }
0x69: {  	_ =	shalt  }
0x6a: {  	_ =	shalt  }
0x6b: {  	_ =	shalt  }
0x6c: {  	_ =	shalt  }
0x6d: {  	_ =	shalt  }
0x6e: {  	_ =	shalt  }
0x6f: {  	_ =	shalt  }
0x70: {  	_ =	shalt  }
0x71: {  	_ =	shalt  }
0x72: {  	_ =	shalt  }
0x73: {  	_ =	shalt  }
0x74: {  	_ =	shalt  }
0x75: {  	_ =	shalt  }
0x76: {  	_ =	shalt  }
0x77: {  	_ =	shalt  }
0x78: {  	_ =	shalt  }
0x79: {  	_ =	shalt  }
0x7a: {  	_ =	shalt  }
0x7b: {  	_ =	shalt  }
0x7c: {  	_ =	shalt  }
0x7d: {  	_ =	shalt  }
0x7e: {  	_ =	shalt  }
0x7f: {  	_ =	shalt  }
0x80: {  	_ =	shalt  }
0x81: {  	_ =	shalt  }
0x82: {  	_ =	shalt  }
0x83: {  	_ =	shalt  }
0x84: {  	_ =	shalt  }
0x85: {  	_ =	shalt  }
0x86: {  	_ =	shalt  }
0x87: {  	_ =	shalt  }
.Lfunc_end0:
.L_simem_size_0:
called_computation_lowered:
.L_overlay_start_0:
0x88: {  	s2 =	sld [smem:$0x3FD9]  }
0x89: {  	s3 =	sld [smem:$0x3FFE];
	_ =	sdelay $0x1  }
0x8a: {  	s1 =	srdreg.scid  }
0x8b: {  	s0 =	sand.u32 $0x1, s1  }
0x8c: {  	s16 =	sshll.u32 s0, $0xA;
	s2 =	sadd.s32 s3, s2  }
0x8d: {  	s2 =	sadd.s32 s2, s16  }
0x8e: {  	[smem:$0x3FC0] =	sst s2  }
0x8f: {  	_ = 	snop  }
0x90: {  	(tm) =	ssettm $0x1  }
0x91: {  	s17 =	sld [smem:$0x3FFB];
	_ =	sdelay $0x3  }
0x92: {  	_ =	strace s17  }
0x93: {  	s2 =	sld [smem:$0x3FFC];
	_ =	sdelay $0x3  }
0x94: {  	_ =	strace s2  }
0x95: {  	s2 =	sld [smem:$0x3FFD];
	_ =	sdelay $0x3  }
0x96: {  	_ =	strace s2  }
0x97: {  	_ =	strace $0x8FFFFFFF  }
0x98: {  	s18 =	sld [smem:$0x3FDB];
	_ =	sdelay $0x1  }
0x99: {  	s19 =	simm.s32 $_scs_section_size  }
0x9a: {  	s4 =	simm.s32 $_size__tile_overlayer_lowered;
	s5 =	simm.s32 $_tile_overlayer_lowered  }
0x9b: {  	s22 =	simm.s32 $0x1BFF;
	s21 =	sshll.u32 s5, $0x1;
	s2 =	sadd.s32 s19, s18  }
0x9c: {  	s6 =	simm.s32 $0x0;
	s20 =	sshll.u32 s4, $0x1;
	s4 =	sadd.s32 s21, s2  }
0x9d: {  	[timem:s6], [sflag:s22] =	dma.local [hbm:s4], s20  }
0x9e: {  	_ =	swait.ge [sflag:s22], s20  }
0x9f: {  	s3 =	ssub.s32 $0x0, s20;
	[sflag:s22] =	ssyncset.done $0x0  }
0xa0: {  	[sflag:s22] =	ssyncadd.s32 s3;
	_ =	sdelay $0x1  }
0xa1: {  	s23 =	simm.s32 $0x1B8B  }
0xa2: {  	_ =	swait.ge [sflag:s23], $0x1  }
0xa3: {  	[sflag:s23] =	ssyncset.done $0x0  }
0xa4: {  	s25 =	simm.s32 $0x1B8E;
	s24 =	sld [smem:$0x3FFE];
	[sflag:s23] =	ssyncadd.s32 $0xFFFFFFFF  }
0xa5: {  	s26 =	simm.s32 $execute0_lowered;
	[smem:$0x3FD2] =	sst s25  }
0xa6: {  	s4 =	sshll.u32 s26, $0x1;
	_ =	strace $0x80000046;
	[dreg:$0x1] =	wrdreg $0xFFFFFFFF  }
0xa7: {  	s28 =	simm.s32 $_size_execute0_lowered;
	s2 =	sadd.s32 s2, s4;
	[dreg:$0x0] =	wrdreg $0x0  }
0xa8: {  	s4 =	sshll.u32 s28, $0x1;
	[dreg:$0x2] =	wrdreg s2  }
0xa9: {  	[dreg:$0x3] =	wrdreg s4  }
0xaa: {  	[dreg:$0x4] =	wrdreg $0xC0  }
0xab: {  	_ =	task [dreg:s6], $0x5FFFF  }
0xac: {  	[dreg:$0x1] =	wrdreg $0xFFFFFFFF  }
0xad: {  	[dreg:$0x0] =	wrdreg $0x60  }
0xae: {  	[dreg:$0x2] =	wrdreg s24  }
0xaf: {  	[dreg:$0x3] =	wrdreg $0x0  }
0xb0: {  	[dreg:$0x4] =	wrdreg $0x9  }
0xb1: {  	_ =	task.clear_ibuf [dreg:s6], $0x5FFFF;
	_ =	strace $0x90000046  }
0xb2: {  	s29 =	simm.s32 $0x9;
	_ =	strace $0x80000048  }
0xb3: {  	_ =	swait.ge [sflag:s29], $0x1  }
0xb4: {  	[sflag:s29] =	ssyncadd.s32 $0xFFFFFFFF  }
0xb5: {  	_ =	strace $0x90000048  }
0xb6: {  	_ =	sfence  }
0xb7: {  	s30 =	sld [smem:$0x0];
	_ =	sdelay $0x2  }
0xb8: {  	s31 =	sshll.u32 s1, $0xD;
	s1 =	sshrl.u32 s1, $0x2  }
0xb9: {  	s3 =	sand.u32 $0x4000, s31;
	s1 =	sadd.s32 s1, s30  }
0xba: {  	s0 =	sor.u32 s3, s0;
	s1 =	sshll.u32 s1, $0x11  }
0xbb: {  	s0 =	sor.u32 s1, s0  }
0xbc: {  	s0 =	sadd.s32 $0x8F2B, s0  }
0xbd: {  	[sflag:s0] =	ssyncadd.remote.s32 $0x1  }
0xbe: {  	_ =	sfence.sel $0xFFFF  }
0xbf: {  	[dreg:$0x0] =	wrdreg $0xFFFFFFFF;
	(pc) =	sbr.abs _section_cstart, $3  }
0xc0: {  	[dreg:$0x1] =	wrdreg $0xFFFFFFFF  }
0xc1: {  	_ =	task.clear_ibuf [dreg:s6], $0x2FFFF;
	_ =	strace $0x9FFFFFFF  }
0xc2: {  	(tm) =	ssettm $0x7FFFFFFF  }
0xc3: {  	_ =	shalt  }
tec
execute0_lowered:
.L_overlay_start_1:
0x0: {  	(tag) =	ssettag $0x1  }
0x1: {  	s0 =	rddreg [dreg:$0x0];
	s10 =	stileid.u32  }
0x2: {  	s2 =	rddreg [dreg:$0x1];
	s1 =	smul.u32 $0x2800, s10  }
0x3: {  	s4 =	srdreg.scid;
	s6 =	smul.u32 $0x13C00, s10  }
0x4: {  	s3 =	simm.s32 $0x0;
	s5 =	sand.u32 $0x1, s4;
	s10 =	smul.u32 $0x4F000, s10  }
0x5: {  	[smem:$0x7FF] =	sst s3;
	s20 =	sadd.s32 $0x5EA00, s0;
	s8 =	smul.u32 $0x13C000, s5  }
0x6: {  	s13 =	sadd.s32 $0x61200, s0;
	_ =	strace $0x80000047;
	s12 =	smul.u32 $0x28000, s5  }
0x7: {  	s26 =	ssub.s32 $0x2, s5;
	[dreg:$0x3] =	wrdreg s13;
	s5 =	smul.u32 $0x5000, s5  }
0x8: {  	[smem:$0x7FD] =	sst s20;
	s7 =	sshrl.u32 s1, $0x3;
	s13 =	sshrl.u32 s10, $0x2  }
0x9: {  	s11 =	sshrl.u32 s26, $0x1;
	s7 =	sadd.s32 s7, s0;
	s14 =	sadd.s32 s13, s2  }
0xa: {  	s11 =	ssub.s32 s26, s11;
	s7 =	sadd.s32 $0xB800, s7;
	[dreg:$0x5] =	wrdreg s14  }
0xb: {  	s5 =	sshrl.u32 s5, $0x2;
	s17 =	smax.u32 s11, $0x1;
	[dreg:$0x4] =	wrdreg s7  }
0xc: {  	s18 =	sadd.s32 $0x13C00, s5;
	[dreg:$0x8] =	wrdreg s17  }
0xd: {  	s19 =	sadd.s32 $0x13C80, s5;
	[dreg:$0x9] =	wrdreg s18  }
0xe: {  	s21 =	sadd.s32 $0x13D00, s5;
	[dreg:$0xa] =	wrdreg s19  }
0xf: {  	s23 =	sadd.s32 $0x13D80, s5;
	[dreg:$0xb] =	wrdreg s21  }
0x10: {  	s24 =	sadd.s32 $0x13E00, s5;
	[dreg:$0xc] =	wrdreg s23  }
0x11: {  	s25 =	sadd.s32 $0x13E80, s5;
	[dreg:$0xd] =	wrdreg s24  }
0x12: {  	s26 =	sadd.s32 $0x13F00, s5;
	[dreg:$0xe] =	wrdreg s25  }
0x13: {  	s11 =	sadd.s32 $0x13F80, s5;
	[dreg:$0xf] =	wrdreg s26  }
0x14: {  	s1 =	sadd.s32 s1, s12;
	s12 =	sor.u32 $0x14000, s5;
	[dreg:$0x14] =	wrdreg s11  }
0x15: {  	s9 =	sadd.s32 $0x1800, s0;
	s13 =	sor.u32 $0x14080, s5;
	[dreg:$0x15] =	wrdreg s12  }
0x16: {  	s15 =	sshrl.u32 s1, $0x3;
	s14 =	sor.u32 $0x14100, s5;
	[dreg:$0x16] =	wrdreg s13  }
0x17: {  	s10 =	sadd.s32 s9, s15;
	[dreg:$0x17] =	wrdreg s14;
	s15 =	sor.u32 $0x14180, s5  }
0x18: {  	s17 =	sor.u32 $0x14280, s5;
	[dreg:$0x18] =	wrdreg s15  }
0x19: {  	s18 =	sor.u32 $0x14300, s5;
	[dreg:$0x1a] =	wrdreg s17  }
0x1a: {  	s19 =	sor.u32 $0x14380, s5;
	[dreg:$0x1b] =	wrdreg s18  }
0x1b: {  	s21 =	sadd.s32 $0x14400, s5;
	[dreg:$0x1c] =	wrdreg s19  }
0x1c: {  	s23 =	sadd.s32 $0x14500, s5;
	[dreg:$0x1d] =	wrdreg s21  }
0x1d: {  	s24 =	sadd.s32 $0x14580, s5;
	[dreg:$0x1f] =	wrdreg s23  }
0x1e: {  	s25 =	sadd.s32 $0x14600, s5;
	[smem:$0x7E6] =	sst s24  }
0x1f: {  	s26 =	sadd.s32 $0x14680, s5;
	[smem:$0x7E7] =	sst s25  }
0x20: {  	s4 =	sadd.s32 $0x10800, s0;
	s11 =	sadd.s32 $0x14980, s5;
	[smem:$0x7E8] =	sst s26  }
0x21: {  	s6 =	sadd.s32 s6, s8;
	s12 =	sadd.s32 $0x14A00, s5;
	[smem:$0x7EE] =	sst s11  }
0x22: {  	s6 =	sshrl.u32 s6, $0x3;
	s13 =	sadd.s32 $0x14A80, s5;
	[smem:$0x7EF] =	sst s12  }
0x23: {  	s0 =	sadd.s32 s6, s0;
	s14 =	sadd.s32 $0x14B00, s5;
	[smem:$0x7F0] =	sst s13  }
0x24: {  	s28 =	simm.s32 $0x16580;
	s16 =	sadd.s32 $0x61A00, s0;
	[smem:$0x7F1] =	sst s14  }
0x25: {  	s29 =	simm.s32 $0x7;
	s0 =	sadd.s32 $0xB0A00, s0;
	[dreg:$0x6] =	wrdreg s16  }
0x26: {  	s30 =	simm.s32 $0x3;
	s15 =	sadd.s32 $0x14B80, s5;
	[dreg:$0x7] =	wrdreg s0  }
0x27: {  	s31 =	simm.s32 $0x6;
	s17 =	sadd.s32 $0x14C80, s5;
	[smem:$0x7F2] =	sst s15  }
0x28: {  	s22 =	sor.u32 $0x300, s1;
	s18 =	sadd.s32 $0x14D00, s5;
	[smem:$0x7F4] =	sst s17  }
0x29: {  	s6 =	sor.u32 $0x280, s1;
	s19 =	sadd.s32 $0x14D80, s5;
	[smem:$0x7F5] =	sst s18  }
0x2a: {  	s7 =	sor.u32 $0x200, s1;
	s21 =	sadd.s32 $0x14E00, s5;
	[smem:$0x7F6] =	sst s19  }
0x2b: {  	s1 =	sor.u32 $0x180, s1;
	s23 =	sadd.s32 $0x14F00, s5;
	[smem:$0x7F7] =	sst s21  }
0x2c: {  	s1 =	sshrl.u32 s1, $0x3;
	s24 =	sadd.s32 $0x14F80, s5;
	[smem:$0x7F9] =	sst s23  }
0x2d: {  	s25 =	sadd.s32 $0x20, s10;
	s26 =	sadd.s32 $0x4F0, s10;
	[smem:$0x7FA] =	sst s24  }
0x2e: {  	s13 =	simm.s32 $0x9;
	s14 =	simm.s32 $0x16400;
	[smem:$0x7FB] =	sst s25  }
0x2f: {  	s12 =	simm.s32 $0x0;
	s16 =	sor.u32 $0x14200, s5;
	[smem:$0x7FC] =	sst s26  }
0x30: {  	s0 =	sshrl.u32 s22, $0x3;
	s22 =	sadd.s32 $0x14480, s5;
	[dreg:$0x19] =	wrdreg s16  }
0x31: {  	s15 =	simm.s32 $0x16480;
	s0 =	sadd.s32 s0, s9;
	[dreg:$0x1e] =	wrdreg s22  }
0x32: {  	s17 =	simm.s32 $0x80;
	s16 =	sadd.s32 $0x14C00, s5;
	[dreg:$0x10] =	wrdreg s0  }
0x33: {  	s22 =	sadd.s32 $0x14E80, s5;
	s0 =	sshrl.u32 s6, $0x3;
	[smem:$0x7F3] =	sst s16  }
0x34: {  	s6 =	sshrl.u32 s7, $0x3;
	s7 =	sadd.s32 $0x14800, s5;
	[smem:$0x7F8] =	sst s22  }
0x35: {  	s18 =	simm.s32 $0x16600;
	s0 =	sadd.s32 s0, s9;
	[smem:$0x7EB] =	sst s7  }
0x36: {  	s19 =	simm.s32 $0x16500;
	s8 =	sadd.s32 s6, s9;
	[dreg:$0x11] =	wrdreg s0  }
0x37: {  	s24 =	simm.s32 $0x2;
	s9 =	sadd.s32 s1, s9;
	[dreg:$0x12] =	wrdreg s8  }
0x38: {  	s25 =	simm.s32 $0x1A600;
	s1 =	sadd.s32 $0x14700, s5;
	[dreg:$0x13] =	wrdreg s9  }
0x39: {  	s26 =	simm.s32 $0x5;
	s6 =	sadd.s32 $0x14780, s5;
	[smem:$0x7E9] =	sst s1  }
0x3a: {  	s16 =	simm.s32 $0x1;
	[smem:$0x7EA] =	sst s6;
	s8 =	sadd.s32 $0x14880, s5  }
0x3b: {  	s9 =	sadd.s32 $0x14900, s5;
	s0 =	simm.s32 $0x8;
	[smem:$0x7EC] =	sst s8  }
0x3c: {  	s1 =	simm.s32 $0x4;
	[smem:$0x7ED] =	sst s9;
	s9 =	sadd.s32 $0x10, s10  }
.LBB2_1:
0x3d: {  	s5 =	rddreg [dreg:$0x4];
	s11 =	simm.s32 $0x13C00  }
0x3e: {  	[tilespmem:s11], [sflag:$0x9] =	stream.linear.gather [hbm4b:s5+s3], $0x2800, $0x38;
	[tilespmem:$0x1E600] =	vst v63  }
0x3f: {  	s7 =	stileid.u32;
	_ =	swait.ge [sflag:s13], $0x2800  }
0x40: {  	s5 =	sshll.u32 s7, $0x6;
	[sflag:s13] =	ssyncset.done $0x0;
	s8 =	rddreg [dreg:$0x5]  }
0x41: {  	s6 =	sor.u32 $0x1C09, s5;
	[sflag:s13] =	ssyncadd.s32 $0xFFFFD800;
	s7 =	sshrl.u32 s8, $0x3  }
0x42: {  	[spmem:s7], [sflag:s6] =	dma.local [hbm:s20], $0x2780  }
0x43: {  	_ =	swait.ge [sflag:s13], $0x2780  }
0x44: {  	[sflag:s13] =	ssyncset.done $0x0  }
0x45: {  	[sflag:s13] =	ssyncadd.s32 $0xFFFFD880  }
0x46: {  	[bflag:$0x0] =	sbarrier.arrive $0xFFFF  }
0x47: {  	[tilespmem:s14], [sflag:$0x1] =	stream.linear.gather [hbm4b:s10+s3], $0x80, $0x38;
	[tilespmem:$0x1E600] =	vst v63  }
0x48: {  	_ = 	snop  }
0x49: {  	[tilespmem:s15], [sflag:$0x2] =	stream.linear.gather [hbm4b:s9+s3], $0x80, $0x38;
	[tilespmem:$0x1E600] =	vst v63  }
0x4a: {  	_ =	swait.ge [sflag:s16], $0x80  }
0x4b: {  	[sflag:s16] =	ssyncset.done $0x0  }
0x4c: {  	s8 =	smov.u32 s10;
	s10 =	sld [smem:$0x7FB];
	[sflag:s16] =	ssyncadd.s32 $0xFFFFFF80  }
0x4d: {  	[tilespmem:s18], [sflag:$0x5] =	stream.indirect.gather [hbm4b:s4+s17], $0x80, s14, s17, $0xb8;
	[tilespmem:$0x1E600] =	vst v63  }
0x4e: {  	_ = 	snop  }
0x4f: {  	[tilespmem:s19], [sflag:$0x3] =	stream.linear.gather [hbm4b:s10+s3], $0x80, $0x38;
	[tilespmem:$0x1E600] =	vst v63  }
0x50: {  	_ =	swait.ge [sflag:s24], $0x80  }
0x51: {  	[sflag:s24] =	ssyncset.done $0x0  }
0x52: {  	[sflag:s24] =	ssyncadd.s32 $0xFFFFFF80  }
0x53: {  	[tilespmem:s25], [sflag:$0x6] =	stream.indirect.gather [hbm4b:s4+s17], $0x80, s15, s17, $0xb8;
	[tilespmem:$0x1E600] =	vst v63  }
0x54: {  	_ =	swait.ge [sflag:s26], $0x4000  }
0x55: {  	[sflag:s26] =	ssyncset.done $0x0  }
0x56: {  	[sflag:s26] =	ssyncadd.s32 $0xFFFFC000  }
0x57: {  	[spmem:s2] =	stream.indirect.scatter.add.f32 [tilespmem:s18], [sflag:$0x7], $0x80, s11, s17, $0xb8;
	[tilespmem:$0x1E600] =	vst v63  }
0x58: {  	s20 =	rddreg [dreg:$0x13]  }
0x59: {  	[tilespmem:s28], [sflag:$0x4] =	stream.linear.gather [hbm4b:s20+s3], $0x80, $0x38;
	[tilespmem:$0x1E600] =	vst v63  }
0x5a: {  	_ =	swait.ge [sflag:s29], $0x4000  }
0x5b: {  	[sflag:s29] =	ssyncset.done $0x0  }
0x5c: {  	[sflag:s29] =	ssyncadd.s32 $0xFFFFC000  }
0x5d: {  	_ =	swait.ge [sflag:s30], $0x80  }
0x5e: {  	[sflag:s30] =	ssyncset.done $0x0  }
0x5f: {  	[sflag:s30] =	ssyncadd.s32 $0xFFFFFF80  }
0x60: {  	[tilespmem:s18], [sflag:$0x5] =	stream.indirect.gather [hbm4b:s4+s17], $0x80, s19, s17, $0xb8;
	[tilespmem:$0x1E600] =	vst v63  }
0x61: {  	_ =	swait.ge [sflag:s31], $0x4000  }
0x62: {  	[sflag:s31] =	ssyncset.done $0x0  }
0x63: {  	s21 =	simm.s32 $0x13C80;
	[sflag:s31] =	ssyncadd.s32 $0xFFFFC000  }
0x64: {  	[spmem:s2] =	stream.indirect.scatter.add.f32 [tilespmem:s25], [sflag:$0x8], $0x80, s21, s17, $0xb8;
	[tilespmem:$0x1E600] =	vst v63  }
0x65: {  	s21 =	rddreg [dreg:$0x12]  }
0x66: {  	[tilespmem:s14], [sflag:$0x1] =	stream.linear.gather [hbm4b:s21+s3], $0x80, $0x38;
	[tilespmem:$0x1E600] =	vst v63  }
0x67: {  	_ =	swait.ge [sflag:s0], $0x4000  }
0x68: {  	[sflag:s0] =	ssyncset.done $0x0  }
0x69: {  	[sflag:s0] =	ssyncadd.s32 $0xFFFFC000  }
0x6a: {  	_ =	swait.ge [sflag:s1], $0x80  }
0x6b: {  	[sflag:s1] =	ssyncset.done $0x0  }
0x6c: {  	[sflag:s1] =	ssyncadd.s32 $0xFFFFFF80  }
0x6d: {  	[tilespmem:s25], [sflag:$0x6] =	stream.indirect.gather [hbm4b:s4+s17], $0x80, s28, s17, $0xb8;
	[tilespmem:$0x1E600] =	vst v63  }
0x6e: {  	_ =	swait.ge [sflag:s26], $0x4000  }
0x6f: {  	[sflag:s26] =	ssyncset.done $0x0  }
0x70: {  	s22 =	simm.s32 $0x13D00;
	[sflag:s26] =	ssyncadd.s32 $0xFFFFC000  }
0x71: {  	[spmem:s2] =	stream.indirect.scatter.add.f32 [tilespmem:s18], [sflag:$0x7], $0x80, s22, s17, $0xb8;
	[tilespmem:$0x1E600] =	vst v63  }
0x72: {  	s23 =	smov.u32 s9;
	s9 =	rddreg [dreg:$0x11]  }
0x73: {  	[tilespmem:s15], [sflag:$0x2] =	stream.linear.gather [hbm4b:s9+s3], $0x80, $0x38;
	[tilespmem:$0x1E600] =	vst v63  }
0x74: {  	_ =	swait.ge [sflag:s29], $0x4000  }
0x75: {  	[sflag:s29] =	ssyncset.done $0x0  }
0x76: {  	[sflag:s29] =	ssyncadd.s32 $0xFFFFC000  }
0x77: {  	_ =	swait.ge [sflag:s16], $0x80  }
0x78: {  	[sflag:s16] =	ssyncset.done $0x0  }
0x79: {  	[sflag:s16] =	ssyncadd.s32 $0xFFFFFF80  }
0x7a: {  	[tilespmem:s18], [sflag:$0x5] =	stream.indirect.gather [hbm4b:s4+s17], $0x80, s14, s17, $0xb8;
	[tilespmem:$0x1E600] =	vst v63  }
0x7b: {  	_ =	swait.ge [sflag:s31], $0x4000  }
0x7c: {  	[sflag:s31] =	ssyncset.done $0x0  }
0x7d: {  	s10 =	simm.s32 $0x13D80;
	[sflag:s31] =	ssyncadd.s32 $0xFFFFC000  }
0x7e: {  	[spmem:s2] =	stream.indirect.scatter.add.f32 [tilespmem:s25], [sflag:$0x8], $0x80, s10, s17, $0xb8;
	[tilespmem:$0x1E600] =	vst v63  }
0x7f: {  	s22 =	rddreg [dreg:$0x10]  }
0x80: {  	[tilespmem:s19], [sflag:$0x3] =	stream.linear.gather [hbm4b:s22+s3], $0x80, $0x38;
	[tilespmem:$0x1E600] =	vst v63  }
0x81: {  	_ =	swait.ge [sflag:s0], $0x4000  }
0x82: {  	[sflag:s0] =	ssyncset.done $0x0  }
0x83: {  	[sflag:s0] =	ssyncadd.s32 $0xFFFFC000  }
0x84: {  	_ =	swait.ge [sflag:s24], $0x80  }
0x85: {  	[sflag:s24] =	ssyncset.done $0x0  }
0x86: {  	[sflag:s24] =	ssyncadd.s32 $0xFFFFFF80  }
0x87: {  	[tilespmem:s25], [sflag:$0x6] =	stream.indirect.gather [hbm4b:s4+s17], $0x80, s15, s17, $0xb8;
	[tilespmem:$0x1E600] =	vst v63  }
0x88: {  	s11 =	sadd.s32 $0x40, s20;
	s20 =	sadd.s32 $0x40, s21;
	_ =	swait.ge [sflag:s26], $0x4000  }
0x89: {  	s21 =	simm.s32 $0x13E00;
	s5 =	sadd.s32 $0x40, s9;
	[sflag:s26] =	ssyncset.done $0x0  }
0x8a: {  	s9 =	sadd.s32 $0x40, s22;
	s10 =	simm.s32 $0x800;
	[sflag:s26] =	ssyncadd.s32 $0xFFFFC000  }
.LBB2_2:
0x8b: {  	[spmem:s2] =	stream.indirect.scatter.add.f32 [tilespmem:s18], [sflag:$0x7], $0x80, s21, s17, $0xb8;
	[tilespmem:$0x1E600] =	vst v63  }
0x8c: {  	p0 =	sne.s32 s10, $0x9000;
	s21 =	smov.u32 s10;
	s10 =	sadd.s32 $0x800, s10  }
0x8d: {  	[tilespmem:s28], [sflag:$0x4] =	stream.linear.gather [hbm4b:s11+s3], $0x80, $0x38;
	[tilespmem:$0x1E600] =	vst v63  }
0x8e: {  	_ =	swait.ge [sflag:s29], $0x4000  }
0x8f: {  	[sflag:s29] =	ssyncset.done $0x0  }
0x90: {  	[sflag:s29] =	ssyncadd.s32 $0xFFFFC000  }
0x91: {  	_ =	swait.ge [sflag:s30], $0x80  }
0x92: {  	[sflag:s30] =	ssyncset.done $0x0  }
0x93: {  	[sflag:s30] =	ssyncadd.s32 $0xFFFFFF80  }
0x94: {  	[tilespmem:s18], [sflag:$0x5] =	stream.indirect.gather [hbm4b:s4+s17], $0x80, s19, s17, $0xb8;
	[tilespmem:$0x1E600] =	vst v63  }
0x95: {  	_ =	swait.ge [sflag:s31], $0x4000  }
0x96: {  	s21 =	sshra.s32 s21, $0x2;
	[sflag:s31] =	ssyncset.done $0x0  }
0x97: {  	s22 =	sadd.s32 $0x13C80, s21;
	[sflag:s31] =	ssyncadd.s32 $0xFFFFC000  }
0x98: {  	[spmem:s2] =	stream.indirect.scatter.add.f32 [tilespmem:s25], [sflag:$0x8], $0x80, s22, s17, $0xb8;
	[tilespmem:$0x1E600] =	vst v63  }
0x99: {  	_ = 	snop  }
0x9a: {  	[tilespmem:s14], [sflag:$0x1] =	stream.linear.gather [hbm4b:s20+s3], $0x80, $0x38;
	[tilespmem:$0x1E600] =	vst v63  }
0x9b: {  	_ =	swait.ge [sflag:s0], $0x4000  }
0x9c: {  	[sflag:s0] =	ssyncset.done $0x0  }
0x9d: {  	[sflag:s0] =	ssyncadd.s32 $0xFFFFC000  }
0x9e: {  	_ =	swait.ge [sflag:s1], $0x80  }
0x9f: {  	[sflag:s1] =	ssyncset.done $0x0  }
0xa0: {  	[sflag:s1] =	ssyncadd.s32 $0xFFFFFF80  }
0xa1: {  	[tilespmem:s25], [sflag:$0x6] =	stream.indirect.gather [hbm4b:s4+s17], $0x80, s28, s17, $0xb8;
	[tilespmem:$0x1E600] =	vst v63  }
0xa2: {  	_ =	swait.ge [sflag:s26], $0x4000  }
0xa3: {  	[sflag:s26] =	ssyncset.done $0x0  }
0xa4: {  	s22 =	sadd.s32 $0x13D00, s21;
	[sflag:s26] =	ssyncadd.s32 $0xFFFFC000  }
0xa5: {  	[spmem:s2] =	stream.indirect.scatter.add.f32 [tilespmem:s18], [sflag:$0x7], $0x80, s22, s17, $0xb8;
	[tilespmem:$0x1E600] =	vst v63  }
0xa6: {  	_ = 	snop  }
0xa7: {  	[tilespmem:s15], [sflag:$0x2] =	stream.linear.gather [hbm4b:s5+s3], $0x80, $0x38;
	[tilespmem:$0x1E600] =	vst v63  }
0xa8: {  	_ =	swait.ge [sflag:s29], $0x4000  }
0xa9: {  	[sflag:s29] =	ssyncset.done $0x0  }
0xaa: {  	[sflag:s29] =	ssyncadd.s32 $0xFFFFC000  }
0xab: {  	_ =	swait.ge [sflag:s16], $0x80  }
0xac: {  	[sflag:s16] =	ssyncset.done $0x0  }
0xad: {  	[sflag:s16] =	ssyncadd.s32 $0xFFFFFF80  }
0xae: {  	[tilespmem:s18], [sflag:$0x5] =	stream.indirect.gather [hbm4b:s4+s17], $0x80, s14, s17, $0xb8;
	[tilespmem:$0x1E600] =	vst v63  }
0xaf: {  	_ =	swait.ge [sflag:s31], $0x4000  }
0xb0: {  	[sflag:s31] =	ssyncset.done $0x0  }
0xb1: {  	s22 =	sadd.s32 $0x13D80, s21;
	[sflag:s31] =	ssyncadd.s32 $0xFFFFC000  }
0xb2: {  	[spmem:s2] =	stream.indirect.scatter.add.f32 [tilespmem:s25], [sflag:$0x8], $0x80, s22, s17, $0xb8;
	[tilespmem:$0x1E600] =	vst v63  }
0xb3: {  	_ = 	snop  }
0xb4: {  	[tilespmem:s19], [sflag:$0x3] =	stream.linear.gather [hbm4b:s9+s3], $0x80, $0x38;
	[tilespmem:$0x1E600] =	vst v63  }
0xb5: {  	_ =	swait.ge [sflag:s0], $0x4000  }
0xb6: {  	[sflag:s0] =	ssyncset.done $0x0  }
0xb7: {  	[sflag:s0] =	ssyncadd.s32 $0xFFFFC000  }
0xb8: {  	_ =	swait.ge [sflag:s24], $0x80  }
0xb9: {  	[sflag:s24] =	ssyncset.done $0x0  }
.Ltmp0:
0xba: {  	[sflag:s24] =	ssyncadd.s32 $0xFFFFFF80;
	(pc) =	sbr.rel @p0 .LBB2_2-.Ltmp0, $4  }
0xbb: {  	[tilespmem:s25], [sflag:$0x6] =	stream.indirect.gather [hbm4b:s4+s17], $0x80, s15, s17, $0xb8;
	[tilespmem:$0x1E600] =	vst v63  }
0xbc: {  	s11 =	sadd.s32 $0x40, s11;
	_ =	swait.ge [sflag:s26], $0x4000  }
0xbd: {  	s20 =	sadd.s32 $0x40, s20;
	s5 =	sadd.s32 $0x40, s5;
	[sflag:s26] =	ssyncset.done $0x0  }
0xbe: {  	s21 =	sadd.s32 $0x13E00, s21;
	s9 =	sadd.s32 $0x40, s9;
	[sflag:s26] =	ssyncadd.s32 $0xFFFFC000  }
0xbf: {  	s5 =	sld [smem:$0x7FC]  }
0xc0: {  	[spmem:s2] =	stream.indirect.scatter.add.f32 [tilespmem:s18], [sflag:$0x7], $0x80, s21, s17, $0xb8;
	[tilespmem:$0x1E600] =	vst v63  }
0xc1: {  	_ = 	snop  }
0xc2: {  	[tilespmem:s28], [sflag:$0x4] =	stream.linear.gather [hbm4b:s5+s3], $0x80, $0x38;
	[tilespmem:$0x1E600] =	vst v63  }
0xc3: {  	_ =	swait.ge [sflag:s29], $0x4000  }
0xc4: {  	[sflag:s29] =	ssyncset.done $0x0  }
0xc5: {  	[sflag:s29] =	ssyncadd.s32 $0xFFFFC000  }
0xc6: {  	_ =	swait.ge [sflag:s30], $0x80  }
0xc7: {  	[sflag:s30] =	ssyncset.done $0x0  }
0xc8: {  	[sflag:s30] =	ssyncadd.s32 $0xFFFFFF80  }
0xc9: {  	[tilespmem:s18], [sflag:$0x5] =	stream.indirect.gather [hbm4b:s4+s17], $0x80, s19, s17, $0xb8;
	[tilespmem:$0x1E600] =	vst v63  }
0xca: {  	_ =	swait.ge [sflag:s31], $0x4000  }
0xcb: {  	[sflag:s31] =	ssyncset.done $0x0  }
0xcc: {  	s11 =	simm.s32 $0x16280;
	[sflag:s31] =	ssyncadd.s32 $0xFFFFC000  }
0xcd: {  	[spmem:s2] =	stream.indirect.scatter.add.f32 [tilespmem:s25], [sflag:$0x8], $0x80, s11, s17, $0xb8;
	[tilespmem:$0x1E600] =	vst v63  }
0xce: {  	_ = 	snop  }
0xcf: {  	[tilespmem:s14], [sflag:$0x1] =	stream.linear.gather [hbm4b:s8+s3], $0x80, $0x38;
	[tilespmem:$0x1E600] =	vst v63  }
0xd0: {  	_ =	swait.ge [sflag:s0], $0x4000  }
0xd1: {  	[sflag:s0] =	ssyncset.done $0x0  }
0xd2: {  	[sflag:s0] =	ssyncadd.s32 $0xFFFFC000  }
0xd3: {  	_ =	swait.ge [sflag:s1], $0x80  }
0xd4: {  	[sflag:s1] =	ssyncset.done $0x0  }
0xd5: {  	[sflag:s1] =	ssyncadd.s32 $0xFFFFFF80  }
0xd6: {  	[tilespmem:s25], [sflag:$0x6] =	stream.indirect.gather [hbm4b:s4+s17], $0x80, s28, s17, $0xb8;
	[tilespmem:$0x1E600] =	vst v63  }
0xd7: {  	_ =	swait.ge [sflag:s26], $0x4000  }
0xd8: {  	[sflag:s26] =	ssyncset.done $0x0  }
0xd9: {  	s20 =	simm.s32 $0x16300;
	[sflag:s26] =	ssyncadd.s32 $0xFFFFC000  }
0xda: {  	[spmem:s2] =	stream.indirect.scatter.add.f32 [tilespmem:s18], [sflag:$0x7], $0x80, s20, s17, $0xb8;
	[tilespmem:$0x1E600] =	vst v63  }
0xdb: {  	_ = 	snop  }
0xdc: {  	[tilespmem:s15], [sflag:$0x2] =	stream.linear.gather [hbm4b:s23+s3], $0x80, $0x38;
	[tilespmem:$0x1E600] =	vst v63  }
0xdd: {  	_ =	swait.ge [sflag:s29], $0x4000  }
0xde: {  	[sflag:s29] =	ssyncset.done $0x0  }
0xdf: {  	[sflag:s29] =	ssyncadd.s32 $0xFFFFC000  }
0xe0: {  	_ =	swait.ge [sflag:s16], $0x80  }
0xe1: {  	[sflag:s16] =	ssyncset.done $0x0  }
0xe2: {  	[sflag:s16] =	ssyncadd.s32 $0xFFFFFF80  }
0xe3: {  	[tilespmem:s18], [sflag:$0x5] =	stream.indirect.gather [hbm4b:s4+s17], $0x80, s14, s17, $0xb8;
	[tilespmem:$0x1E600] =	vst v63  }
0xe4: {  	_ =	swait.ge [sflag:s31], $0x4000  }
0xe5: {  	[sflag:s31] =	ssyncset.done $0x0  }
0xe6: {  	s21 =	simm.s32 $0x16380;
	[sflag:s31] =	ssyncadd.s32 $0xFFFFC000  }
0xe7: {  	[spmem:s2] =	stream.indirect.scatter.add.f32 [tilespmem:s25], [sflag:$0x8], $0x80, s21, s17, $0xb8;
	[tilespmem:$0x1E600] =	vst v63  }
0xe8: {  	_ =	swait.ge [sflag:s0], $0x4000  }
0xe9: {  	[sflag:s0] =	ssyncset.done $0x0  }
0xea: {  	[sflag:s0] =	ssyncadd.s32 $0xFFFFC000  }
0xeb: {  	_ =	swait.ge [sflag:s24], $0x80  }
0xec: {  	[sflag:s24] =	ssyncset.done $0x0  }
0xed: {  	[sflag:s24] =	ssyncadd.s32 $0xFFFFFF80  }
0xee: {  	_ =	swait.ge [sflag:s26], $0x4000  }
0xef: {  	[sflag:s26] =	ssyncset.done $0x0  }
0xf0: {  	[sflag:s26] =	ssyncadd.s32 $0xFFFFC000  }
0xf1: {  	[bflag:$0x0] =	sbarrier.arrive $0xFFFF  }
0xf2: {  	s22 =	rddreg [dreg:$0x6]  }
0xf3: {  	[hbm:s22], [sflag:s6] =	dma.local [spmem:s7], $0x2780  }
0xf4: {  	_ =	swait.ge [sflag:s13], $0x2780  }
0xf5: {  	[sflag:s13] =	ssyncset.done $0x0  }
0xf6: {  	[sflag:s13] =	ssyncadd.s32 $0xFFFFD880  }
0xf7: {  	[bflag:$0x0] =	sbarrier.arrive $0xFFFF  }
0xf8: {  	s20 =	sld [smem:$0x7FD];
	_ =	sdelay $0x2  }
0xf9: {  	[spmem:s7], [sflag:s6] =	dma.local [hbm:s20], $0x2780  }
0xfa: {  	_ =	swait.ge [sflag:s13], $0x2780  }
0xfb: {  	[sflag:s13] =	ssyncset.done $0x0  }
0xfc: {  	s9 =	smov.u32 s23;
	s23 =	rddreg [dreg:$0x3];
	[sflag:s13] =	ssyncadd.s32 $0xFFFFD880  }
0xfd: {  	[tilespmem:s18], [sflag:$0x9] =	stream.linear.gather [hbm4b:s23+s3], $0x4000, $0x38;
	[tilespmem:$0x1E600] =	vst v63  }
0xfe: {  	_ =	swait.ge [sflag:s13], $0x4000  }
0xff: {  	[sflag:s13] =	ssyncset.done $0x0  }
0x100: {  	[sflag:s13] =	ssyncadd.s32 $0xFFFFC000  }
0x101: {  	[bflag:$0x0] =	sbarrier.arrive $0xFFFF  }
0x102: {  	s10 =	smov.u32 s8;
	s8 =	rddreg [dreg:$0x9]  }
0x103: {  	s11 =	rddreg [dreg:$0xa]  }
0x104: {  	[spmem:s2] =	stream.indirect.scatter.add.f32 [tilespmem:s18], [sflag:$0x7], $0x80, s8, s17, $0xb8;
	[tilespmem:$0x1E600] =	vst v63  }
0x105: {  	s21 =	rddreg [dreg:$0xb]  }
0x106: {  	[spmem:s2] =	stream.indirect.scatter.add.f32 [tilespmem:s18], [sflag:$0x7], $0x80, s11, s17, $0xb8;
	[tilespmem:$0x1E600] =	vst v63  }
0x107: {  	s22 =	rddreg [dreg:$0xc]  }
0x108: {  	[spmem:s2] =	stream.indirect.scatter.add.f32 [tilespmem:s18], [sflag:$0x7], $0x80, s21, s17, $0xb8;
	[tilespmem:$0x1E600] =	vst v63  }
0x109: {  	s23 =	rddreg [dreg:$0xd]  }
0x10a: {  	[spmem:s2] =	stream.indirect.scatter.add.f32 [tilespmem:s18], [sflag:$0x7], $0x80, s22, s17, $0xb8;
	[tilespmem:$0x1E600] =	vst v63  }
0x10b: {  	s8 =	rddreg [dreg:$0xe]  }
0x10c: {  	[spmem:s2] =	stream.indirect.scatter.add.f32 [tilespmem:s18], [sflag:$0x7], $0x80, s23, s17, $0xb8;
	[tilespmem:$0x1E600] =	vst v63  }
0x10d: {  	s11 =	rddreg [dreg:$0xf]  }
0x10e: {  	[spmem:s2] =	stream.indirect.scatter.add.f32 [tilespmem:s18], [sflag:$0x7], $0x80, s8, s17, $0xb8;
	[tilespmem:$0x1E600] =	vst v63  }
0x10f: {  	s21 =	rddreg [dreg:$0x14]  }
0x110: {  	[spmem:s2] =	stream.indirect.scatter.add.f32 [tilespmem:s18], [sflag:$0x7], $0x80, s11, s17, $0xb8;
	[tilespmem:$0x1E600] =	vst v63  }
0x111: {  	s22 =	rddreg [dreg:$0x15]  }
0x112: {  	[spmem:s2] =	stream.indirect.scatter.add.f32 [tilespmem:s18], [sflag:$0x7], $0x80, s21, s17, $0xb8;
	[tilespmem:$0x1E600] =	vst v63  }
0x113: {  	s23 =	rddreg [dreg:$0x16]  }
0x114: {  	[spmem:s2] =	stream.indirect.scatter.add.f32 [tilespmem:s18], [sflag:$0x7], $0x80, s22, s17, $0xb8;
	[tilespmem:$0x1E600] =	vst v63  }
0x115: {  	s8 =	rddreg [dreg:$0x17]  }
0x116: {  	[spmem:s2] =	stream.indirect.scatter.add.f32 [tilespmem:s18], [sflag:$0x7], $0x80, s23, s17, $0xb8;
	[tilespmem:$0x1E600] =	vst v63  }
0x117: {  	s11 =	rddreg [dreg:$0x18]  }
0x118: {  	[spmem:s2] =	stream.indirect.scatter.add.f32 [tilespmem:s18], [sflag:$0x7], $0x80, s8, s17, $0xb8;
	[tilespmem:$0x1E600] =	vst v63  }
0x119: {  	s21 =	rddreg [dreg:$0x19]  }
0x11a: {  	[spmem:s2] =	stream.indirect.scatter.add.f32 [tilespmem:s18], [sflag:$0x7], $0x80, s11, s17, $0xb8;
	[tilespmem:$0x1E600] =	vst v63  }
0x11b: {  	s22 =	rddreg [dreg:$0x1a]  }
0x11c: {  	[spmem:s2] =	stream.indirect.scatter.add.f32 [tilespmem:s18], [sflag:$0x7], $0x80, s21, s17, $0xb8;
	[tilespmem:$0x1E600] =	vst v63  }
0x11d: {  	s23 =	rddreg [dreg:$0x1b]  }
0x11e: {  	[spmem:s2] =	stream.indirect.scatter.add.f32 [tilespmem:s18], [sflag:$0x7], $0x80, s22, s17, $0xb8;
	[tilespmem:$0x1E600] =	vst v63  }
0x11f: {  	s8 =	rddreg [dreg:$0x1c]  }
0x120: {  	[spmem:s2] =	stream.indirect.scatter.add.f32 [tilespmem:s18], [sflag:$0x7], $0x80, s23, s17, $0xb8;
	[tilespmem:$0x1E600] =	vst v63  }
0x121: {  	s11 =	rddreg [dreg:$0x1d]  }
0x122: {  	[spmem:s2] =	stream.indirect.scatter.add.f32 [tilespmem:s18], [sflag:$0x7], $0x80, s8, s17, $0xb8;
	[tilespmem:$0x1E600] =	vst v63  }
0x123: {  	s21 =	rddreg [dreg:$0x1e]  }
0x124: {  	[spmem:s2] =	stream.indirect.scatter.add.f32 [tilespmem:s18], [sflag:$0x7], $0x80, s11, s17, $0xb8;
	[tilespmem:$0x1E600] =	vst v63  }
0x125: {  	s22 =	rddreg [dreg:$0x1f]  }
0x126: {  	[spmem:s2] =	stream.indirect.scatter.add.f32 [tilespmem:s18], [sflag:$0x7], $0x80, s21, s17, $0xb8;
	[tilespmem:$0x1E600] =	vst v63  }
0x127: {  	s23 =	sld [smem:$0x7E6]  }
0x128: {  	[spmem:s2] =	stream.indirect.scatter.add.f32 [tilespmem:s18], [sflag:$0x7], $0x80, s22, s17, $0xb8;
	[tilespmem:$0x1E600] =	vst v63  }
0x129: {  	s8 =	sld [smem:$0x7E7]  }
0x12a: {  	[spmem:s2] =	stream.indirect.scatter.add.f32 [tilespmem:s18], [sflag:$0x7], $0x80, s23, s17, $0xb8;
	[tilespmem:$0x1E600] =	vst v63  }
0x12b: {  	s11 =	sld [smem:$0x7E8]  }
0x12c: {  	[spmem:s2] =	stream.indirect.scatter.add.f32 [tilespmem:s18], [sflag:$0x7], $0x80, s8, s17, $0xb8;
	[tilespmem:$0x1E600] =	vst v63  }
0x12d: {  	s21 =	sld [smem:$0x7E9]  }
0x12e: {  	[spmem:s2] =	stream.indirect.scatter.add.f32 [tilespmem:s18], [sflag:$0x7], $0x80, s11, s17, $0xb8;
	[tilespmem:$0x1E600] =	vst v63  }
0x12f: {  	s22 =	sld [smem:$0x7EA]  }
0x130: {  	[spmem:s2] =	stream.indirect.scatter.add.f32 [tilespmem:s18], [sflag:$0x7], $0x80, s21, s17, $0xb8;
	[tilespmem:$0x1E600] =	vst v63  }
0x131: {  	s23 =	sld [smem:$0x7EB]  }
0x132: {  	[spmem:s2] =	stream.indirect.scatter.add.f32 [tilespmem:s18], [sflag:$0x7], $0x80, s22, s17, $0xb8;
	[tilespmem:$0x1E600] =	vst v63  }
0x133: {  	s8 =	sld [smem:$0x7EC]  }
0x134: {  	[spmem:s2] =	stream.indirect.scatter.add.f32 [tilespmem:s18], [sflag:$0x7], $0x80, s23, s17, $0xb8;
	[tilespmem:$0x1E600] =	vst v63  }
0x135: {  	s11 =	sld [smem:$0x7ED]  }
0x136: {  	[spmem:s2] =	stream.indirect.scatter.add.f32 [tilespmem:s18], [sflag:$0x7], $0x80, s8, s17, $0xb8;
	[tilespmem:$0x1E600] =	vst v63  }
0x137: {  	s21 =	sld [smem:$0x7EE]  }
0x138: {  	[spmem:s2] =	stream.indirect.scatter.add.f32 [tilespmem:s18], [sflag:$0x7], $0x80, s11, s17, $0xb8;
	[tilespmem:$0x1E600] =	vst v63  }
0x139: {  	s22 =	sld [smem:$0x7EF]  }
0x13a: {  	[spmem:s2] =	stream.indirect.scatter.add.f32 [tilespmem:s18], [sflag:$0x7], $0x80, s21, s17, $0xb8;
	[tilespmem:$0x1E600] =	vst v63  }
0x13b: {  	s23 =	sld [smem:$0x7F0]  }
0x13c: {  	[spmem:s2] =	stream.indirect.scatter.add.f32 [tilespmem:s18], [sflag:$0x7], $0x80, s22, s17, $0xb8;
	[tilespmem:$0x1E600] =	vst v63  }
0x13d: {  	s8 =	sld [smem:$0x7F1]  }
0x13e: {  	[spmem:s2] =	stream.indirect.scatter.add.f32 [tilespmem:s18], [sflag:$0x7], $0x80, s23, s17, $0xb8;
	[tilespmem:$0x1E600] =	vst v63  }
0x13f: {  	s11 =	sld [smem:$0x7F2]  }
0x140: {  	[spmem:s2] =	stream.indirect.scatter.add.f32 [tilespmem:s18], [sflag:$0x7], $0x80, s8, s17, $0xb8;
	[tilespmem:$0x1E600] =	vst v63  }
0x141: {  	s21 =	sld [smem:$0x7F3]  }
0x142: {  	[spmem:s2] =	stream.indirect.scatter.add.f32 [tilespmem:s18], [sflag:$0x7], $0x80, s11, s17, $0xb8;
	[tilespmem:$0x1E600] =	vst v63  }
0x143: {  	s22 =	sld [smem:$0x7F4]  }
0x144: {  	[spmem:s2] =	stream.indirect.scatter.add.f32 [tilespmem:s18], [sflag:$0x7], $0x80, s21, s17, $0xb8;
	[tilespmem:$0x1E600] =	vst v63  }
0x145: {  	s23 =	sld [smem:$0x7F5]  }
0x146: {  	[spmem:s2] =	stream.indirect.scatter.add.f32 [tilespmem:s18], [sflag:$0x7], $0x80, s22, s17, $0xb8;
	[tilespmem:$0x1E600] =	vst v63  }
0x147: {  	s8 =	sld [smem:$0x7F6]  }
0x148: {  	[spmem:s2] =	stream.indirect.scatter.add.f32 [tilespmem:s18], [sflag:$0x7], $0x80, s23, s17, $0xb8;
	[tilespmem:$0x1E600] =	vst v63  }
0x149: {  	s11 =	sld [smem:$0x7F7]  }
0x14a: {  	[spmem:s2] =	stream.indirect.scatter.add.f32 [tilespmem:s18], [sflag:$0x7], $0x80, s8, s17, $0xb8;
	[tilespmem:$0x1E600] =	vst v63  }
0x14b: {  	s21 =	sld [smem:$0x7F8]  }
0x14c: {  	[spmem:s2] =	stream.indirect.scatter.add.f32 [tilespmem:s18], [sflag:$0x7], $0x80, s11, s17, $0xb8;
	[tilespmem:$0x1E600] =	vst v63  }
0x14d: {  	s22 =	sld [smem:$0x7F9]  }
0x14e: {  	[spmem:s2] =	stream.indirect.scatter.add.f32 [tilespmem:s18], [sflag:$0x7], $0x80, s21, s17, $0xb8;
	[tilespmem:$0x1E600] =	vst v63  }
0x14f: {  	s23 =	sld [smem:$0x7FA]  }
0x150: {  	[spmem:s2] =	stream.indirect.scatter.add.f32 [tilespmem:s18], [sflag:$0x7], $0x80, s22, s17, $0xb8;
	[tilespmem:$0x1E600] =	vst v63  }
0x151: {  	_ = 	snop  }
0x152: {  	[spmem:s2] =	stream.indirect.scatter.add.f32 [tilespmem:s18], [sflag:$0x7], $0x80, s23, s17, $0xb8;
	[tilespmem:$0x1E600] =	vst v63  }
0x153: {  	_ =	swait.ge [sflag:s29], $0x4000  }
0x154: {  	s5 =	simm.s32 $0x27;
	[sflag:s29] =	ssyncset.done $0x0  }
.LBB2_4:
0x155: {  	p0 =	sne.s32 s5, $0x1;
	s5 =	sadd.s32 $0xFFFFFFFF, s5;
	[sflag:s29] =	ssyncadd.s32 $0xFFFFC000  }
.Ltmp1:
0x156: {  	(pc) =	sbr.rel @p0 .LBB2_4-.Ltmp1, $3  }
0x157: {  	_ =	sdelay $0x1  }
0x158: {  	_ =	swait.ge [sflag:s29], $0x4000  }
0x159: {  	[sflag:s29] =	ssyncset.done $0x0  }
0x15a: {  	[sflag:s29] =	ssyncadd.s32 $0xFFFFC000  }
0x15b: {  	[bflag:$0x0] =	sbarrier.arrive $0xFFFF  }
0x15c: {  	s5 =	rddreg [dreg:$0x7]  }
0x15d: {  	[hbm:s5], [sflag:s6] =	dma.local [spmem:s7], $0x2780  }
0x15e: {  	_ =	swait.ge [sflag:s13], $0x2780  }
0x15f: {  	s12 =	sadd.s32 $0x1, s12;
	s23 =	rddreg [dreg:$0x8]  }
0x160: {  	p0 =	sne.s32 s12, s23  }
.Ltmp2:
0x161: {  	_ = 	snop;
	(pc) =	sbr.rel @p0 .LBB2_1-.Ltmp2, $3  }
0x162: {  	_ =	sdelay $0x1  }
0x163: {  	[sflag:s13] =	ssyncset.done $0x0  }
0x164: {  	[sflag:s13] =	ssyncadd.s32 $0xFFFFD880  }
0x165: {  	_ =	sfence.sel $0x180000  }
0x166: {  	[bflag:$0x0] =	sbarrier.arrive $0xFFFF  }
0x167: {  	_ =	strace $0x90000047  }
0x168: {  	s0 =	stileid.u32;
	[bflag:$0x2] =	sbarrier.arrive $0xFFFF  }
0x169: {  	p0 =	sne.s32 s0, $0x0;
	s0 =	rddreg [dreg:$0x2]  }
0x16a: {  	s0 =	sadd.s32 @!p0 $0x100000, s0  }
0x16b: {  	[sflag:s0] =	ssyncadd.tile.s32 @!p0 $0x1;
	_ =	shalt  }
.Lfunc_end2:
_tile_overlayer_lowered:
.L_overlay_start_2:
0x16c: {  	(tag) =	ssettag $0x2  }
0x16d: {  	s0 =	rddreg [dreg:$0x0];
	s2 =	stileid.u32  }
0x16e: {  	s1 =	rddreg [dreg:$0x1];
	p0 =	sne.s32 s2, $0x0  }
0x16f: {  	s3 =	rddreg [dreg:$0x2];
	[bflag:$0x3] =	sbarrier.arrive $0xFFFF;
	s2 =	simm.s32 @!p0 $0x1C09  }
0x170: {  	[timem:s3], [sflag:s2] =	dma.local @!p0 [hbm:s0], s1  }
0x171: {  	s0 =	simm.s32 @!p0 $0x9  }
0x172: {  	_ =	swait.ge @!p0 [sflag:s0], s1  }
0x173: {  	s1 =	ssub.s32 @!p0 $0x0, s1;
	[sflag:s0] =	ssyncset.done @!p0 $0x0  }
0x174: {  	[sflag:s0] =	ssyncadd.s32 @!p0 s1  }
0x175: {  	[bflag:$0x3] =	sbarrier.arrive $0xFFFF  }
0x176: {  	_ =	shalt  }

</sc_bundles>
